<compile_context>
chip_gen: v7x
topology: tpu7x:2x2x1
jax: 0.10.2.dev20260603
libtpu: 0.0.44.dev20260713+nightly
codegen_flags: <defaults>
</compile_context>

<pallas_src>
import functools

import jax
import jax.numpy as jnp
from jax import lax
from jax.experimental import pallas as pl
from jax.experimental.pallas import tpu as pltpu
from jax.experimental.pallas import tpu_sc as plsc

_N = 65536
_D = 32
_K = 8192
_CH = 512
_NCH = 16
_TOP = 4
_TM = 512
_BETA = 0.25

_NW = 32
_TPW = _N // _NW


_DA = _D + 1 + _NCH


def _search_body(za_ref, ca_ref, idx_out, loss_out):
    pid = pl.program_id(0)

    @pl.when(pid == 0)
    def _():
        loss_out[...] = jnp.zeros((1, 1), jnp.float32)

    za = za_ref[...]
    d = lax.dot_general(za, ca_ref[...], (((1,), (1,)), ((), ())),
                        precision=lax.Precision.HIGHEST,
                        preferred_element_type=jnp.float32)
    ld = jnp.min(d, axis=1, keepdims=True)
    lane = lax.broadcasted_iota(jnp.int32, (_TM, _K), 1)
    li = jnp.min(jnp.where(d == ld, lane, jnp.int32(2**30)),
                 axis=1, keepdims=True)
    idx_out[...] = li
    zsq = za[:, :_D]
    zz = jnp.sum(zsq * zsq, axis=1, keepdims=True) * 0.25
    loss_out[...] = loss_out[...] + jnp.sum(zz + ld)


def _run_search(z_aug, cb_aug):
    grid = (_N // _TM,)
    return pl.pallas_call(
        _search_body,
        grid=grid,
        in_specs=[
            pl.BlockSpec((_TM, _DA), lambda i: (i, 0)),
            pl.BlockSpec((_K, _DA), lambda i: (0, 0)),
        ],
        out_specs=[
            pl.BlockSpec((_TM, 1), lambda i: (i, 0)),
            pl.BlockSpec((1, 1), lambda i: (0, 0)),
        ],
        out_shape=[
            jax.ShapeDtypeStruct((_N, 1), jnp.int32),
            jax.ShapeDtypeStruct((1, 1), jnp.float32),
        ],
    )(z_aug, cb_aug)


def _gather_hist_body(cb_hbm, idx_hbm, zq_hbm, cnt_hbm,
                      idx_v, rows_v, hist2_v, hist_v, tmp_v, acc_v,
                      shared_h, sem):
    c = lax.axis_index("c")
    s = lax.axis_index("s")
    wid = s * 2 + c
    pltpu.sync_copy(idx_hbm.at[pl.ds(wid * 16, 16)], idx_v)

    for p in range(2):
        copies = [
            pltpu.async_copy(cb_hbm.at[idx_v.at[p * 8 + j]],
                             rows_v.at[pl.ds(j * 128, 128)], sem)
            for j in range(8)
        ]
        for cp in copies:
            cp.wait()
        pltpu.sync_copy(rows_v,
                        zq_hbm.at[pl.ds(wid * _TPW + p * 1024, 1024)])

    lanes = lax.iota(jnp.int32, 16)
    ones = jnp.ones((16,), jnp.float32)
    hb = _K // 2
    for p in range(2):
        def h2z(i, _):
            sl = pl.ds(i * 16, 16)
            for j in range(16):
                hist2_v[j, sl] = jnp.zeros((16,), jnp.float32)
            return 0
        lax.fori_loop(0, hb // 16, h2z, 0)

        lo = p * hb

        def hrow(j, _):
            def hvec(k, _):
                v = idx_v[j, pl.ds(k * 16, 16)]
                m = (v >= lo) & (v < lo + hb)
                plsc.addupdate_scatter(hist2_v, [lanes, v - lo], ones, mask=m)
                return 0
            lax.fori_loop(0, 8, hvec, 0)
            return 0
        lax.fori_loop(0, 16, hrow, 0)

        def hred(i, _):
            sl = pl.ds(i * 16, 16)
            acc = hist2_v[0, sl]
            for j in range(1, 16):
                acc = acc + hist2_v[j, sl]
            hist_v[pl.ds(lo + i * 16, 16)] = acc
            return 0
        lax.fori_loop(0, hb // 16, hred, 0)

    pltpu.sync_copy(hist_v, shared_h.at[s])
    plsc.subcore_barrier()
    seg = _K // 16

    def az(i, _):
        acc_v[pl.ds(i * 16, 16)] = jnp.zeros((16,), jnp.float32)
        return 0
    lax.fori_loop(0, seg // 16, az, 0)
    for j in range(16):
        pltpu.sync_copy(shared_h.at[j, pl.ds(s * seg, seg)], tmp_v)

        def aadd(i, _):
            sl = pl.ds(i * 16, 16)
            acc_v[sl] += tmp_v[sl]
            return 0
        lax.fori_loop(0, seg // 16, aadd, 0)
    pltpu.sync_copy(acc_v, cnt_hbm.at[c, pl.ds(s * seg, seg)])


def _run_gather_hist(cb, idx_rows):
    mesh = plsc.VectorSubcoreMesh(core_axis_name="c", subcore_axis_name="s")
    fn = functools.partial(
        pl.kernel,
        out_type=(
            jax.ShapeDtypeStruct((_N, _D), jnp.float32),
            jax.ShapeDtypeStruct((2, _K), jnp.float32),
        ),
        mesh=mesh,
        scratch_types=[
            pltpu.VMEM((16, 128), jnp.int32),
            pltpu.VMEM((_TPW // 2, _D), jnp.float32),
            pltpu.VMEM((16, _K // 2), jnp.float32),
            pltpu.VMEM((_K,), jnp.float32),
            pltpu.VMEM((_K // 16,), jnp.float32),
            pltpu.VMEM((_K // 16,), jnp.float32),
            pltpu.VMEM_SHARED((16, _K), jnp.float32),
            pltpu.SemaphoreType.DMA,
        ],
        compiler_params=pltpu.CompilerParams(needs_layout_passes=False,
                                             use_tc_tiling_on_sc=False),
    )(_gather_hist_body)
    return fn(cb, idx_rows)


def _finalize_body(cnt2_ref, loss_ref, commit_out, perp_out, usage_out):
    cnt = cnt2_ref[0, :] + cnt2_ref[1, :]
    total = jnp.maximum(jnp.sum(cnt), 1.0)
    avg = cnt / total
    safe = jnp.where(avg > 0, avg, 1.0)
    perp = jnp.exp(-jnp.sum(avg * jnp.log(safe + 1e-10)))
    usage = jnp.mean((cnt > 0).astype(jnp.float32))
    m = loss_ref[...][0, 0] / jnp.float32(_N * _D)
    commit_out[...] = jnp.full((1, 1), _BETA * m + m, jnp.float32)
    perp_out[...] = jnp.full((1, 1), perp, jnp.float32)
    usage_out[...] = jnp.full((1, 1), usage, jnp.float32)


def _run_finalize(cnt2, losssum):
    return pl.pallas_call(
        _finalize_body,
        out_shape=[jax.ShapeDtypeStruct((1, 1), jnp.float32)] * 3,
    )(cnt2, losssum)


def _route_topk(z_flat, cb):
    chunked = cb.reshape(_NCH, _CH, _D)
    chunk_sizes = jnp.full((_NCH,), _CH, dtype=jnp.int32)
    chunk_sums = jnp.sum(chunked, axis=1)
    chunk_counts = chunk_sizes.astype(jnp.float32)[:, None]
    chunk_means = chunk_sums / jnp.maximum(chunk_counts, 1.0)

    batch = 2048
    out = jnp.zeros((_N, _NCH), dtype=jnp.float32)

    def body(out_arr, i):
        start = i * batch
        z_chunk = lax.dynamic_slice(z_flat, (start, 0), (batch, _D))
        d_chunk = jnp.sum((z_chunk[:, None, :] - chunk_means[None, :, :]) ** 2,
                          axis=2)
        return lax.dynamic_update_slice(out_arr, d_chunk, (start, 0)), None

    d_all, _ = lax.scan(body, out, jnp.arange(_N // batch))

    cols = []
    d_cur = d_all
    iota16 = jnp.arange(_NCH, dtype=jnp.int32)[None, :]
    for _ in range(_TOP):
        i_j = jnp.argmin(d_cur, axis=1).astype(jnp.int32)
        cols.append(i_j)
        d_cur = jnp.where(iota16 == i_j[:, None], jnp.inf, d_cur)
    return jnp.stack(cols, axis=1)


def kernel(z, codebook, W, proj_bias):
    Bz, Tz, C = z.shape
    z_flat = z.reshape(Bz * Tz, C)
    cb = jnp.dot(codebook, W) + proj_bias
    tk = _route_topk(z_flat, cb)

    cc = jnp.sum(cb * cb, axis=1, keepdims=True)
    chunk_ind = (jnp.arange(_K, dtype=jnp.int32)[:, None] // _CH
                 == jnp.arange(_NCH, dtype=jnp.int32)[None, :])
    cb_aug = jnp.concatenate([cb, cc, chunk_ind.astype(jnp.float32)], axis=1)
    sel = jnp.any(tk[:, :, None]
                  == jnp.arange(_NCH, dtype=jnp.int32)[None, None, :], axis=1)
    pen = jnp.where(sel, 0.0, 1e6).astype(jnp.float32)
    z_aug = jnp.concatenate(
        [-2.0 * z_flat, jnp.ones((_N, 1), jnp.float32), pen], axis=1)

    idx2d, losssum = _run_search(z_aug, cb_aug)
    idx_rows = idx2d.reshape(_N // 128, 128)
    zq_flat, cnt2 = _run_gather_hist(cb, idx_rows)
    commit, perp, usage = _run_finalize(cnt2, losssum)

    z_q = zq_flat.reshape(Bz, Tz, C)
    indices_bt = idx2d.reshape(Bz, Tz)
    return (z_q, commit[0, 0], perp[0, 0], usage[0, 0], indices_bt)

# --- scband reference (transcript-rebuilt; emitter-appended) ---
"""Pipeline reference for scband-sim-vq1-d-52252572123401 (READ-ONLY COPY).

The authoritative reference and input builder live on the scoring server;
editing this copy changes nothing except your own understanding.
"""

import jax, jax.numpy as jnp
import numpy as np

B = 16
T = 4096
CODEBOOK_SIZE = 8192
CODE_DIM = 32
BETA = 0.25
CHUNK = 512
TOPK_CHUNKS = 4
SEARCH_BATCH = 2048


def setup_inputs(seed: int = 0) -> dict:
    key = jax.random.key(seed)
    k1, k2, k3 = jax.random.split(key, 3)
    z = jax.random.normal(k1, (B, T, CODE_DIM), dtype=jnp.float32)
    codebook = jax.random.normal(k2, (CODEBOOK_SIZE, CODE_DIM), dtype=jnp.float32) * (CODE_DIM ** -0.5)
    Wr = jax.random.normal(k3, (CODE_DIM, CODE_DIM), dtype=jnp.float32)
    Q, R = jnp.linalg.qr(Wr)
    W = Q * jnp.sign(jnp.diagonal(R))[None, :]
    proj_bias = jnp.zeros((CODE_DIM,), dtype=jnp.float32)
    return {"z": z, "codebook": codebook, "W": W, "proj_bias": proj_bias}


def _chunk_topk_search(z_flat, codebook):
    K, D = codebook.shape
    chunk = min(CHUNK, K)
    num_chunks = (K + chunk - 1) // chunk
    pad = num_chunks * chunk - K
    if pad > 0:
        codebook_pad = jnp.concatenate([codebook, jnp.zeros((pad, D), dtype=codebook.dtype)], axis=0)
    else:
        codebook_pad = codebook
    chunked = codebook_pad.reshape(num_chunks, chunk, D)
    chunk_sizes = jnp.full((num_chunks,), chunk, dtype=jnp.int32)
    if pad > 0:
        chunk_sizes = chunk_sizes.at[-1].set(chunk - pad)
    chunk_sums = jnp.sum(chunked, axis=1)
    chunk_counts = chunk_sizes.astype(jnp.float32)[:, None]
    chunk_means = chunk_sums / jnp.maximum(chunk_counts, 1.0)
    arange_chunk = jnp.arange(chunk)
    topk = min(TOPK_CHUNKS, num_chunks)

    def _search_one(z_i, chunk_ids):
        selected = chunked[chunk_ids, :, :]
        flat_selected = selected.reshape(-1, D)
        valid_mask = (arange_chunk[None, :] < chunk_sizes[chunk_ids][:, None]).reshape(-1)
        dists = jnp.sum((flat_selected - z_i[None, :]) ** 2, axis=1)
        dists = jnp.where(valid_mask, dists, jnp.inf)
        local_idx = jnp.argmin(dists)
        chunk_offset = local_idx // chunk
        elem_offset = local_idx % chunk
        global_idx = chunk_ids[chunk_offset] * chunk + elem_offset
        return jnp.minimum(global_idx, K - 1)

    def search_batch(z_batch):
        d_chunk = jnp.sum((z_batch[:, None, :] - chunk_means[None, :, :]) ** 2, axis=2)
        _, tk_idx = jax.lax.top_k(-d_chunk, k=topk)
        return jax.vmap(_search_one)(z_batch, tk_idx)

    N = z_flat.shape[0]
    batch = max(1, int(SEARCH_BATCH))
    num_batches = (N + batch - 1) // batch
    padN = num_batches * batch - N
    if padN > 0:
        z_flat_pad = jnp.pad(z_flat, ((0, padN), (0, 0)))
    else:
        z_flat_pad = z_flat
    out = jnp.zeros((num_batches * batch,), dtype=jnp.int32)

    def body(out_arr, i):
        start = i * batch
        z_chunk = jax.lax.dynamic_slice(z_flat_pad, (start, 0), (batch, D))
        idx_batch = search_batch(z_chunk).astype(jnp.int32)
        out_arr = jax.lax.dynamic_update_slice(out_arr, idx_batch, (start,))
        return (out_arr, None)

    out, _ = jax.lax.scan(body, out, jnp.arange(num_batches))
    return out[:N]


def reference(z, codebook, W, proj_bias):
    Bz, Tz, C = z.shape
    z_flat = z.reshape(Bz * Tz, C)
    cb = jnp.dot(codebook, W) + proj_bias
    indices = _chunk_topk_search(z_flat, cb)
    quant_flat = jnp.take(cb, indices, axis=0)
    quant = quant_flat.reshape(Bz, Tz, C)
    z_reshaped = z_flat.reshape(Bz, Tz, C)
    z_stop = jax.lax.stop_gradient(z_reshaped)
    q_stop = jax.lax.stop_gradient(quant)
    commit = BETA * jnp.mean((q_stop - z_reshaped) ** 2)
    codebook_loss = jnp.mean((quant - z_stop) ** 2)
    commit_loss = commit + codebook_loss
    z_q = z_reshaped + jax.lax.stop_gradient(quant - z_reshaped)
    indices_bt = indices.reshape(Bz, Tz)
    flat_indices = indices_bt.reshape(-1).astype(jnp.int32)
    counts = jnp.bincount(flat_indices, length=CODEBOOK_SIZE).astype(jnp.float32)
    total_tokens = jnp.maximum(jnp.sum(counts), 1.0)
    avg_probs = counts / total_tokens
    safe_probs = jnp.where(avg_probs > 0, avg_probs, 1.0)
    perplexity = jnp.exp(-jnp.sum(avg_probs * jnp.log(safe_probs + 1e-10)))
    usage_ratio = jnp.mean((counts > 0).astype(jnp.float32))
    return (z_q, commit_loss, perplexity, usage_ratio, indices_bt)

if __name__ == "__main__":
    import jax
    _d = setup_inputs()
    print(jax.jit(kernel)(*tuple(_d.values())))

</pallas_src>

<mosaic_0001>
#map = affine_map<(d0, d1) -> (0, 0)>
module attributes {stable_mosaic.version = 14 : i64} {
  func.func @_gather_hist_body(%arg0: i32, %arg1: i32, %arg2: memref<8192x32xf32, #tpu.memory_space<hbm>>, %arg3: memref<512x128xi32, #tpu.memory_space<hbm>>, %arg4: memref<65536x32xf32, #tpu.memory_space<hbm>>, %arg5: memref<2x8192xf32, #tpu.memory_space<hbm>>, %arg6: memref<16x128xi32, #tpu.memory_space<vmem>>, %arg7: memref<1024x32xf32, #tpu.memory_space<vmem>>, %arg8: memref<16x4096xf32, #tpu.memory_space<vmem>>, %arg9: memref<8192xf32, #tpu.memory_space<vmem>>, %arg10: memref<512xf32, #tpu.memory_space<vmem>>, %arg11: memref<512xf32, #tpu.memory_space<vmem>>, %arg12: memref<16x8192xf32, #tpu.memory_space<vmem_shared>>, %arg13: memref<!tpu.dma_semaphore, #tpu.memory_space<semaphore_mem>>) attributes {dimension_semantics = [#tpu.dimension_semantics<core_parallel>, #tpu.dimension_semantics<subcore_parallel>], iteration_bounds = array<i64: 2, 16>, scalar_prefetch = 0 : i64, scratch_operands = 8 : i64, tpu.core_type = #tpu.core_type<sc_vector_subcore>, window_params = [{transform_indices = #map}, {transform_indices = #map}, {transform_indices = #map}, {transform_indices = #map}]} {
    %mul3A = arith.constant 2 : i32
    %mul3A_0 = arith.muli %arg1, %mul3A : i32
    %add3A = arith.addi %mul3A_0, %arg0 : i32
    %mul3A_1 = arith.constant 16 : i32
    %mul3A_2 = arith.muli %add3A, %mul3A_1 : i32
    "tpu.region"() ({
      %run_scoped3A_539 = tpu.sem_alloc : memref<!tpu.dma_semaphore, #tpu.memory_space<semaphore_mem>>
      %dma_start3A_540 = arith.constant 0 : i32
      %dma_start3A_541 = tpu.memref_slice %arg3[%mul3A_2, %dma_start3A_540] : memref<512x128xi32, #tpu.memory_space<hbm>> -> memref<16x128xi32, #tpu.memory_space<hbm>>
      %dma_start3A_542 = arith.constant 0 : i32
      %dma_start3A_543 = tpu.memref_slice %arg3[%mul3A_2, %dma_start3A_542] : memref<512x128xi32, #tpu.memory_space<hbm>> -> memref<16x128xi32, #tpu.memory_space<hbm>>
      tpu.enqueue_dma source(%dma_start3A_543 : memref<16x128xi32, #tpu.memory_space<hbm>>) target(%arg6 : memref<16x128xi32, #tpu.memory_space<vmem>>) target_semaphore(%run_scoped3A_539 : memref<!tpu.dma_semaphore, #tpu.memory_space<semaphore_mem>>)
      %dma_wait3A_544 = arith.constant 0 : i32
      %dma_wait3A_545 = tpu.memref_slice %arg3[%mul3A_2, %dma_wait3A_544] : memref<512x128xi32, #tpu.memory_space<hbm>> -> memref<16x128xi32, #tpu.memory_space<hbm>>
      %dma_wait3A_546 = arith.constant 0 : i32
      %dma_wait3A_547 = tpu.memref_slice %arg3[%mul3A_2, %dma_wait3A_546] : memref<512x128xi32, #tpu.memory_space<hbm>> -> memref<16x128xi32, #tpu.memory_space<hbm>>
      tpu.wait_dma2 semaphore(%run_scoped3A_539 : memref<!tpu.dma_semaphore, #tpu.memory_space<semaphore_mem>>) src(%dma_wait3A_547 : memref<16x128xi32, #tpu.memory_space<hbm>>) dst(%arg6 : memref<16x128xi32, #tpu.memory_space<vmem>>)
      tpu.yield
    }) : () -> ()
    %dma_start3A = arith.constant 0 : i32
    %dma_start3A_3 = arith.constant 0 : i32
    %dma_start3A_4 = arith.constant 0 : i32
    %dma_start3A_5 = tpu.memref_slice %arg7[%dma_start3A_3, %dma_start3A_4] : memref<1024x32xf32, #tpu.memory_space<vmem>> -> memref<128x32xf32, #tpu.memory_space<vmem>>
    %dma_start3A_6 = arith.constant 0 : i32
    %dma_start3A_7 = tpu.memref_slice %arg6[%dma_start3A, %dma_start3A_6] : memref<16x128xi32, #tpu.memory_space<vmem>> -> memref<1x128xi32, #tpu.memory_space<vmem>>
    %dma_start3A_8 = tpu.memref_squeeze %dma_start3A_7 : memref<1x128xi32, #tpu.memory_space<vmem>> -> memref<128xi32, #tpu.memory_space<vmem>>
    %dma_start3A_9 = arith.constant 0 : i32
    %dma_start3A_10 = arith.constant 0 : i32
    %dma_start3A_11 = tpu.memref_slice %arg2[%dma_start3A_9, %dma_start3A_10] : memref<8192x32xf32, #tpu.memory_space<hbm>> -> memref<8192x32xf32, #tpu.memory_space<hbm>>
    tpu.enqueue_indirect_dma source(%dma_start3A_11 : memref<8192x32xf32, #tpu.memory_space<hbm>>) target(%dma_start3A_5 : memref<128x32xf32, #tpu.memory_space<vmem>>) offsets(%dma_start3A_8 : memref<128xi32, #tpu.memory_space<vmem>>) semaphore(%arg13 : memref<!tpu.dma_semaphore, #tpu.memory_space<semaphore_mem>>)
    %dma_start3A_12 = arith.constant 1 : i32
    %dma_start3A_13 = arith.constant 128 : i32
    %dma_start3A_14 = arith.constant 0 : i32
    %dma_start3A_15 = tpu.memref_slice %arg7[%dma_start3A_13, %dma_start3A_14] : memref<1024x32xf32, #tpu.memory_space<vmem>> -> memref<128x32xf32, #tpu.memory_space<vmem>>
    %dma_start3A_16 = arith.constant 0 : i32
    %dma_start3A_17 = tpu.memref_slice %arg6[%dma_start3A_12, %dma_start3A_16] : memref<16x128xi32, #tpu.memory_space<vmem>> -> memref<1x128xi32, #tpu.memory_space<vmem>>
    %dma_start3A_18 = tpu.memref_squeeze %dma_start3A_17 : memref<1x128xi32, #tpu.memory_space<vmem>> -> memref<128xi32, #tpu.memory_space<vmem>>
    %dma_start3A_19 = arith.constant 0 : i32
    %dma_start3A_20 = arith.constant 0 : i32
    %dma_start3A_21 = tpu.memref_slice %arg2[%dma_start3A_19, %dma_start3A_20] : memref<8192x32xf32, #tpu.memory_space<hbm>> -> memref<8192x32xf32, #tpu.memory_space<hbm>>
    tpu.enqueue_indirect_dma source(%dma_start3A_21 : memref<8192x32xf32, #tpu.memory_space<hbm>>) target(%dma_start3A_15 : memref<128x32xf32, #tpu.memory_space<vmem>>) offsets(%dma_start3A_18 : memref<128xi32, #tpu.memory_space<vmem>>) semaphore(%arg13 : memref<!tpu.dma_semaphore, #tpu.memory_space<semaphore_mem>>)
    %dma_start3A_22 = arith.constant 2 : i32
    %dma_start3A_23 = arith.constant 256 : i32
    %dma_start3A_24 = arith.constant 0 : i32
    %dma_start3A_25 = tpu.memref_slice %arg7[%dma_start3A_23, %dma_start3A_24] : memref<1024x32xf32, #tpu.memory_space<vmem>> -> memref<128x32xf32, #tpu.memory_space<vmem>>
    %dma_start3A_26 = arith.constant 0 : i32
    %dma_start3A_27 = tpu.memref_slice %arg6[%dma_start3A_22, %dma_start3A_26] : memref<16x128xi32, #tpu.memory_space<vmem>> -> memref<1x128xi32, #tpu.memory_space<vmem>>
    %dma_start3A_28 = tpu.memref_squeeze %dma_start3A_27 : memref<1x128xi32, #tpu.memory_space<vmem>> -> memref<128xi32, #tpu.memory_space<vmem>>
    %dma_start3A_29 = arith.constant 0 : i32
    %dma_start3A_30 = arith.constant 0 : i32
    %dma_start3A_31 = tpu.memref_slice %arg2[%dma_start3A_29, %dma_start3A_30] : memref<8192x32xf32, #tpu.memory_space<hbm>> -> memref<8192x32xf32, #tpu.memory_space<hbm>>
    tpu.enqueue_indirect_dma source(%dma_start3A_31 : memref<8192x32xf32, #tpu.memory_space<hbm>>) target(%dma_start3A_25 : memref<128x32xf32, #tpu.memory_space<vmem>>) offsets(%dma_start3A_28 : memref<128xi32, #tpu.memory_space<vmem>>) semaphore(%arg13 : memref<!tpu.dma_semaphore, #tpu.memory_space<semaphore_mem>>)
    %dma_start3A_32 = arith.constant 3 : i32
    %dma_start3A_33 = arith.constant 384 : i32
    %dma_start3A_34 = arith.constant 0 : i32
    %dma_start3A_35 = tpu.memref_slice %arg7[%dma_start3A_33, %dma_start3A_34] : memref<1024x32xf32, #tpu.memory_space<vmem>> -> memref<128x32xf32, #tpu.memory_space<vmem>>
    %dma_start3A_36 = arith.constant 0 : i32
    %dma_start3A_37 = tpu.memref_slice %arg6[%dma_start3A_32, %dma_start3A_36] : memref<16x128xi32, #tpu.memory_space<vmem>> -> memref<1x128xi32, #tpu.memory_space<vmem>>
    %dma_start3A_38 = tpu.memref_squeeze %dma_start3A_37 : memref<1x128xi32, #tpu.memory_space<vmem>> -> memref<128xi32, #tpu.memory_space<vmem>>
    %dma_start3A_39 = arith.constant 0 : i32
    %dma_start3A_40 = arith.constant 0 : i32
    %dma_start3A_41 = tpu.memref_slice %arg2[%dma_start3A_39, %dma_start3A_40] : memref<8192x32xf32, #tpu.memory_space<hbm>> -> memref<8192x32xf32, #tpu.memory_space<hbm>>
    tpu.enqueue_indirect_dma source(%dma_start3A_41 : memref<8192x32xf32, #tpu.memory_space<hbm>>) target(%dma_start3A_35 : memref<128x32xf32, #tpu.memory_space<vmem>>) offsets(%dma_start3A_38 : memref<128xi32, #tpu.memory_space<vmem>>) semaphore(%arg13 : memref<!tpu.dma_semaphore, #tpu.memory_space<semaphore_mem>>)
    %dma_start3A_42 = arith.constant 4 : i32
    %dma_start3A_43 = arith.constant 512 : i32
    %dma_start3A_44 = arith.constant 0 : i32
    %dma_start3A_45 = tpu.memref_slice %arg7[%dma_start3A_43, %dma_start3A_44] : memref<1024x32xf32, #tpu.memory_space<vmem>> -> memref<128x32xf32, #tpu.memory_space<vmem>>
    %dma_start3A_46 = arith.constant 0 : i32
    %dma_start3A_47 = tpu.memref_slice %arg6[%dma_start3A_42, %dma_start3A_46] : memref<16x128xi32, #tpu.memory_space<vmem>> -> memref<1x128xi32, #tpu.memory_space<vmem>>
    %dma_start3A_48 = tpu.memref_squeeze %dma_start3A_47 : memref<1x128xi32, #tpu.memory_space<vmem>> -> memref<128xi32, #tpu.memory_space<vmem>>
    %dma_start3A_49 = arith.constant 0 : i32
    %dma_start3A_50 = arith.constant 0 : i32
    %dma_start3A_51 = tpu.memref_slice %arg2[%dma_start3A_49, %dma_start3A_50] : memref<8192x32xf32, #tpu.memory_space<hbm>> -> memref<8192x32xf32, #tpu.memory_space<hbm>>
    tpu.enqueue_indirect_dma source(%dma_start3A_51 : memref<8192x32xf32, #tpu.memory_space<hbm>>) target(%dma_start3A_45 : memref<128x32xf32, #tpu.memory_space<vmem>>) offsets(%dma_start3A_48 : memref<128xi32, #tpu.memory_space<vmem>>) semaphore(%arg13 : memref<!tpu.dma_semaphore, #tpu.memory_space<semaphore_mem>>)
    %dma_start3A_52 = arith.constant 5 : i32
    %dma_start3A_53 = arith.constant 640 : i32
    %dma_start3A_54 = arith.constant 0 : i32
    %dma_start3A_55 = tpu.memref_slice %arg7[%dma_start3A_53, %dma_start3A_54] : memref<1024x32xf32, #tpu.memory_space<vmem>> -> memref<128x32xf32, #tpu.memory_space<vmem>>
    %dma_start3A_56 = arith.constant 0 : i32
    %dma_start3A_57 = tpu.memref_slice %arg6[%dma_start3A_52, %dma_start3A_56] : memref<16x128xi32, #tpu.memory_space<vmem>> -> memref<1x128xi32, #tpu.memory_space<vmem>>
    %dma_start3A_58 = tpu.memref_squeeze %dma_start3A_57 : memref<1x128xi32, #tpu.memory_space<vmem>> -> memref<128xi32, #tpu.memory_space<vmem>>
    %dma_start3A_59 = arith.constant 0 : i32
    %dma_start3A_60 = arith.constant 0 : i32
    %dma_start3A_61 = tpu.memref_slice %arg2[%dma_start3A_59, %dma_start3A_60] : memref<8192x32xf32, #tpu.memory_space<hbm>> -> memref<8192x32xf32, #tpu.memory_space<hbm>>
    tpu.enqueue_indirect_dma source(%dma_start3A_61 : memref<8192x32xf32, #tpu.memory_space<hbm>>) target(%dma_start3A_55 : memref<128x32xf32, #tpu.memory_space<vmem>>) offsets(%dma_start3A_58 : memref<128xi32, #tpu.memory_space<vmem>>) semaphore(%arg13 : memref<!tpu.dma_semaphore, #tpu.memory_space<semaphore_mem>>)
    %dma_start3A_62 = arith.constant 6 : i32
    %dma_start3A_63 = arith.constant 768 : i32
    %dma_start3A_64 = arith.constant 0 : i32
    %dma_start3A_65 = tpu.memref_slice %arg7[%dma_start3A_63, %dma_start3A_64] : memref<1024x32xf32, #tpu.memory_space<vmem>> -> memref<128x32xf32, #tpu.memory_space<vmem>>
    %dma_start3A_66 = arith.constant 0 : i32
    %dma_start3A_67 = tpu.memref_slice %arg6[%dma_start3A_62, %dma_start3A_66] : memref<16x128xi32, #tpu.memory_space<vmem>> -> memref<1x128xi32, #tpu.memory_space<vmem>>
    %dma_start3A_68 = tpu.memref_squeeze %dma_start3A_67 : memref<1x128xi32, #tpu.memory_space<vmem>> -> memref<128xi32, #tpu.memory_space<vmem>>
    %dma_start3A_69 = arith.constant 0 : i32
    %dma_start3A_70 = arith.constant 0 : i32
    %dma_start3A_71 = tpu.memref_slice %arg2[%dma_start3A_69, %dma_start3A_70] : memref<8192x32xf32, #tpu.memory_space<hbm>> -> memref<8192x32xf32, #tpu.memory_space<hbm>>
    tpu.enqueue_indirect_dma source(%dma_start3A_71 : memref<8192x32xf32, #tpu.memory_space<hbm>>) target(%dma_start3A_65 : memref<128x32xf32, #tpu.memory_space<vmem>>) offsets(%dma_start3A_68 : memref<128xi32, #tpu.memory_space<vmem>>) semaphore(%arg13 : memref<!tpu.dma_semaphore, #tpu.memory_space<semaphore_mem>>)
    %dma_start3A_72 = arith.constant 7 : i32
    %dma_start3A_73 = arith.constant 896 : i32
    %dma_start3A_74 = arith.constant 0 : i32
    %dma_start3A_75 = tpu.memref_slice %arg7[%dma_start3A_73, %dma_start3A_74] : memref<1024x32xf32, #tpu.memory_space<vmem>> -> memref<128x32xf32, #tpu.memory_space<vmem>>
    %dma_start3A_76 = arith.constant 0 : i32
    %dma_start3A_77 = tpu.memref_slice %arg6[%dma_start3A_72, %dma_start3A_76] : memref<16x128xi32, #tpu.memory_space<vmem>> -> memref<1x128xi32, #tpu.memory_space<vmem>>
    %dma_start3A_78 = tpu.memref_squeeze %dma_start3A_77 : memref<1x128xi32, #tpu.memory_space<vmem>> -> memref<128xi32, #tpu.memory_space<vmem>>
    %dma_start3A_79 = arith.constant 0 : i32
    %dma_start3A_80 = arith.constant 0 : i32
    %dma_start3A_81 = tpu.memref_slice %arg2[%dma_start3A_79, %dma_start3A_80] : memref<8192x32xf32, #tpu.memory_space<hbm>> -> memref<8192x32xf32, #tpu.memory_space<hbm>>
    tpu.enqueue_indirect_dma source(%dma_start3A_81 : memref<8192x32xf32, #tpu.memory_space<hbm>>) target(%dma_start3A_75 : memref<128x32xf32, #tpu.memory_space<vmem>>) offsets(%dma_start3A_78 : memref<128xi32, #tpu.memory_space<vmem>>) semaphore(%arg13 : memref<!tpu.dma_semaphore, #tpu.memory_space<semaphore_mem>>)
    %dma_wait3A = arith.constant 0 : i32
    %dma_wait3A_82 = arith.constant 0 : i32
    %dma_wait3A_83 = arith.constant 0 : i32
    %dma_wait3A_84 = tpu.memref_slice %arg7[%dma_wait3A_82, %dma_wait3A_83] : memref<1024x32xf32, #tpu.memory_space<vmem>> -> memref<128x32xf32, #tpu.memory_space<vmem>>
    %dma_wait3A_85 = arith.constant 0 : i32
    %dma_wait3A_86 = tpu.memref_slice %arg6[%dma_wait3A, %dma_wait3A_85] : memref<16x128xi32, #tpu.memory_space<vmem>> -> memref<1x128xi32, #tpu.memory_space<vmem>>
    %dma_wait3A_87 = tpu.memref_squeeze %dma_wait3A_86 : memref<1x128xi32, #tpu.memory_space<vmem>> -> memref<128xi32, #tpu.memory_space<vmem>>
    %dma_wait3A_88 = arith.constant 0 : i32
    %dma_wait3A_89 = arith.constant 0 : i32
    %dma_wait3A_90 = tpu.memref_slice %arg2[%dma_wait3A_88, %dma_wait3A_89] : memref<8192x32xf32, #tpu.memory_space<hbm>> -> memref<8192x32xf32, #tpu.memory_space<hbm>>
    tpu.wait_indirect_dma semaphore(%arg13 : memref<!tpu.dma_semaphore, #tpu.memory_space<semaphore_mem>>) src(%dma_wait3A_90 : memref<8192x32xf32, #tpu.memory_space<hbm>>) dst(%dma_wait3A_84 : memref<128x32xf32, #tpu.memory_space<vmem>>)
    %dma_wait3A_91 = arith.constant 1 : i32
    %dma_wait3A_92 = arith.constant 128 : i32
    %dma_wait3A_93 = arith.constant 0 : i32
    %dma_wait3A_94 = tpu.memref_slice %arg7[%dma_wait3A_92, %dma_wait3A_93] : memref<1024x32xf32, #tpu.memory_space<vmem>> -> memref<128x32xf32, #tpu.memory_space<vmem>>
    %dma_wait3A_95 = arith.constant 0 : i32
    %dma_wait3A_96 = tpu.memref_slice %arg6[%dma_wait3A_91, %dma_wait3A_95] : memref<16x128xi32, #tpu.memory_space<vmem>> -> memref<1x128xi32, #tpu.memory_space<vmem>>
    %dma_wait3A_97 = tpu.memref_squeeze %dma_wait3A_96 : memref<1x128xi32, #tpu.memory_space<vmem>> -> memref<128xi32, #tpu.memory_space<vmem>>
    %dma_wait3A_98 = arith.constant 0 : i32
    %dma_wait3A_99 = arith.constant 0 : i32
    %dma_wait3A_100 = tpu.memref_slice %arg2[%dma_wait3A_98, %dma_wait3A_99] : memref<8192x32xf32, #tpu.memory_space<hbm>> -> memref<8192x32xf32, #tpu.memory_space<hbm>>
    tpu.wait_indirect_dma semaphore(%arg13 : memref<!tpu.dma_semaphore, #tpu.memory_space<semaphore_mem>>) src(%dma_wait3A_100 : memref<8192x32xf32, #tpu.memory_space<hbm>>) dst(%dma_wait3A_94 : memref<128x32xf32, #tpu.memory_space<vmem>>)
    %dma_wait3A_101 = arith.constant 2 : i32
    %dma_wait3A_102 = arith.constant 256 : i32
    %dma_wait3A_103 = arith.constant 0 : i32
    %dma_wait3A_104 = tpu.memref_slice %arg7[%dma_wait3A_102, %dma_wait3A_103] : memref<1024x32xf32, #tpu.memory_space<vmem>> -> memref<128x32xf32, #tpu.memory_space<vmem>>
    %dma_wait3A_105 = arith.constant 0 : i32
    %dma_wait3A_106 = tpu.memref_slice %arg6[%dma_wait3A_101, %dma_wait3A_105] : memref<16x128xi32, #tpu.memory_space<vmem>> -> memref<1x128xi32, #tpu.memory_space<vmem>>
    %dma_wait3A_107 = tpu.memref_squeeze %dma_wait3A_106 : memref<1x128xi32, #tpu.memory_space<vmem>> -> memref<128xi32, #tpu.memory_space<vmem>>
    %dma_wait3A_108 = arith.constant 0 : i32
    %dma_wait3A_109 = arith.constant 0 : i32
    %dma_wait3A_110 = tpu.memref_slice %arg2[%dma_wait3A_108, %dma_wait3A_109] : memref<8192x32xf32, #tpu.memory_space<hbm>> -> memref<8192x32xf32, #tpu.memory_space<hbm>>
    tpu.wait_indirect_dma semaphore(%arg13 : memref<!tpu.dma_semaphore, #tpu.memory_space<semaphore_mem>>) src(%dma_wait3A_110 : memref<8192x32xf32, #tpu.memory_space<hbm>>) dst(%dma_wait3A_104 : memref<128x32xf32, #tpu.memory_space<vmem>>)
    %dma_wait3A_111 = arith.constant 3 : i32
    %dma_wait3A_112 = arith.constant 384 : i32
    %dma_wait3A_113 = arith.constant 0 : i32
    %dma_wait3A_114 = tpu.memref_slice %arg7[%dma_wait3A_112, %dma_wait3A_113] : memref<1024x32xf32, #tpu.memory_space<vmem>> -> memref<128x32xf32, #tpu.memory_space<vmem>>
    %dma_wait3A_115 = arith.constant 0 : i32
    %dma_wait3A_116 = tpu.memref_slice %arg6[%dma_wait3A_111, %dma_wait3A_115] : memref<16x128xi32, #tpu.memory_space<vmem>> -> memref<1x128xi32, #tpu.memory_space<vmem>>
    %dma_wait3A_117 = tpu.memref_squeeze %dma_wait3A_116 : memref<1x128xi32, #tpu.memory_space<vmem>> -> memref<128xi32, #tpu.memory_space<vmem>>
    %dma_wait3A_118 = arith.constant 0 : i32
    %dma_wait3A_119 = arith.constant 0 : i32
    %dma_wait3A_120 = tpu.memref_slice %arg2[%dma_wait3A_118, %dma_wait3A_119] : memref<8192x32xf32, #tpu.memory_space<hbm>> -> memref<8192x32xf32, #tpu.memory_space<hbm>>
    tpu.wait_indirect_dma semaphore(%arg13 : memref<!tpu.dma_semaphore, #tpu.memory_space<semaphore_mem>>) src(%dma_wait3A_120 : memref<8192x32xf32, #tpu.memory_space<hbm>>) dst(%dma_wait3A_114 : memref<128x32xf32, #tpu.memory_space<vmem>>)
    %dma_wait3A_121 = arith.constant 4 : i32
    %dma_wait3A_122 = arith.constant 512 : i32
    %dma_wait3A_123 = arith.constant 0 : i32
    %dma_wait3A_124 = tpu.memref_slice %arg7[%dma_wait3A_122, %dma_wait3A_123] : memref<1024x32xf32, #tpu.memory_space<vmem>> -> memref<128x32xf32, #tpu.memory_space<vmem>>
    %dma_wait3A_125 = arith.constant 0 : i32
    %dma_wait3A_126 = tpu.memref_slice %arg6[%dma_wait3A_121, %dma_wait3A_125] : memref<16x128xi32, #tpu.memory_space<vmem>> -> memref<1x128xi32, #tpu.memory_space<vmem>>
    %dma_wait3A_127 = tpu.memref_squeeze %dma_wait3A_126 : memref<1x128xi32, #tpu.memory_space<vmem>> -> memref<128xi32, #tpu.memory_space<vmem>>
    %dma_wait3A_128 = arith.constant 0 : i32
    %dma_wait3A_129 = arith.constant 0 : i32
    %dma_wait3A_130 = tpu.memref_slice %arg2[%dma_wait3A_128, %dma_wait3A_129] : memref<8192x32xf32, #tpu.memory_space<hbm>> -> memref<8192x32xf32, #tpu.memory_space<hbm>>
    tpu.wait_indirect_dma semaphore(%arg13 : memref<!tpu.dma_semaphore, #tpu.memory_space<semaphore_mem>>) src(%dma_wait3A_130 : memref<8192x32xf32, #tpu.memory_space<hbm>>) dst(%dma_wait3A_124 : memref<128x32xf32, #tpu.memory_space<vmem>>)
    %dma_wait3A_131 = arith.constant 5 : i32
    %dma_wait3A_132 = arith.constant 640 : i32
    %dma_wait3A_133 = arith.constant 0 : i32
    %dma_wait3A_134 = tpu.memref_slice %arg7[%dma_wait3A_132, %dma_wait3A_133] : memref<1024x32xf32, #tpu.memory_space<vmem>> -> memref<128x32xf32, #tpu.memory_space<vmem>>
    %dma_wait3A_135 = arith.constant 0 : i32
    %dma_wait3A_136 = tpu.memref_slice %arg6[%dma_wait3A_131, %dma_wait3A_135] : memref<16x128xi32, #tpu.memory_space<vmem>> -> memref<1x128xi32, #tpu.memory_space<vmem>>
    %dma_wait3A_137 = tpu.memref_squeeze %dma_wait3A_136 : memref<1x128xi32, #tpu.memory_space<vmem>> -> memref<128xi32, #tpu.memory_space<vmem>>
    %dma_wait3A_138 = arith.constant 0 : i32
    %dma_wait3A_139 = arith.constant 0 : i32
    %dma_wait3A_140 = tpu.memref_slice %arg2[%dma_wait3A_138, %dma_wait3A_139] : memref<8192x32xf32, #tpu.memory_space<hbm>> -> memref<8192x32xf32, #tpu.memory_space<hbm>>
    tpu.wait_indirect_dma semaphore(%arg13 : memref<!tpu.dma_semaphore, #tpu.memory_space<semaphore_mem>>) src(%dma_wait3A_140 : memref<8192x32xf32, #tpu.memory_space<hbm>>) dst(%dma_wait3A_134 : memref<128x32xf32, #tpu.memory_space<vmem>>)
    %dma_wait3A_141 = arith.constant 6 : i32
    %dma_wait3A_142 = arith.constant 768 : i32
    %dma_wait3A_143 = arith.constant 0 : i32
    %dma_wait3A_144 = tpu.memref_slice %arg7[%dma_wait3A_142, %dma_wait3A_143] : memref<1024x32xf32, #tpu.memory_space<vmem>> -> memref<128x32xf32, #tpu.memory_space<vmem>>
    %dma_wait3A_145 = arith.constant 0 : i32
    %dma_wait3A_146 = tpu.memref_slice %arg6[%dma_wait3A_141, %dma_wait3A_145] : memref<16x128xi32, #tpu.memory_space<vmem>> -> memref<1x128xi32, #tpu.memory_space<vmem>>
    %dma_wait3A_147 = tpu.memref_squeeze %dma_wait3A_146 : memref<1x128xi32, #tpu.memory_space<vmem>> -> memref<128xi32, #tpu.memory_space<vmem>>
    %dma_wait3A_148 = arith.constant 0 : i32
    %dma_wait3A_149 = arith.constant 0 : i32
    %dma_wait3A_150 = tpu.memref_slice %arg2[%dma_wait3A_148, %dma_wait3A_149] : memref<8192x32xf32, #tpu.memory_space<hbm>> -> memref<8192x32xf32, #tpu.memory_space<hbm>>
    tpu.wait_indirect_dma semaphore(%arg13 : memref<!tpu.dma_semaphore, #tpu.memory_space<semaphore_mem>>) src(%dma_wait3A_150 : memref<8192x32xf32, #tpu.memory_space<hbm>>) dst(%dma_wait3A_144 : memref<128x32xf32, #tpu.memory_space<vmem>>)
    %dma_wait3A_151 = arith.constant 7 : i32
    %dma_wait3A_152 = arith.constant 896 : i32
    %dma_wait3A_153 = arith.constant 0 : i32
    %dma_wait3A_154 = tpu.memref_slice %arg7[%dma_wait3A_152, %dma_wait3A_153] : memref<1024x32xf32, #tpu.memory_space<vmem>> -> memref<128x32xf32, #tpu.memory_space<vmem>>
    %dma_wait3A_155 = arith.constant 0 : i32
    %dma_wait3A_156 = tpu.memref_slice %arg6[%dma_wait3A_151, %dma_wait3A_155] : memref<16x128xi32, #tpu.memory_space<vmem>> -> memref<1x128xi32, #tpu.memory_space<vmem>>
    %dma_wait3A_157 = tpu.memref_squeeze %dma_wait3A_156 : memref<1x128xi32, #tpu.memory_space<vmem>> -> memref<128xi32, #tpu.memory_space<vmem>>
    %dma_wait3A_158 = arith.constant 0 : i32
    %dma_wait3A_159 = arith.constant 0 : i32
    %dma_wait3A_160 = tpu.memref_slice %arg2[%dma_wait3A_158, %dma_wait3A_159] : memref<8192x32xf32, #tpu.memory_space<hbm>> -> memref<8192x32xf32, #tpu.memory_space<hbm>>
    tpu.wait_indirect_dma semaphore(%arg13 : memref<!tpu.dma_semaphore, #tpu.memory_space<semaphore_mem>>) src(%dma_wait3A_160 : memref<8192x32xf32, #tpu.memory_space<hbm>>) dst(%dma_wait3A_154 : memref<128x32xf32, #tpu.memory_space<vmem>>)
    %mul3A_161 = arith.constant 2048 : i32
    %mul3A_162 = arith.muli %add3A, %mul3A_161 : i32
    %add3A_163 = arith.constant 0 : i32
    %add3A_164 = arith.addi %mul3A_162, %add3A_163 : i32
    "tpu.region"() ({
      %run_scoped3A_539 = tpu.sem_alloc : memref<!tpu.dma_semaphore, #tpu.memory_space<semaphore_mem>>
      %dma_start3A_540 = arith.constant 0 : i32
      %dma_start3A_541 = tpu.memref_slice %arg4[%add3A_164, %dma_start3A_540] : memref<65536x32xf32, #tpu.memory_space<hbm>> -> memref<1024x32xf32, #tpu.memory_space<hbm>>
      %dma_start3A_542 = arith.constant 0 : i32
      %dma_start3A_543 = tpu.memref_slice %arg4[%add3A_164, %dma_start3A_542] : memref<65536x32xf32, #tpu.memory_space<hbm>> -> memref<1024x32xf32, #tpu.memory_space<hbm>>
      tpu.enqueue_dma source(%arg7 : memref<1024x32xf32, #tpu.memory_space<vmem>>) target(%dma_start3A_543 : memref<1024x32xf32, #tpu.memory_space<hbm>>) target_semaphore(%run_scoped3A_539 : memref<!tpu.dma_semaphore, #tpu.memory_space<semaphore_mem>>)
      %dma_wait3A_544 = arith.constant 0 : i32
      %dma_wait3A_545 = tpu.memref_slice %arg4[%add3A_164, %dma_wait3A_544] : memref<65536x32xf32, #tpu.memory_space<hbm>> -> memref<1024x32xf32, #tpu.memory_space<hbm>>
      %dma_wait3A_546 = arith.constant 0 : i32
      %dma_wait3A_547 = tpu.memref_slice %arg4[%add3A_164, %dma_wait3A_546] : memref<65536x32xf32, #tpu.memory_space<hbm>> -> memref<1024x32xf32, #tpu.memory_space<hbm>>
      tpu.wait_dma2 semaphore(%run_scoped3A_539 : memref<!tpu.dma_semaphore, #tpu.memory_space<semaphore_mem>>) src(%arg7 : memref<1024x32xf32, #tpu.memory_space<vmem>>) dst(%dma_wait3A_547 : memref<1024x32xf32, #tpu.memory_space<hbm>>)
      tpu.yield
    }) : () -> ()
    %dma_start3A_165 = arith.constant 8 : i32
    %dma_start3A_166 = arith.constant 0 : i32
    %dma_start3A_167 = arith.constant 0 : i32
    %dma_start3A_168 = tpu.memref_slice %arg7[%dma_start3A_166, %dma_start3A_167] : memref<1024x32xf32, #tpu.memory_space<vmem>> -> memref<128x32xf32, #tpu.memory_space<vmem>>
    %dma_start3A_169 = arith.constant 0 : i32
    %dma_start3A_170 = tpu.memref_slice %arg6[%dma_start3A_165, %dma_start3A_169] : memref<16x128xi32, #tpu.memory_space<vmem>> -> memref<1x128xi32, #tpu.memory_space<vmem>>
    %dma_start3A_171 = tpu.memref_squeeze %dma_start3A_170 : memref<1x128xi32, #tpu.memory_space<vmem>> -> memref<128xi32, #tpu.memory_space<vmem>>
    %dma_start3A_172 = arith.constant 0 : i32
    %dma_start3A_173 = arith.constant 0 : i32
    %dma_start3A_174 = tpu.memref_slice %arg2[%dma_start3A_172, %dma_start3A_173] : memref<8192x32xf32, #tpu.memory_space<hbm>> -> memref<8192x32xf32, #tpu.memory_space<hbm>>
    tpu.enqueue_indirect_dma source(%dma_start3A_174 : memref<8192x32xf32, #tpu.memory_space<hbm>>) target(%dma_start3A_168 : memref<128x32xf32, #tpu.memory_space<vmem>>) offsets(%dma_start3A_171 : memref<128xi32, #tpu.memory_space<vmem>>) semaphore(%arg13 : memref<!tpu.dma_semaphore, #tpu.memory_space<semaphore_mem>>)
    %dma_start3A_175 = arith.constant 9 : i32
    %dma_start3A_176 = arith.constant 128 : i32
    %dma_start3A_177 = arith.constant 0 : i32
    %dma_start3A_178 = tpu.memref_slice %arg7[%dma_start3A_176, %dma_start3A_177] : memref<1024x32xf32, #tpu.memory_space<vmem>> -> memref<128x32xf32, #tpu.memory_space<vmem>>
    %dma_start3A_179 = arith.constant 0 : i32
    %dma_start3A_180 = tpu.memref_slice %arg6[%dma_start3A_175, %dma_start3A_179] : memref<16x128xi32, #tpu.memory_space<vmem>> -> memref<1x128xi32, #tpu.memory_space<vmem>>
    %dma_start3A_181 = tpu.memref_squeeze %dma_start3A_180 : memref<1x128xi32, #tpu.memory_space<vmem>> -> memref<128xi32, #tpu.memory_space<vmem>>
    %dma_start3A_182 = arith.constant 0 : i32
    %dma_start3A_183 = arith.constant 0 : i32
    %dma_start3A_184 = tpu.memref_slice %arg2[%dma_start3A_182, %dma_start3A_183] : memref<8192x32xf32, #tpu.memory_space<hbm>> -> memref<8192x32xf32, #tpu.memory_space<hbm>>
    tpu.enqueue_indirect_dma source(%dma_start3A_184 : memref<8192x32xf32, #tpu.memory_space<hbm>>) target(%dma_start3A_178 : memref<128x32xf32, #tpu.memory_space<vmem>>) offsets(%dma_start3A_181 : memref<128xi32, #tpu.memory_space<vmem>>) semaphore(%arg13 : memref<!tpu.dma_semaphore, #tpu.memory_space<semaphore_mem>>)
    %dma_start3A_185 = arith.constant 10 : i32
    %dma_start3A_186 = arith.constant 256 : i32
    %dma_start3A_187 = arith.constant 0 : i32
    %dma_start3A_188 = tpu.memref_slice %arg7[%dma_start3A_186, %dma_start3A_187] : memref<1024x32xf32, #tpu.memory_space<vmem>> -> memref<128x32xf32, #tpu.memory_space<vmem>>
    %dma_start3A_189 = arith.constant 0 : i32
    %dma_start3A_190 = tpu.memref_slice %arg6[%dma_start3A_185, %dma_start3A_189] : memref<16x128xi32, #tpu.memory_space<vmem>> -> memref<1x128xi32, #tpu.memory_space<vmem>>
    %dma_start3A_191 = tpu.memref_squeeze %dma_start3A_190 : memref<1x128xi32, #tpu.memory_space<vmem>> -> memref<128xi32, #tpu.memory_space<vmem>>
    %dma_start3A_192 = arith.constant 0 : i32
    %dma_start3A_193 = arith.constant 0 : i32
    %dma_start3A_194 = tpu.memref_slice %arg2[%dma_start3A_192, %dma_start3A_193] : memref<8192x32xf32, #tpu.memory_space<hbm>> -> memref<8192x32xf32, #tpu.memory_space<hbm>>
    tpu.enqueue_indirect_dma source(%dma_start3A_194 : memref<8192x32xf32, #tpu.memory_space<hbm>>) target(%dma_start3A_188 : memref<128x32xf32, #tpu.memory_space<vmem>>) offsets(%dma_start3A_191 : memref<128xi32, #tpu.memory_space<vmem>>) semaphore(%arg13 : memref<!tpu.dma_semaphore, #tpu.memory_space<semaphore_mem>>)
    %dma_start3A_195 = arith.constant 11 : i32
    %dma_start3A_196 = arith.constant 384 : i32
    %dma_start3A_197 = arith.constant 0 : i32
    %dma_start3A_198 = tpu.memref_slice %arg7[%dma_start3A_196, %dma_start3A_197] : memref<1024x32xf32, #tpu.memory_space<vmem>> -> memref<128x32xf32, #tpu.memory_space<vmem>>
    %dma_start3A_199 = arith.constant 0 : i32
    %dma_start3A_200 = tpu.memref_slice %arg6[%dma_start3A_195, %dma_start3A_199] : memref<16x128xi32, #tpu.memory_space<vmem>> -> memref<1x128xi32, #tpu.memory_space<vmem>>
    %dma_start3A_201 = tpu.memref_squeeze %dma_start3A_200 : memref<1x128xi32, #tpu.memory_space<vmem>> -> memref<128xi32, #tpu.memory_space<vmem>>
    %dma_start3A_202 = arith.constant 0 : i32
    %dma_start3A_203 = arith.constant 0 : i32
    %dma_start3A_204 = tpu.memref_slice %arg2[%dma_start3A_202, %dma_start3A_203] : memref<8192x32xf32, #tpu.memory_space<hbm>> -> memref<8192x32xf32, #tpu.memory_space<hbm>>
    tpu.enqueue_indirect_dma source(%dma_start3A_204 : memref<8192x32xf32, #tpu.memory_space<hbm>>) target(%dma_start3A_198 : memref<128x32xf32, #tpu.memory_space<vmem>>) offsets(%dma_start3A_201 : memref<128xi32, #tpu.memory_space<vmem>>) semaphore(%arg13 : memref<!tpu.dma_semaphore, #tpu.memory_space<semaphore_mem>>)
    %dma_start3A_205 = arith.constant 12 : i32
    %dma_start3A_206 = arith.constant 512 : i32
    %dma_start3A_207 = arith.constant 0 : i32
    %dma_start3A_208 = tpu.memref_slice %arg7[%dma_start3A_206, %dma_start3A_207] : memref<1024x32xf32, #tpu.memory_space<vmem>> -> memref<128x32xf32, #tpu.memory_space<vmem>>
    %dma_start3A_209 = arith.constant 0 : i32
    %dma_start3A_210 = tpu.memref_slice %arg6[%dma_start3A_205, %dma_start3A_209] : memref<16x128xi32, #tpu.memory_space<vmem>> -> memref<1x128xi32, #tpu.memory_space<vmem>>
    %dma_start3A_211 = tpu.memref_squeeze %dma_start3A_210 : memref<1x128xi32, #tpu.memory_space<vmem>> -> memref<128xi32, #tpu.memory_space<vmem>>
    %dma_start3A_212 = arith.constant 0 : i32
    %dma_start3A_213 = arith.constant 0 : i32
    %dma_start3A_214 = tpu.memref_slice %arg2[%dma_start3A_212, %dma_start3A_213] : memref<8192x32xf32, #tpu.memory_space<hbm>> -> memref<8192x32xf32, #tpu.memory_space<hbm>>
    tpu.enqueue_indirect_dma source(%dma_start3A_214 : memref<8192x32xf32, #tpu.memory_space<hbm>>) target(%dma_start3A_208 : memref<128x32xf32, #tpu.memory_space<vmem>>) offsets(%dma_start3A_211 : memref<128xi32, #tpu.memory_space<vmem>>) semaphore(%arg13 : memref<!tpu.dma_semaphore, #tpu.memory_space<semaphore_mem>>)
    %dma_start3A_215 = arith.constant 13 : i32
    %dma_start3A_216 = arith.constant 640 : i32
    %dma_start3A_217 = arith.constant 0 : i32
    %dma_start3A_218 = tpu.memref_slice %arg7[%dma_start3A_216, %dma_start3A_217] : memref<1024x32xf32, #tpu.memory_space<vmem>> -> memref<128x32xf32, #tpu.memory_space<vmem>>
    %dma_start3A_219 = arith.constant 0 : i32
    %dma_start3A_220 = tpu.memref_slice %arg6[%dma_start3A_215, %dma_start3A_219] : memref<16x128xi32, #tpu.memory_space<vmem>> -> memref<1x128xi32, #tpu.memory_space<vmem>>
    %dma_start3A_221 = tpu.memref_squeeze %dma_start3A_220 : memref<1x128xi32, #tpu.memory_space<vmem>> -> memref<128xi32, #tpu.memory_space<vmem>>
    %dma_start3A_222 = arith.constant 0 : i32
    %dma_start3A_223 = arith.constant 0 : i32
    %dma_start3A_224 = tpu.memref_slice %arg2[%dma_start3A_222, %dma_start3A_223] : memref<8192x32xf32, #tpu.memory_space<hbm>> -> memref<8192x32xf32, #tpu.memory_space<hbm>>
    tpu.enqueue_indirect_dma source(%dma_start3A_224 : memref<8192x32xf32, #tpu.memory_space<hbm>>) target(%dma_start3A_218 : memref<128x32xf32, #tpu.memory_space<vmem>>) offsets(%dma_start3A_221 : memref<128xi32, #tpu.memory_space<vmem>>) semaphore(%arg13 : memref<!tpu.dma_semaphore, #tpu.memory_space<semaphore_mem>>)
    %dma_start3A_225 = arith.constant 14 : i32
    %dma_start3A_226 = arith.constant 768 : i32
    %dma_start3A_227 = arith.constant 0 : i32
    %dma_start3A_228 = tpu.memref_slice %arg7[%dma_start3A_226, %dma_start3A_227] : memref<1024x32xf32, #tpu.memory_space<vmem>> -> memref<128x32xf32, #tpu.memory_space<vmem>>
    %dma_start3A_229 = arith.constant 0 : i32
    %dma_start3A_230 = tpu.memref_slice %arg6[%dma_start3A_225, %dma_start3A_229] : memref<16x128xi32, #tpu.memory_space<vmem>> -> memref<1x128xi32, #tpu.memory_space<vmem>>
    %dma_start3A_231 = tpu.memref_squeeze %dma_start3A_230 : memref<1x128xi32, #tpu.memory_space<vmem>> -> memref<128xi32, #tpu.memory_space<vmem>>
    %dma_start3A_232 = arith.constant 0 : i32
    %dma_start3A_233 = arith.constant 0 : i32
    %dma_start3A_234 = tpu.memref_slice %arg2[%dma_start3A_232, %dma_start3A_233] : memref<8192x32xf32, #tpu.memory_space<hbm>> -> memref<8192x32xf32, #tpu.memory_space<hbm>>
    tpu.enqueue_indirect_dma source(%dma_start3A_234 : memref<8192x32xf32, #tpu.memory_space<hbm>>) target(%dma_start3A_228 : memref<128x32xf32, #tpu.memory_space<vmem>>) offsets(%dma_start3A_231 : memref<128xi32, #tpu.memory_space<vmem>>) semaphore(%arg13 : memref<!tpu.dma_semaphore, #tpu.memory_space<semaphore_mem>>)
    %dma_start3A_235 = arith.constant 15 : i32
    %dma_start3A_236 = arith.constant 896 : i32
    %dma_start3A_237 = arith.constant 0 : i32
    %dma_start3A_238 = tpu.memref_slice %arg7[%dma_start3A_236, %dma_start3A_237] : memref<1024x32xf32, #tpu.memory_space<vmem>> -> memref<128x32xf32, #tpu.memory_space<vmem>>
    %dma_start3A_239 = arith.constant 0 : i32
    %dma_start3A_240 = tpu.memref_slice %arg6[%dma_start3A_235, %dma_start3A_239] : memref<16x128xi32, #tpu.memory_space<vmem>> -> memref<1x128xi32, #tpu.memory_space<vmem>>
    %dma_start3A_241 = tpu.memref_squeeze %dma_start3A_240 : memref<1x128xi32, #tpu.memory_space<vmem>> -> memref<128xi32, #tpu.memory_space<vmem>>
    %dma_start3A_242 = arith.constant 0 : i32
    %dma_start3A_243 = arith.constant 0 : i32
    %dma_start3A_244 = tpu.memref_slice %arg2[%dma_start3A_242, %dma_start3A_243] : memref<8192x32xf32, #tpu.memory_space<hbm>> -> memref<8192x32xf32, #tpu.memory_space<hbm>>
    tpu.enqueue_indirect_dma source(%dma_start3A_244 : memref<8192x32xf32, #tpu.memory_space<hbm>>) target(%dma_start3A_238 : memref<128x32xf32, #tpu.memory_space<vmem>>) offsets(%dma_start3A_241 : memref<128xi32, #tpu.memory_space<vmem>>) semaphore(%arg13 : memref<!tpu.dma_semaphore, #tpu.memory_space<semaphore_mem>>)
    %dma_wait3A_245 = arith.constant 8 : i32
    %dma_wait3A_246 = arith.constant 0 : i32
    %dma_wait3A_247 = arith.constant 0 : i32
    %dma_wait3A_248 = tpu.memref_slice %arg7[%dma_wait3A_246, %dma_wait3A_247] : memref<1024x32xf32, #tpu.memory_space<vmem>> -> memref<128x32xf32, #tpu.memory_space<vmem>>
    %dma_wait3A_249 = arith.constant 0 : i32
    %dma_wait3A_250 = tpu.memref_slice %arg6[%dma_wait3A_245, %dma_wait3A_249] : memref<16x128xi32, #tpu.memory_space<vmem>> -> memref<1x128xi32, #tpu.memory_space<vmem>>
    %dma_wait3A_251 = tpu.memref_squeeze %dma_wait3A_250 : memref<1x128xi32, #tpu.memory_space<vmem>> -> memref<128xi32, #tpu.memory_space<vmem>>
    %dma_wait3A_252 = arith.constant 0 : i32
    %dma_wait3A_253 = arith.constant 0 : i32
    %dma_wait3A_254 = tpu.memref_slice %arg2[%dma_wait3A_252, %dma_wait3A_253] : memref<8192x32xf32, #tpu.memory_space<hbm>> -> memref<8192x32xf32, #tpu.memory_space<hbm>>
    tpu.wait_indirect_dma semaphore(%arg13 : memref<!tpu.dma_semaphore, #tpu.memory_space<semaphore_mem>>) src(%dma_wait3A_254 : memref<8192x32xf32, #tpu.memory_space<hbm>>) dst(%dma_wait3A_248 : memref<128x32xf32, #tpu.memory_space<vmem>>)
    %dma_wait3A_255 = arith.constant 9 : i32
    %dma_wait3A_256 = arith.constant 128 : i32
    %dma_wait3A_257 = arith.constant 0 : i32
    %dma_wait3A_258 = tpu.memref_slice %arg7[%dma_wait3A_256, %dma_wait3A_257] : memref<1024x32xf32, #tpu.memory_space<vmem>> -> memref<128x32xf32, #tpu.memory_space<vmem>>
    %dma_wait3A_259 = arith.constant 0 : i32
    %dma_wait3A_260 = tpu.memref_slice %arg6[%dma_wait3A_255, %dma_wait3A_259] : memref<16x128xi32, #tpu.memory_space<vmem>> -> memref<1x128xi32, #tpu.memory_space<vmem>>
    %dma_wait3A_261 = tpu.memref_squeeze %dma_wait3A_260 : memref<1x128xi32, #tpu.memory_space<vmem>> -> memref<128xi32, #tpu.memory_space<vmem>>
    %dma_wait3A_262 = arith.constant 0 : i32
    %dma_wait3A_263 = arith.constant 0 : i32
    %dma_wait3A_264 = tpu.memref_slice %arg2[%dma_wait3A_262, %dma_wait3A_263] : memref<8192x32xf32, #tpu.memory_space<hbm>> -> memref<8192x32xf32, #tpu.memory_space<hbm>>
    tpu.wait_indirect_dma semaphore(%arg13 : memref<!tpu.dma_semaphore, #tpu.memory_space<semaphore_mem>>) src(%dma_wait3A_264 : memref<8192x32xf32, #tpu.memory_space<hbm>>) dst(%dma_wait3A_258 : memref<128x32xf32, #tpu.memory_space<vmem>>)
    %dma_wait3A_265 = arith.constant 10 : i32
    %dma_wait3A_266 = arith.constant 256 : i32
    %dma_wait3A_267 = arith.constant 0 : i32
    %dma_wait3A_268 = tpu.memref_slice %arg7[%dma_wait3A_266, %dma_wait3A_267] : memref<1024x32xf32, #tpu.memory_space<vmem>> -> memref<128x32xf32, #tpu.memory_space<vmem>>
    %dma_wait3A_269 = arith.constant 0 : i32
    %dma_wait3A_270 = tpu.memref_slice %arg6[%dma_wait3A_265, %dma_wait3A_269] : memref<16x128xi32, #tpu.memory_space<vmem>> -> memref<1x128xi32, #tpu.memory_space<vmem>>
    %dma_wait3A_271 = tpu.memref_squeeze %dma_wait3A_270 : memref<1x128xi32, #tpu.memory_space<vmem>> -> memref<128xi32, #tpu.memory_space<vmem>>
    %dma_wait3A_272 = arith.constant 0 : i32
    %dma_wait3A_273 = arith.constant 0 : i32
    %dma_wait3A_274 = tpu.memref_slice %arg2[%dma_wait3A_272, %dma_wait3A_273] : memref<8192x32xf32, #tpu.memory_space<hbm>> -> memref<8192x32xf32, #tpu.memory_space<hbm>>
    tpu.wait_indirect_dma semaphore(%arg13 : memref<!tpu.dma_semaphore, #tpu.memory_space<semaphore_mem>>) src(%dma_wait3A_274 : memref<8192x32xf32, #tpu.memory_space<hbm>>) dst(%dma_wait3A_268 : memref<128x32xf32, #tpu.memory_space<vmem>>)
    %dma_wait3A_275 = arith.constant 11 : i32
    %dma_wait3A_276 = arith.constant 384 : i32
    %dma_wait3A_277 = arith.constant 0 : i32
    %dma_wait3A_278 = tpu.memref_slice %arg7[%dma_wait3A_276, %dma_wait3A_277] : memref<1024x32xf32, #tpu.memory_space<vmem>> -> memref<128x32xf32, #tpu.memory_space<vmem>>
    %dma_wait3A_279 = arith.constant 0 : i32
    %dma_wait3A_280 = tpu.memref_slice %arg6[%dma_wait3A_275, %dma_wait3A_279] : memref<16x128xi32, #tpu.memory_space<vmem>> -> memref<1x128xi32, #tpu.memory_space<vmem>>
    %dma_wait3A_281 = tpu.memref_squeeze %dma_wait3A_280 : memref<1x128xi32, #tpu.memory_space<vmem>> -> memref<128xi32, #tpu.memory_space<vmem>>
    %dma_wait3A_282 = arith.constant 0 : i32
    %dma_wait3A_283 = arith.constant 0 : i32
    %dma_wait3A_284 = tpu.memref_slice %arg2[%dma_wait3A_282, %dma_wait3A_283] : memref<8192x32xf32, #tpu.memory_space<hbm>> -> memref<8192x32xf32, #tpu.memory_space<hbm>>
    tpu.wait_indirect_dma semaphore(%arg13 : memref<!tpu.dma_semaphore, #tpu.memory_space<semaphore_mem>>) src(%dma_wait3A_284 : memref<8192x32xf32, #tpu.memory_space<hbm>>) dst(%dma_wait3A_278 : memref<128x32xf32, #tpu.memory_space<vmem>>)
    %dma_wait3A_285 = arith.constant 12 : i32
    %dma_wait3A_286 = arith.constant 512 : i32
    %dma_wait3A_287 = arith.constant 0 : i32
    %dma_wait3A_288 = tpu.memref_slice %arg7[%dma_wait3A_286, %dma_wait3A_287] : memref<1024x32xf32, #tpu.memory_space<vmem>> -> memref<128x32xf32, #tpu.memory_space<vmem>>
    %dma_wait3A_289 = arith.constant 0 : i32
    %dma_wait3A_290 = tpu.memref_slice %arg6[%dma_wait3A_285, %dma_wait3A_289] : memref<16x128xi32, #tpu.memory_space<vmem>> -> memref<1x128xi32, #tpu.memory_space<vmem>>
    %dma_wait3A_291 = tpu.memref_squeeze %dma_wait3A_290 : memref<1x128xi32, #tpu.memory_space<vmem>> -> memref<128xi32, #tpu.memory_space<vmem>>
    %dma_wait3A_292 = arith.constant 0 : i32
    %dma_wait3A_293 = arith.constant 0 : i32
    %dma_wait3A_294 = tpu.memref_slice %arg2[%dma_wait3A_292, %dma_wait3A_293] : memref<8192x32xf32, #tpu.memory_space<hbm>> -> memref<8192x32xf32, #tpu.memory_space<hbm>>
    tpu.wait_indirect_dma semaphore(%arg13 : memref<!tpu.dma_semaphore, #tpu.memory_space<semaphore_mem>>) src(%dma_wait3A_294 : memref<8192x32xf32, #tpu.memory_space<hbm>>) dst(%dma_wait3A_288 : memref<128x32xf32, #tpu.memory_space<vmem>>)
    %dma_wait3A_295 = arith.constant 13 : i32
    %dma_wait3A_296 = arith.constant 640 : i32
    %dma_wait3A_297 = arith.constant 0 : i32
    %dma_wait3A_298 = tpu.memref_slice %arg7[%dma_wait3A_296, %dma_wait3A_297] : memref<1024x32xf32, #tpu.memory_space<vmem>> -> memref<128x32xf32, #tpu.memory_space<vmem>>
    %dma_wait3A_299 = arith.constant 0 : i32
    %dma_wait3A_300 = tpu.memref_slice %arg6[%dma_wait3A_295, %dma_wait3A_299] : memref<16x128xi32, #tpu.memory_space<vmem>> -> memref<1x128xi32, #tpu.memory_space<vmem>>
    %dma_wait3A_301 = tpu.memref_squeeze %dma_wait3A_300 : memref<1x128xi32, #tpu.memory_space<vmem>> -> memref<128xi32, #tpu.memory_space<vmem>>
    %dma_wait3A_302 = arith.constant 0 : i32
    %dma_wait3A_303 = arith.constant 0 : i32
    %dma_wait3A_304 = tpu.memref_slice %arg2[%dma_wait3A_302, %dma_wait3A_303] : memref<8192x32xf32, #tpu.memory_space<hbm>> -> memref<8192x32xf32, #tpu.memory_space<hbm>>
    tpu.wait_indirect_dma semaphore(%arg13 : memref<!tpu.dma_semaphore, #tpu.memory_space<semaphore_mem>>) src(%dma_wait3A_304 : memref<8192x32xf32, #tpu.memory_space<hbm>>) dst(%dma_wait3A_298 : memref<128x32xf32, #tpu.memory_space<vmem>>)
    %dma_wait3A_305 = arith.constant 14 : i32
    %dma_wait3A_306 = arith.constant 768 : i32
    %dma_wait3A_307 = arith.constant 0 : i32
    %dma_wait3A_308 = tpu.memref_slice %arg7[%dma_wait3A_306, %dma_wait3A_307] : memref<1024x32xf32, #tpu.memory_space<vmem>> -> memref<128x32xf32, #tpu.memory_space<vmem>>
    %dma_wait3A_309 = arith.constant 0 : i32
    %dma_wait3A_310 = tpu.memref_slice %arg6[%dma_wait3A_305, %dma_wait3A_309] : memref<16x128xi32, #tpu.memory_space<vmem>> -> memref<1x128xi32, #tpu.memory_space<vmem>>
    %dma_wait3A_311 = tpu.memref_squeeze %dma_wait3A_310 : memref<1x128xi32, #tpu.memory_space<vmem>> -> memref<128xi32, #tpu.memory_space<vmem>>
    %dma_wait3A_312 = arith.constant 0 : i32
    %dma_wait3A_313 = arith.constant 0 : i32
    %dma_wait3A_314 = tpu.memref_slice %arg2[%dma_wait3A_312, %dma_wait3A_313] : memref<8192x32xf32, #tpu.memory_space<hbm>> -> memref<8192x32xf32, #tpu.memory_space<hbm>>
    tpu.wait_indirect_dma semaphore(%arg13 : memref<!tpu.dma_semaphore, #tpu.memory_space<semaphore_mem>>) src(%dma_wait3A_314 : memref<8192x32xf32, #tpu.memory_space<hbm>>) dst(%dma_wait3A_308 : memref<128x32xf32, #tpu.memory_space<vmem>>)
    %dma_wait3A_315 = arith.constant 15 : i32
    %dma_wait3A_316 = arith.constant 896 : i32
    %dma_wait3A_317 = arith.constant 0 : i32
    %dma_wait3A_318 = tpu.memref_slice %arg7[%dma_wait3A_316, %dma_wait3A_317] : memref<1024x32xf32, #tpu.memory_space<vmem>> -> memref<128x32xf32, #tpu.memory_space<vmem>>
    %dma_wait3A_319 = arith.constant 0 : i32
    %dma_wait3A_320 = tpu.memref_slice %arg6[%dma_wait3A_315, %dma_wait3A_319] : memref<16x128xi32, #tpu.memory_space<vmem>> -> memref<1x128xi32, #tpu.memory_space<vmem>>
    %dma_wait3A_321 = tpu.memref_squeeze %dma_wait3A_320 : memref<1x128xi32, #tpu.memory_space<vmem>> -> memref<128xi32, #tpu.memory_space<vmem>>
    %dma_wait3A_322 = arith.constant 0 : i32
    %dma_wait3A_323 = arith.constant 0 : i32
    %dma_wait3A_324 = tpu.memref_slice %arg2[%dma_wait3A_322, %dma_wait3A_323] : memref<8192x32xf32, #tpu.memory_space<hbm>> -> memref<8192x32xf32, #tpu.memory_space<hbm>>
    tpu.wait_indirect_dma semaphore(%arg13 : memref<!tpu.dma_semaphore, #tpu.memory_space<semaphore_mem>>) src(%dma_wait3A_324 : memref<8192x32xf32, #tpu.memory_space<hbm>>) dst(%dma_wait3A_318 : memref<128x32xf32, #tpu.memory_space<vmem>>)
    %mul3A_325 = arith.constant 2048 : i32
    %mul3A_326 = arith.muli %add3A, %mul3A_325 : i32
    %add3A_327 = arith.constant 1024 : i32
    %add3A_328 = arith.addi %mul3A_326, %add3A_327 : i32
    "tpu.region"() ({
      %run_scoped3A_539 = tpu.sem_alloc : memref<!tpu.dma_semaphore, #tpu.memory_space<semaphore_mem>>
      %dma_start3A_540 = arith.constant 0 : i32
      %dma_start3A_541 = tpu.memref_slice %arg4[%add3A_328, %dma_start3A_540] : memref<65536x32xf32, #tpu.memory_space<hbm>> -> memref<1024x32xf32, #tpu.memory_space<hbm>>
      %dma_start3A_542 = arith.constant 0 : i32
      %dma_start3A_543 = tpu.memref_slice %arg4[%add3A_328, %dma_start3A_542] : memref<65536x32xf32, #tpu.memory_space<hbm>> -> memref<1024x32xf32, #tpu.memory_space<hbm>>
      tpu.enqueue_dma source(%arg7 : memref<1024x32xf32, #tpu.memory_space<vmem>>) target(%dma_start3A_543 : memref<1024x32xf32, #tpu.memory_space<hbm>>) target_semaphore(%run_scoped3A_539 : memref<!tpu.dma_semaphore, #tpu.memory_space<semaphore_mem>>)
      %dma_wait3A_544 = arith.constant 0 : i32
      %dma_wait3A_545 = tpu.memref_slice %arg4[%add3A_328, %dma_wait3A_544] : memref<65536x32xf32, #tpu.memory_space<hbm>> -> memref<1024x32xf32, #tpu.memory_space<hbm>>
      %dma_wait3A_546 = arith.constant 0 : i32
      %dma_wait3A_547 = tpu.memref_slice %arg4[%add3A_328, %dma_wait3A_546] : memref<65536x32xf32, #tpu.memory_space<hbm>> -> memref<1024x32xf32, #tpu.memory_space<hbm>>
      tpu.wait_dma2 semaphore(%run_scoped3A_539 : memref<!tpu.dma_semaphore, #tpu.memory_space<semaphore_mem>>) src(%arg7 : memref<1024x32xf32, #tpu.memory_space<vmem>>) dst(%dma_wait3A_547 : memref<1024x32xf32, #tpu.memory_space<hbm>>)
      tpu.yield
    }) : () -> ()
    %iota3A = tpu.iota {dimensions = array<i32: 0>} : vector<16xi32>
    %broadcast_in_dim3A = arith.constant 1.000000e+00 : f32
    %broadcast_in_dim3A_329 = vector.broadcast %broadcast_in_dim3A : f32 to vector<16xf32>
    %scan3A = arith.constant 0 : i32
    %scan3A_330 = arith.constant 0 : i32
    %scan3A_331 = arith.constant 256 : i32
    %scan3A_332 = arith.addi %scan3A_330, %scan3A_331 : i32
    %scan3A_333 = arith.constant 1 : i32
    %scan3A_334 = scf.for %scan3A_539 = %scan3A_330 to %scan3A_332 step %scan3A_333 iter_args(%scan3A_540 = %scan3A) -> (i32)  : i32 {
      %mul3A_541 = arith.constant 16 : i32
      %mul3A_542 = arith.muli %scan3A_539, %mul3A_541 : i32
      %broadcast_in_dim3A_543 = arith.constant 0.000000e+00 : f32
      %broadcast_in_dim3A_544 = vector.broadcast %broadcast_in_dim3A_543 : f32 to vector<16xf32>
      %swap3A = arith.constant 0 : i32
      %swap3A_545 = arith.index_cast %swap3A : i32 to index
      %swap3A_546 = arith.index_cast %mul3A_542 : i32 to index
      %swap3A_547 = tpu.vector_load %arg8[%swap3A_545, %swap3A_546] {strides = array<i32>} : memref<16x4096xf32, #tpu.memory_space<vmem>>, vector<16xf32>,
      tpu.vector_store %arg8[%swap3A_545, %swap3A_546], %broadcast_in_dim3A_544 {strides = array<i32>} : memref<16x4096xf32, #tpu.memory_space<vmem>>, vector<16xf32>,
      %broadcast_in_dim3A_548 = arith.constant 0.000000e+00 : f32
      %broadcast_in_dim3A_549 = vector.broadcast %broadcast_in_dim3A_548 : f32 to vector<16xf32>
      %swap3A_550 = arith.constant 1 : i32
      %swap3A_551 = arith.index_cast %swap3A_550 : i32 to index
      %swap3A_552 = arith.index_cast %mul3A_542 : i32 to index
      %swap3A_553 = tpu.vector_load %arg8[%swap3A_551, %swap3A_552] {strides = array<i32>} : memref<16x4096xf32, #tpu.memory_space<vmem>>, vector<16xf32>,
      tpu.vector_store %arg8[%swap3A_551, %swap3A_552], %broadcast_in_dim3A_549 {strides = array<i32>} : memref<16x4096xf32, #tpu.memory_space<vmem>>, vector<16xf32>,
      %broadcast_in_dim3A_554 = arith.constant 0.000000e+00 : f32
      %broadcast_in_dim3A_555 = vector.broadcast %broadcast_in_dim3A_554 : f32 to vector<16xf32>
      %swap3A_556 = arith.constant 2 : i32
      %swap3A_557 = arith.index_cast %swap3A_556 : i32 to index
      %swap3A_558 = arith.index_cast %mul3A_542 : i32 to index
      %swap3A_559 = tpu.vector_load %arg8[%swap3A_557, %swap3A_558] {strides = array<i32>} : memref<16x4096xf32, #tpu.memory_space<vmem>>, vector<16xf32>,
      tpu.vector_store %arg8[%swap3A_557, %swap3A_558], %broadcast_in_dim3A_555 {strides = array<i32>} : memref<16x4096xf32, #tpu.memory_space<vmem>>, vector<16xf32>,
      %broadcast_in_dim3A_560 = arith.constant 0.000000e+00 : f32
      %broadcast_in_dim3A_561 = vector.broadcast %broadcast_in_dim3A_560 : f32 to vector<16xf32>
      %swap3A_562 = arith.constant 3 : i32
      %swap3A_563 = arith.index_cast %swap3A_562 : i32 to index
      %swap3A_564 = arith.index_cast %mul3A_542 : i32 to index
      %swap3A_565 = tpu.vector_load %arg8[%swap3A_563, %swap3A_564] {strides = array<i32>} : memref<16x4096xf32, #tpu.memory_space<vmem>>, vector<16xf32>,
      tpu.vector_store %arg8[%swap3A_563, %swap3A_564], %broadcast_in_dim3A_561 {strides = array<i32>} : memref<16x4096xf32, #tpu.memory_space<vmem>>, vector<16xf32>,
      %broadcast_in_dim3A_566 = arith.constant 0.000000e+00 : f32
      %broadcast_in_dim3A_567 = vector.broadcast %broadcast_in_dim3A_566 : f32 to vector<16xf32>
      %swap3A_568 = arith.constant 4 : i32
      %swap3A_569 = arith.index_cast %swap3A_568 : i32 to index
      %swap3A_570 = arith.index_cast %mul3A_542 : i32 to index
      %swap3A_571 = tpu.vector_load %arg8[%swap3A_569, %swap3A_570] {strides = array<i32>} : memref<16x4096xf32, #tpu.memory_space<vmem>>, vector<16xf32>,
      tpu.vector_store %arg8[%swap3A_569, %swap3A_570], %broadcast_in_dim3A_567 {strides = array<i32>} : memref<16x4096xf32, #tpu.memory_space<vmem>>, vector<16xf32>,
      %broadcast_in_dim3A_572 = arith.constant 0.000000e+00 : f32
      %broadcast_in_dim3A_573 = vector.broadcast %broadcast_in_dim3A_572 : f32 to vector<16xf32>
      %swap3A_574 = arith.constant 5 : i32
      %swap3A_575 = arith.index_cast %swap3A_574 : i32 to index
      %swap3A_576 = arith.index_cast %mul3A_542 : i32 to index
      %swap3A_577 = tpu.vector_load %arg8[%swap3A_575, %swap3A_576] {strides = array<i32>} : memref<16x4096xf32, #tpu.memory_space<vmem>>, vector<16xf32>,
      tpu.vector_store %arg8[%swap3A_575, %swap3A_576], %broadcast_in_dim3A_573 {strides = array<i32>} : memref<16x4096xf32, #tpu.memory_space<vmem>>, vector<16xf32>,
      %broadcast_in_dim3A_578 = arith.constant 0.000000e+00 : f32
      %broadcast_in_dim3A_579 = vector.broadcast %broadcast_in_dim3A_578 : f32 to vector<16xf32>
      %swap3A_580 = arith.constant 6 : i32
      %swap3A_581 = arith.index_cast %swap3A_580 : i32 to index
      %swap3A_582 = arith.index_cast %mul3A_542 : i32 to index
      %swap3A_583 = tpu.vector_load %arg8[%swap3A_581, %swap3A_582] {strides = array<i32>} : memref<16x4096xf32, #tpu.memory_space<vmem>>, vector<16xf32>,
      tpu.vector_store %arg8[%swap3A_581, %swap3A_582], %broadcast_in_dim3A_579 {strides = array<i32>} : memref<16x4096xf32, #tpu.memory_space<vmem>>, vector<16xf32>,
      %broadcast_in_dim3A_584 = arith.constant 0.000000e+00 : f32
      %broadcast_in_dim3A_585 = vector.broadcast %broadcast_in_dim3A_584 : f32 to vector<16xf32>
      %swap3A_586 = arith.constant 7 : i32
      %swap3A_587 = arith.index_cast %swap3A_586 : i32 to index
      %swap3A_588 = arith.index_cast %mul3A_542 : i32 to index
      %swap3A_589 = tpu.vector_load %arg8[%swap3A_587, %swap3A_588] {strides = array<i32>} : memref<16x4096xf32, #tpu.memory_space<vmem>>, vector<16xf32>,
      tpu.vector_store %arg8[%swap3A_587, %swap3A_588], %broadcast_in_dim3A_585 {strides = array<i32>} : memref<16x4096xf32, #tpu.memory_space<vmem>>, vector<16xf32>,
      %broadcast_in_dim3A_590 = arith.constant 0.000000e+00 : f32
      %broadcast_in_dim3A_591 = vector.broadcast %broadcast_in_dim3A_590 : f32 to vector<16xf32>
      %swap3A_592 = arith.constant 8 : i32
      %swap3A_593 = arith.index_cast %swap3A_592 : i32 to index
      %swap3A_594 = arith.index_cast %mul3A_542 : i32 to index
      %swap3A_595 = tpu.vector_load %arg8[%swap3A_593, %swap3A_594] {strides = array<i32>} : memref<16x4096xf32, #tpu.memory_space<vmem>>, vector<16xf32>,
      tpu.vector_store %arg8[%swap3A_593, %swap3A_594], %broadcast_in_dim3A_591 {strides = array<i32>} : memref<16x4096xf32, #tpu.memory_space<vmem>>, vector<16xf32>,
      %broadcast_in_dim3A_596 = arith.constant 0.000000e+00 : f32
      %broadcast_in_dim3A_597 = vector.broadcast %broadcast_in_dim3A_596 : f32 to vector<16xf32>
      %swap3A_598 = arith.constant 9 : i32
      %swap3A_599 = arith.index_cast %swap3A_598 : i32 to index
      %swap3A_600 = arith.index_cast %mul3A_542 : i32 to index
      %swap3A_601 = tpu.vector_load %arg8[%swap3A_599, %swap3A_600] {strides = array<i32>} : memref<16x4096xf32, #tpu.memory_space<vmem>>, vector<16xf32>,
      tpu.vector_store %arg8[%swap3A_599, %swap3A_600], %broadcast_in_dim3A_597 {strides = array<i32>} : memref<16x4096xf32, #tpu.memory_space<vmem>>, vector<16xf32>,
      %broadcast_in_dim3A_602 = arith.constant 0.000000e+00 : f32
      %broadcast_in_dim3A_603 = vector.broadcast %broadcast_in_dim3A_602 : f32 to vector<16xf32>
      %swap3A_604 = arith.constant 10 : i32
      %swap3A_605 = arith.index_cast %swap3A_604 : i32 to index
      %swap3A_606 = arith.index_cast %mul3A_542 : i32 to index
      %swap3A_607 = tpu.vector_load %arg8[%swap3A_605, %swap3A_606] {strides = array<i32>} : memref<16x4096xf32, #tpu.memory_space<vmem>>, vector<16xf32>,
      tpu.vector_store %arg8[%swap3A_605, %swap3A_606], %broadcast_in_dim3A_603 {strides = array<i32>} : memref<16x4096xf32, #tpu.memory_space<vmem>>, vector<16xf32>,
      %broadcast_in_dim3A_608 = arith.constant 0.000000e+00 : f32
      %broadcast_in_dim3A_609 = vector.broadcast %broadcast_in_dim3A_608 : f32 to vector<16xf32>
      %swap3A_610 = arith.constant 11 : i32
      %swap3A_611 = arith.index_cast %swap3A_610 : i32 to index
      %swap3A_612 = arith.index_cast %mul3A_542 : i32 to index
      %swap3A_613 = tpu.vector_load %arg8[%swap3A_611, %swap3A_612] {strides = array<i32>} : memref<16x4096xf32, #tpu.memory_space<vmem>>, vector<16xf32>,
      tpu.vector_store %arg8[%swap3A_611, %swap3A_612], %broadcast_in_dim3A_609 {strides = array<i32>} : memref<16x4096xf32, #tpu.memory_space<vmem>>, vector<16xf32>,
      %broadcast_in_dim3A_614 = arith.constant 0.000000e+00 : f32
      %broadcast_in_dim3A_615 = vector.broadcast %broadcast_in_dim3A_614 : f32 to vector<16xf32>
      %swap3A_616 = arith.constant 12 : i32
      %swap3A_617 = arith.index_cast %swap3A_616 : i32 to index
      %swap3A_618 = arith.index_cast %mul3A_542 : i32 to index
      %swap3A_619 = tpu.vector_load %arg8[%swap3A_617, %swap3A_618] {strides = array<i32>} : memref<16x4096xf32, #tpu.memory_space<vmem>>, vector<16xf32>,
      tpu.vector_store %arg8[%swap3A_617, %swap3A_618], %broadcast_in_dim3A_615 {strides = array<i32>} : memref<16x4096xf32, #tpu.memory_space<vmem>>, vector<16xf32>,
      %broadcast_in_dim3A_620 = arith.constant 0.000000e+00 : f32
      %broadcast_in_dim3A_621 = vector.broadcast %broadcast_in_dim3A_620 : f32 to vector<16xf32>
      %swap3A_622 = arith.constant 13 : i32
      %swap3A_623 = arith.index_cast %swap3A_622 : i32 to index
      %swap3A_624 = arith.index_cast %mul3A_542 : i32 to index
      %swap3A_625 = tpu.vector_load %arg8[%swap3A_623, %swap3A_624] {strides = array<i32>} : memref<16x4096xf32, #tpu.memory_space<vmem>>, vector<16xf32>,
      tpu.vector_store %arg8[%swap3A_623, %swap3A_624], %broadcast_in_dim3A_621 {strides = array<i32>} : memref<16x4096xf32, #tpu.memory_space<vmem>>, vector<16xf32>,
      %broadcast_in_dim3A_626 = arith.constant 0.000000e+00 : f32
      %broadcast_in_dim3A_627 = vector.broadcast %broadcast_in_dim3A_626 : f32 to vector<16xf32>
      %swap3A_628 = arith.constant 14 : i32
      %swap3A_629 = arith.index_cast %swap3A_628 : i32 to index
      %swap3A_630 = arith.index_cast %mul3A_542 : i32 to index
      %swap3A_631 = tpu.vector_load %arg8[%swap3A_629, %swap3A_630] {strides = array<i32>} : memref<16x4096xf32, #tpu.memory_space<vmem>>, vector<16xf32>,
      tpu.vector_store %arg8[%swap3A_629, %swap3A_630], %broadcast_in_dim3A_627 {strides = array<i32>} : memref<16x4096xf32, #tpu.memory_space<vmem>>, vector<16xf32>,
      %broadcast_in_dim3A_632 = arith.constant 0.000000e+00 : f32
      %broadcast_in_dim3A_633 = vector.broadcast %broadcast_in_dim3A_632 : f32 to vector<16xf32>
      %swap3A_634 = arith.constant 15 : i32
      %swap3A_635 = arith.index_cast %swap3A_634 : i32 to index
      %swap3A_636 = arith.index_cast %mul3A_542 : i32 to index
      %swap3A_637 = tpu.vector_load %arg8[%swap3A_635, %swap3A_636] {strides = array<i32>} : memref<16x4096xf32, #tpu.memory_space<vmem>>, vector<16xf32>,
      tpu.vector_store %arg8[%swap3A_635, %swap3A_636], %broadcast_in_dim3A_633 {strides = array<i32>} : memref<16x4096xf32, #tpu.memory_space<vmem>>, vector<16xf32>,
      %scan3A_638 = arith.constant 0 : i32
      scf.yield %scan3A_638 : i32
    }
    %scan3A_335 = arith.constant 256 : i32
    %scan3A_336 = arith.constant 0 : i32
    %scan3A_337 = arith.constant 0 : i32
    %scan3A_338 = arith.constant 16 : i32
    %scan3A_339 = arith.addi %scan3A_337, %scan3A_338 : i32
    %scan3A_340 = arith.constant 1 : i32
    %scan3A_341 = scf.for %scan3A_539 = %scan3A_337 to %scan3A_339 step %scan3A_340 iter_args(%scan3A_540 = %scan3A_336) -> (i32)  : i32 {
      %scan3A_541 = arith.constant 0 : i32
      %scan3A_542 = arith.constant 0 : i32
      %scan3A_543 = arith.constant 8 : i32
      %scan3A_544 = arith.addi %scan3A_542, %scan3A_543 : i32
      %scan3A_545 = arith.constant 1 : i32
      %scan3A_546 = scf.for %scan3A_549 = %scan3A_542 to %scan3A_544 step %scan3A_545 iter_args(%scan3A_550 = %scan3A_541) -> (i32)  : i32 {
        %mul3A_551 = arith.constant 16 : i32
        %mul3A_552 = arith.muli %scan3A_549, %mul3A_551 : i32
        %get3A = arith.index_cast %scan3A_539 : i32 to index
        %get3A_553 = arith.index_cast %mul3A_552 : i32 to index
        %get3A_554 = tpu.vector_load %arg6[%get3A, %get3A_553] {strides = array<i32>} : memref<16x128xi32, #tpu.memory_space<vmem>>, vector<16xi32>,
        %ge3A = arith.constant 0 : i32
        %ge3A_555 = vector.broadcast %ge3A : i32 to vector<16xi32>
        %ge3A_556 = arith.cmpi sge, %get3A_554, %ge3A_555 : vector<16xi32>
        %lt3A = arith.constant 4096 : i32
        %lt3A_557 = vector.broadcast %lt3A : i32 to vector<16xi32>
        %lt3A_558 = arith.cmpi slt, %get3A_554, %lt3A_557 : vector<16xi32>
        %and3A = arith.andi %ge3A_556, %lt3A_558 : vector<16xi1>
        %sub3A = arith.constant 0 : i32
        %sub3A_559 = vector.broadcast %sub3A : i32 to vector<16xi32>
        %sub3A_560 = arith.subi %get3A_554, %sub3A_559 : vector<16xi32>
        tpu.vector_store_idx %arg8[%iota3A, %sub3A_560], %broadcast_in_dim3A_329 masked %and3A {add = true} : memref<16x4096xf32, #tpu.memory_space<vmem>>[vector<16xi32>, vector<16xi32>], vector<16xf32>, vector<16xi1>
        %scan3A_561 = arith.constant 0 : i32
        scf.yield %scan3A_561 : i32
      }
      %scan3A_547 = arith.constant 8 : i32
      %scan3A_548 = arith.constant 0 : i32
      scf.yield %scan3A_548 : i32
    }
    %scan3A_342 = arith.constant 16 : i32
    %scan3A_343 = arith.constant 0 : i32
    %scan3A_344 = arith.constant 0 : i32
    %scan3A_345 = arith.constant 256 : i32
    %scan3A_346 = arith.addi %scan3A_344, %scan3A_345 : i32
    %scan3A_347 = arith.constant 1 : i32
    %scan3A_348 = scf.for %scan3A_539 = %scan3A_344 to %scan3A_346 step %scan3A_347 iter_args(%scan3A_540 = %scan3A_343) -> (i32)  : i32 {
      %mul3A_541 = arith.constant 16 : i32
      %mul3A_542 = arith.muli %scan3A_539, %mul3A_541 : i32
      %get3A = arith.constant 0 : i32
      %get3A_543 = arith.index_cast %get3A : i32 to index
      %get3A_544 = arith.index_cast %mul3A_542 : i32 to index
      %get3A_545 = tpu.vector_load %arg8[%get3A_543, %get3A_544] {strides = array<i32>} : memref<16x4096xf32, #tpu.memory_space<vmem>>, vector<16xf32>,
      %get3A_546 = arith.constant 1 : i32
      %get3A_547 = arith.index_cast %get3A_546 : i32 to index
      %get3A_548 = arith.index_cast %mul3A_542 : i32 to index
      %get3A_549 = tpu.vector_load %arg8[%get3A_547, %get3A_548] {strides = array<i32>} : memref<16x4096xf32, #tpu.memory_space<vmem>>, vector<16xf32>,
      %add3A_550 = arith.addf %get3A_545, %get3A_549 : vector<16xf32>
      %get3A_551 = arith.constant 2 : i32
      %get3A_552 = arith.index_cast %get3A_551 : i32 to index
      %get3A_553 = arith.index_cast %mul3A_542 : i32 to index
      %get3A_554 = tpu.vector_load %arg8[%get3A_552, %get3A_553] {strides = array<i32>} : memref<16x4096xf32, #tpu.memory_space<vmem>>, vector<16xf32>,
      %add3A_555 = arith.addf %add3A_550, %get3A_554 : vector<16xf32>
      %get3A_556 = arith.constant 3 : i32
      %get3A_557 = arith.index_cast %get3A_556 : i32 to index
      %get3A_558 = arith.index_cast %mul3A_542 : i32 to index
      %get3A_559 = tpu.vector_load %arg8[%get3A_557, %get3A_558] {strides = array<i32>} : memref<16x4096xf32, #tpu.memory_space<vmem>>, vector<16xf32>,
      %add3A_560 = arith.addf %add3A_555, %get3A_559 : vector<16xf32>
      %get3A_561 = arith.constant 4 : i32
      %get3A_562 = arith.index_cast %get3A_561 : i32 to index
      %get3A_563 = arith.index_cast %mul3A_542 : i32 to index
      %get3A_564 = tpu.vector_load %arg8[%get3A_562, %get3A_563] {strides = array<i32>} : memref<16x4096xf32, #tpu.memory_space<vmem>>, vector<16xf32>,
      %add3A_565 = arith.addf %add3A_560, %get3A_564 : vector<16xf32>
      %get3A_566 = arith.constant 5 : i32
      %get3A_567 = arith.index_cast %get3A_566 : i32 to index
      %get3A_568 = arith.index_cast %mul3A_542 : i32 to index
      %get3A_569 = tpu.vector_load %arg8[%get3A_567, %get3A_568] {strides = array<i32>} : memref<16x4096xf32, #tpu.memory_space<vmem>>, vector<16xf32>,
      %add3A_570 = arith.addf %add3A_565, %get3A_569 : vector<16xf32>
      %get3A_571 = arith.constant 6 : i32
      %get3A_572 = arith.index_cast %get3A_571 : i32 to index
      %get3A_573 = arith.index_cast %mul3A_542 : i32 to index
      %get3A_574 = tpu.vector_load %arg8[%get3A_572, %get3A_573] {strides = array<i32>} : memref<16x4096xf32, #tpu.memory_space<vmem>>, vector<16xf32>,
      %add3A_575 = arith.addf %add3A_570, %get3A_574 : vector<16xf32>
      %get3A_576 = arith.constant 7 : i32
      %get3A_577 = arith.index_cast %get3A_576 : i32 to index
      %get3A_578 = arith.index_cast %mul3A_542 : i32 to index
      %get3A_579 = tpu.vector_load %arg8[%get3A_577, %get3A_578] {strides = array<i32>} : memref<16x4096xf32, #tpu.memory_space<vmem>>, vector<16xf32>,
      %add3A_580 = arith.addf %add3A_575, %get3A_579 : vector<16xf32>
      %get3A_581 = arith.constant 8 : i32
      %get3A_582 = arith.index_cast %get3A_581 : i32 to index
      %get3A_583 = arith.index_cast %mul3A_542 : i32 to index
      %get3A_584 = tpu.vector_load %arg8[%get3A_582, %get3A_583] {strides = array<i32>} : memref<16x4096xf32, #tpu.memory_space<vmem>>, vector<16xf32>,
      %add3A_585 = arith.addf %add3A_580, %get3A_584 : vector<16xf32>
      %get3A_586 = arith.constant 9 : i32
      %get3A_587 = arith.index_cast %get3A_586 : i32 to index
      %get3A_588 = arith.index_cast %mul3A_542 : i32 to index
      %get3A_589 = tpu.vector_load %arg8[%get3A_587, %get3A_588] {strides = array<i32>} : memref<16x4096xf32, #tpu.memory_space<vmem>>, vector<16xf32>,
      %add3A_590 = arith.addf %add3A_585, %get3A_589 : vector<16xf32>
      %get3A_591 = arith.constant 10 : i32
      %get3A_592 = arith.index_cast %get3A_591 : i32 to index
      %get3A_593 = arith.index_cast %mul3A_542 : i32 to index
      %get3A_594 = tpu.vector_load %arg8[%get3A_592, %get3A_593] {strides = array<i32>} : memref<16x4096xf32, #tpu.memory_space<vmem>>, vector<16xf32>,
      %add3A_595 = arith.addf %add3A_590, %get3A_594 : vector<16xf32>
      %get3A_596 = arith.constant 11 : i32
      %get3A_597 = arith.index_cast %get3A_596 : i32 to index
      %get3A_598 = arith.index_cast %mul3A_542 : i32 to index
      %get3A_599 = tpu.vector_load %arg8[%get3A_597, %get3A_598] {strides = array<i32>} : memref<16x4096xf32, #tpu.memory_space<vmem>>, vector<16xf32>,
      %add3A_600 = arith.addf %add3A_595, %get3A_599 : vector<16xf32>
      %get3A_601 = arith.constant 12 : i32
      %get3A_602 = arith.index_cast %get3A_601 : i32 to index
      %get3A_603 = arith.index_cast %mul3A_542 : i32 to index
      %get3A_604 = tpu.vector_load %arg8[%get3A_602, %get3A_603] {strides = array<i32>} : memref<16x4096xf32, #tpu.memory_space<vmem>>, vector<16xf32>,
      %add3A_605 = arith.addf %add3A_600, %get3A_604 : vector<16xf32>
      %get3A_606 = arith.constant 13 : i32
      %get3A_607 = arith.index_cast %get3A_606 : i32 to index
      %get3A_608 = arith.index_cast %mul3A_542 : i32 to index
      %get3A_609 = tpu.vector_load %arg8[%get3A_607, %get3A_608] {strides = array<i32>} : memref<16x4096xf32, #tpu.memory_space<vmem>>, vector<16xf32>,
      %add3A_610 = arith.addf %add3A_605, %get3A_609 : vector<16xf32>
      %get3A_611 = arith.constant 14 : i32
      %get3A_612 = arith.index_cast %get3A_611 : i32 to index
      %get3A_613 = arith.index_cast %mul3A_542 : i32 to index
      %get3A_614 = tpu.vector_load %arg8[%get3A_612, %get3A_613] {strides = array<i32>} : memref<16x4096xf32, #tpu.memory_space<vmem>>, vector<16xf32>,
      %add3A_615 = arith.addf %add3A_610, %get3A_614 : vector<16xf32>
      %get3A_616 = arith.constant 15 : i32
      %get3A_617 = arith.index_cast %get3A_616 : i32 to index
      %get3A_618 = arith.index_cast %mul3A_542 : i32 to index
      %get3A_619 = tpu.vector_load %arg8[%get3A_617, %get3A_618] {strides = array<i32>} : memref<16x4096xf32, #tpu.memory_space<vmem>>, vector<16xf32>,
      %add3A_620 = arith.addf %add3A_615, %get3A_619 : vector<16xf32>
      %mul3A_621 = arith.constant 16 : i32
      %mul3A_622 = arith.muli %scan3A_539, %mul3A_621 : i32
      %add3A_623 = arith.constant 0 : i32
      %add3A_624 = arith.addi %add3A_623, %mul3A_622 : i32
      %swap3A = arith.index_cast %add3A_624 : i32 to index
      %swap3A_625 = tpu.vector_load %arg9[%swap3A] {strides = array<i32>} : memref<8192xf32, #tpu.memory_space<vmem>>, vector<16xf32>,
      tpu.vector_store %arg9[%swap3A], %add3A_620 {strides = array<i32>} : memref<8192xf32, #tpu.memory_space<vmem>>, vector<16xf32>,
      %scan3A_626 = arith.constant 0 : i32
      scf.yield %scan3A_626 : i32
    }
    %scan3A_349 = arith.constant 256 : i32
    %scan3A_350 = arith.constant 0 : i32
    %scan3A_351 = arith.constant 0 : i32
    %scan3A_352 = arith.constant 256 : i32
    %scan3A_353 = arith.addi %scan3A_351, %scan3A_352 : i32
    %scan3A_354 = arith.constant 1 : i32
    %scan3A_355 = scf.for %scan3A_539 = %scan3A_351 to %scan3A_353 step %scan3A_354 iter_args(%scan3A_540 = %scan3A_350) -> (i32)  : i32 {
      %mul3A_541 = arith.constant 16 : i32
      %mul3A_542 = arith.muli %scan3A_539, %mul3A_541 : i32
      %broadcast_in_dim3A_543 = arith.constant 0.000000e+00 : f32
      %broadcast_in_dim3A_544 = vector.broadcast %broadcast_in_dim3A_543 : f32 to vector<16xf32>
      %swap3A = arith.constant 0 : i32
      %swap3A_545 = arith.index_cast %swap3A : i32 to index
      %swap3A_546 = arith.index_cast %mul3A_542 : i32 to index
      %swap3A_547 = tpu.vector_load %arg8[%swap3A_545, %swap3A_546] {strides = array<i32>} : memref<16x4096xf32, #tpu.memory_space<vmem>>, vector<16xf32>,
      tpu.vector_store %arg8[%swap3A_545, %swap3A_546], %broadcast_in_dim3A_544 {strides = array<i32>} : memref<16x4096xf32, #tpu.memory_space<vmem>>, vector<16xf32>,
      %broadcast_in_dim3A_548 = arith.constant 0.000000e+00 : f32
      %broadcast_in_dim3A_549 = vector.broadcast %broadcast_in_dim3A_548 : f32 to vector<16xf32>
      %swap3A_550 = arith.constant 1 : i32
      %swap3A_551 = arith.index_cast %swap3A_550 : i32 to index
      %swap3A_552 = arith.index_cast %mul3A_542 : i32 to index
      %swap3A_553 = tpu.vector_load %arg8[%swap3A_551, %swap3A_552] {strides = array<i32>} : memref<16x4096xf32, #tpu.memory_space<vmem>>, vector<16xf32>,
      tpu.vector_store %arg8[%swap3A_551, %swap3A_552], %broadcast_in_dim3A_549 {strides = array<i32>} : memref<16x4096xf32, #tpu.memory_space<vmem>>, vector<16xf32>,
      %broadcast_in_dim3A_554 = arith.constant 0.000000e+00 : f32
      %broadcast_in_dim3A_555 = vector.broadcast %broadcast_in_dim3A_554 : f32 to vector<16xf32>
      %swap3A_556 = arith.constant 2 : i32
      %swap3A_557 = arith.index_cast %swap3A_556 : i32 to index
      %swap3A_558 = arith.index_cast %mul3A_542 : i32 to index
      %swap3A_559 = tpu.vector_load %arg8[%swap3A_557, %swap3A_558] {strides = array<i32>} : memref<16x4096xf32, #tpu.memory_space<vmem>>, vector<16xf32>,
      tpu.vector_store %arg8[%swap3A_557, %swap3A_558], %broadcast_in_dim3A_555 {strides = array<i32>} : memref<16x4096xf32, #tpu.memory_space<vmem>>, vector<16xf32>,
      %broadcast_in_dim3A_560 = arith.constant 0.000000e+00 : f32
      %broadcast_in_dim3A_561 = vector.broadcast %broadcast_in_dim3A_560 : f32 to vector<16xf32>
      %swap3A_562 = arith.constant 3 : i32
      %swap3A_563 = arith.index_cast %swap3A_562 : i32 to index
      %swap3A_564 = arith.index_cast %mul3A_542 : i32 to index
      %swap3A_565 = tpu.vector_load %arg8[%swap3A_563, %swap3A_564] {strides = array<i32>} : memref<16x4096xf32, #tpu.memory_space<vmem>>, vector<16xf32>,
      tpu.vector_store %arg8[%swap3A_563, %swap3A_564], %broadcast_in_dim3A_561 {strides = array<i32>} : memref<16x4096xf32, #tpu.memory_space<vmem>>, vector<16xf32>,
      %broadcast_in_dim3A_566 = arith.constant 0.000000e+00 : f32
      %broadcast_in_dim3A_567 = vector.broadcast %broadcast_in_dim3A_566 : f32 to vector<16xf32>
      %swap3A_568 = arith.constant 4 : i32
      %swap3A_569 = arith.index_cast %swap3A_568 : i32 to index
      %swap3A_570 = arith.index_cast %mul3A_542 : i32 to index
      %swap3A_571 = tpu.vector_load %arg8[%swap3A_569, %swap3A_570] {strides = array<i32>} : memref<16x4096xf32, #tpu.memory_space<vmem>>, vector<16xf32>,
      tpu.vector_store %arg8[%swap3A_569, %swap3A_570], %broadcast_in_dim3A_567 {strides = array<i32>} : memref<16x4096xf32, #tpu.memory_space<vmem>>, vector<16xf32>,
      %broadcast_in_dim3A_572 = arith.constant 0.000000e+00 : f32
      %broadcast_in_dim3A_573 = vector.broadcast %broadcast_in_dim3A_572 : f32 to vector<16xf32>
      %swap3A_574 = arith.constant 5 : i32
      %swap3A_575 = arith.index_cast %swap3A_574 : i32 to index
      %swap3A_576 = arith.index_cast %mul3A_542 : i32 to index
      %swap3A_577 = tpu.vector_load %arg8[%swap3A_575, %swap3A_576] {strides = array<i32>} : memref<16x4096xf32, #tpu.memory_space<vmem>>, vector<16xf32>,
      tpu.vector_store %arg8[%swap3A_575, %swap3A_576], %broadcast_in_dim3A_573 {strides = array<i32>} : memref<16x4096xf32, #tpu.memory_space<vmem>>, vector<16xf32>,
      %broadcast_in_dim3A_578 = arith.constant 0.000000e+00 : f32
      %broadcast_in_dim3A_579 = vector.broadcast %broadcast_in_dim3A_578 : f32 to vector<16xf32>
      %swap3A_580 = arith.constant 6 : i32
      %swap3A_581 = arith.index_cast %swap3A_580 : i32 to index
      %swap3A_582 = arith.index_cast %mul3A_542 : i32 to index
      %swap3A_583 = tpu.vector_load %arg8[%swap3A_581, %swap3A_582] {strides = array<i32>} : memref<16x4096xf32, #tpu.memory_space<vmem>>, vector<16xf32>,
      tpu.vector_store %arg8[%swap3A_581, %swap3A_582], %broadcast_in_dim3A_579 {strides = array<i32>} : memref<16x4096xf32, #tpu.memory_space<vmem>>, vector<16xf32>,
      %broadcast_in_dim3A_584 = arith.constant 0.000000e+00 : f32
      %broadcast_in_dim3A_585 = vector.broadcast %broadcast_in_dim3A_584 : f32 to vector<16xf32>
      %swap3A_586 = arith.constant 7 : i32
      %swap3A_587 = arith.index_cast %swap3A_586 : i32 to index
      %swap3A_588 = arith.index_cast %mul3A_542 : i32 to index
      %swap3A_589 = tpu.vector_load %arg8[%swap3A_587, %swap3A_588] {strides = array<i32>} : memref<16x4096xf32, #tpu.memory_space<vmem>>, vector<16xf32>,
      tpu.vector_store %arg8[%swap3A_587, %swap3A_588], %broadcast_in_dim3A_585 {strides = array<i32>} : memref<16x4096xf32, #tpu.memory_space<vmem>>, vector<16xf32>,
      %broadcast_in_dim3A_590 = arith.constant 0.000000e+00 : f32
      %broadcast_in_dim3A_591 = vector.broadcast %broadcast_in_dim3A_590 : f32 to vector<16xf32>
      %swap3A_592 = arith.constant 8 : i32
      %swap3A_593 = arith.index_cast %swap3A_592 : i32 to index
      %swap3A_594 = arith.index_cast %mul3A_542 : i32 to index
      %swap3A_595 = tpu.vector_load %arg8[%swap3A_593, %swap3A_594] {strides = array<i32>} : memref<16x4096xf32, #tpu.memory_space<vmem>>, vector<16xf32>,
      tpu.vector_store %arg8[%swap3A_593, %swap3A_594], %broadcast_in_dim3A_591 {strides = array<i32>} : memref<16x4096xf32, #tpu.memory_space<vmem>>, vector<16xf32>,
      %broadcast_in_dim3A_596 = arith.constant 0.000000e+00 : f32
      %broadcast_in_dim3A_597 = vector.broadcast %broadcast_in_dim3A_596 : f32 to vector<16xf32>
      %swap3A_598 = arith.constant 9 : i32
      %swap3A_599 = arith.index_cast %swap3A_598 : i32 to index
      %swap3A_600 = arith.index_cast %mul3A_542 : i32 to index
      %swap3A_601 = tpu.vector_load %arg8[%swap3A_599, %swap3A_600] {strides = array<i32>} : memref<16x4096xf32, #tpu.memory_space<vmem>>, vector<16xf32>,
      tpu.vector_store %arg8[%swap3A_599, %swap3A_600], %broadcast_in_dim3A_597 {strides = array<i32>} : memref<16x4096xf32, #tpu.memory_space<vmem>>, vector<16xf32>,
      %broadcast_in_dim3A_602 = arith.constant 0.000000e+00 : f32
      %broadcast_in_dim3A_603 = vector.broadcast %broadcast_in_dim3A_602 : f32 to vector<16xf32>
      %swap3A_604 = arith.constant 10 : i32
      %swap3A_605 = arith.index_cast %swap3A_604 : i32 to index
      %swap3A_606 = arith.index_cast %mul3A_542 : i32 to index
      %swap3A_607 = tpu.vector_load %arg8[%swap3A_605, %swap3A_606] {strides = array<i32>} : memref<16x4096xf32, #tpu.memory_space<vmem>>, vector<16xf32>,
      tpu.vector_store %arg8[%swap3A_605, %swap3A_606], %broadcast_in_dim3A_603 {strides = array<i32>} : memref<16x4096xf32, #tpu.memory_space<vmem>>, vector<16xf32>,
      %broadcast_in_dim3A_608 = arith.constant 0.000000e+00 : f32
      %broadcast_in_dim3A_609 = vector.broadcast %broadcast_in_dim3A_608 : f32 to vector<16xf32>
      %swap3A_610 = arith.constant 11 : i32
      %swap3A_611 = arith.index_cast %swap3A_610 : i32 to index
      %swap3A_612 = arith.index_cast %mul3A_542 : i32 to index
      %swap3A_613 = tpu.vector_load %arg8[%swap3A_611, %swap3A_612] {strides = array<i32>} : memref<16x4096xf32, #tpu.memory_space<vmem>>, vector<16xf32>,
      tpu.vector_store %arg8[%swap3A_611, %swap3A_612], %broadcast_in_dim3A_609 {strides = array<i32>} : memref<16x4096xf32, #tpu.memory_space<vmem>>, vector<16xf32>,
      %broadcast_in_dim3A_614 = arith.constant 0.000000e+00 : f32
      %broadcast_in_dim3A_615 = vector.broadcast %broadcast_in_dim3A_614 : f32 to vector<16xf32>
      %swap3A_616 = arith.constant 12 : i32
      %swap3A_617 = arith.index_cast %swap3A_616 : i32 to index
      %swap3A_618 = arith.index_cast %mul3A_542 : i32 to index
      %swap3A_619 = tpu.vector_load %arg8[%swap3A_617, %swap3A_618] {strides = array<i32>} : memref<16x4096xf32, #tpu.memory_space<vmem>>, vector<16xf32>,
      tpu.vector_store %arg8[%swap3A_617, %swap3A_618], %broadcast_in_dim3A_615 {strides = array<i32>} : memref<16x4096xf32, #tpu.memory_space<vmem>>, vector<16xf32>,
      %broadcast_in_dim3A_620 = arith.constant 0.000000e+00 : f32
      %broadcast_in_dim3A_621 = vector.broadcast %broadcast_in_dim3A_620 : f32 to vector<16xf32>
      %swap3A_622 = arith.constant 13 : i32
      %swap3A_623 = arith.index_cast %swap3A_622 : i32 to index
      %swap3A_624 = arith.index_cast %mul3A_542 : i32 to index
      %swap3A_625 = tpu.vector_load %arg8[%swap3A_623, %swap3A_624] {strides = array<i32>} : memref<16x4096xf32, #tpu.memory_space<vmem>>, vector<16xf32>,
      tpu.vector_store %arg8[%swap3A_623, %swap3A_624], %broadcast_in_dim3A_621 {strides = array<i32>} : memref<16x4096xf32, #tpu.memory_space<vmem>>, vector<16xf32>,
      %broadcast_in_dim3A_626 = arith.constant 0.000000e+00 : f32
      %broadcast_in_dim3A_627 = vector.broadcast %broadcast_in_dim3A_626 : f32 to vector<16xf32>
      %swap3A_628 = arith.constant 14 : i32
      %swap3A_629 = arith.index_cast %swap3A_628 : i32 to index
      %swap3A_630 = arith.index_cast %mul3A_542 : i32 to index
      %swap3A_631 = tpu.vector_load %arg8[%swap3A_629, %swap3A_630] {strides = array<i32>} : memref<16x4096xf32, #tpu.memory_space<vmem>>, vector<16xf32>,
      tpu.vector_store %arg8[%swap3A_629, %swap3A_630], %broadcast_in_dim3A_627 {strides = array<i32>} : memref<16x4096xf32, #tpu.memory_space<vmem>>, vector<16xf32>,
      %broadcast_in_dim3A_632 = arith.constant 0.000000e+00 : f32
      %broadcast_in_dim3A_633 = vector.broadcast %broadcast_in_dim3A_632 : f32 to vector<16xf32>
      %swap3A_634 = arith.constant 15 : i32
      %swap3A_635 = arith.index_cast %swap3A_634 : i32 to index
      %swap3A_636 = arith.index_cast %mul3A_542 : i32 to index
      %swap3A_637 = tpu.vector_load %arg8[%swap3A_635, %swap3A_636] {strides = array<i32>} : memref<16x4096xf32, #tpu.memory_space<vmem>>, vector<16xf32>,
      tpu.vector_store %arg8[%swap3A_635, %swap3A_636], %broadcast_in_dim3A_633 {strides = array<i32>} : memref<16x4096xf32, #tpu.memory_space<vmem>>, vector<16xf32>,
      %scan3A_638 = arith.constant 0 : i32
      scf.yield %scan3A_638 : i32
    }
    %scan3A_356 = arith.constant 256 : i32
    %scan3A_357 = arith.constant 0 : i32
    %scan3A_358 = arith.constant 0 : i32
    %scan3A_359 = arith.constant 16 : i32
    %scan3A_360 = arith.addi %scan3A_358, %scan3A_359 : i32
    %scan3A_361 = arith.constant 1 : i32
    %scan3A_362 = scf.for %scan3A_539 = %scan3A_358 to %scan3A_360 step %scan3A_361 iter_args(%scan3A_540 = %scan3A_357) -> (i32)  : i32 {
      %scan3A_541 = arith.constant 0 : i32
      %scan3A_542 = arith.constant 0 : i32
      %scan3A_543 = arith.constant 8 : i32
      %scan3A_544 = arith.addi %scan3A_542, %scan3A_543 : i32
      %scan3A_545 = arith.constant 1 : i32
      %scan3A_546 = scf.for %scan3A_549 = %scan3A_542 to %scan3A_544 step %scan3A_545 iter_args(%scan3A_550 = %scan3A_541) -> (i32)  : i32 {
        %mul3A_551 = arith.constant 16 : i32
        %mul3A_552 = arith.muli %scan3A_549, %mul3A_551 : i32
        %get3A = arith.index_cast %scan3A_539 : i32 to index
        %get3A_553 = arith.index_cast %mul3A_552 : i32 to index
        %get3A_554 = tpu.vector_load %arg6[%get3A, %get3A_553] {strides = array<i32>} : memref<16x128xi32, #tpu.memory_space<vmem>>, vector<16xi32>,
        %ge3A = arith.constant 4096 : i32
        %ge3A_555 = vector.broadcast %ge3A : i32 to vector<16xi32>
        %ge3A_556 = arith.cmpi sge, %get3A_554, %ge3A_555 : vector<16xi32>
        %lt3A = arith.constant 8192 : i32
        %lt3A_557 = vector.broadcast %lt3A : i32 to vector<16xi32>
        %lt3A_558 = arith.cmpi slt, %get3A_554, %lt3A_557 : vector<16xi32>
        %and3A = arith.andi %ge3A_556, %lt3A_558 : vector<16xi1>
        %sub3A = arith.constant 4096 : i32
        %sub3A_559 = vector.broadcast %sub3A : i32 to vector<16xi32>
        %sub3A_560 = arith.subi %get3A_554, %sub3A_559 : vector<16xi32>
        tpu.vector_store_idx %arg8[%iota3A, %sub3A_560], %broadcast_in_dim3A_329 masked %and3A {add = true} : memref<16x4096xf32, #tpu.memory_space<vmem>>[vector<16xi32>, vector<16xi32>], vector<16xf32>, vector<16xi1>
        %scan3A_561 = arith.constant 0 : i32
        scf.yield %scan3A_561 : i32
      }
      %scan3A_547 = arith.constant 8 : i32
      %scan3A_548 = arith.constant 0 : i32
      scf.yield %scan3A_548 : i32
    }
    %scan3A_363 = arith.constant 16 : i32
    %scan3A_364 = arith.constant 0 : i32
    %scan3A_365 = arith.constant 0 : i32
    %scan3A_366 = arith.constant 256 : i32
    %scan3A_367 = arith.addi %scan3A_365, %scan3A_366 : i32
    %scan3A_368 = arith.constant 1 : i32
    %scan3A_369 = scf.for %scan3A_539 = %scan3A_365 to %scan3A_367 step %scan3A_368 iter_args(%scan3A_540 = %scan3A_364) -> (i32)  : i32 {
      %mul3A_541 = arith.constant 16 : i32
      %mul3A_542 = arith.muli %scan3A_539, %mul3A_541 : i32
      %get3A = arith.constant 0 : i32
      %get3A_543 = arith.index_cast %get3A : i32 to index
      %get3A_544 = arith.index_cast %mul3A_542 : i32 to index
      %get3A_545 = tpu.vector_load %arg8[%get3A_543, %get3A_544] {strides = array<i32>} : memref<16x4096xf32, #tpu.memory_space<vmem>>, vector<16xf32>,
      %get3A_546 = arith.constant 1 : i32
      %get3A_547 = arith.index_cast %get3A_546 : i32 to index
      %get3A_548 = arith.index_cast %mul3A_542 : i32 to index
      %get3A_549 = tpu.vector_load %arg8[%get3A_547, %get3A_548] {strides = array<i32>} : memref<16x4096xf32, #tpu.memory_space<vmem>>, vector<16xf32>,
      %add3A_550 = arith.addf %get3A_545, %get3A_549 : vector<16xf32>
      %get3A_551 = arith.constant 2 : i32
      %get3A_552 = arith.index_cast %get3A_551 : i32 to index
      %get3A_553 = arith.index_cast %mul3A_542 : i32 to index
      %get3A_554 = tpu.vector_load %arg8[%get3A_552, %get3A_553] {strides = array<i32>} : memref<16x4096xf32, #tpu.memory_space<vmem>>, vector<16xf32>,
      %add3A_555 = arith.addf %add3A_550, %get3A_554 : vector<16xf32>
      %get3A_556 = arith.constant 3 : i32
      %get3A_557 = arith.index_cast %get3A_556 : i32 to index
      %get3A_558 = arith.index_cast %mul3A_542 : i32 to index
      %get3A_559 = tpu.vector_load %arg8[%get3A_557, %get3A_558] {strides = array<i32>} : memref<16x4096xf32, #tpu.memory_space<vmem>>, vector<16xf32>,
      %add3A_560 = arith.addf %add3A_555, %get3A_559 : vector<16xf32>
      %get3A_561 = arith.constant 4 : i32
      %get3A_562 = arith.index_cast %get3A_561 : i32 to index
      %get3A_563 = arith.index_cast %mul3A_542 : i32 to index
      %get3A_564 = tpu.vector_load %arg8[%get3A_562, %get3A_563] {strides = array<i32>} : memref<16x4096xf32, #tpu.memory_space<vmem>>, vector<16xf32>,
      %add3A_565 = arith.addf %add3A_560, %get3A_564 : vector<16xf32>
      %get3A_566 = arith.constant 5 : i32
      %get3A_567 = arith.index_cast %get3A_566 : i32 to index
      %get3A_568 = arith.index_cast %mul3A_542 : i32 to index
      %get3A_569 = tpu.vector_load %arg8[%get3A_567, %get3A_568] {strides = array<i32>} : memref<16x4096xf32, #tpu.memory_space<vmem>>, vector<16xf32>,
      %add3A_570 = arith.addf %add3A_565, %get3A_569 : vector<16xf32>
      %get3A_571 = arith.constant 6 : i32
      %get3A_572 = arith.index_cast %get3A_571 : i32 to index
      %get3A_573 = arith.index_cast %mul3A_542 : i32 to index
      %get3A_574 = tpu.vector_load %arg8[%get3A_572, %get3A_573] {strides = array<i32>} : memref<16x4096xf32, #tpu.memory_space<vmem>>, vector<16xf32>,
      %add3A_575 = arith.addf %add3A_570, %get3A_574 : vector<16xf32>
      %get3A_576 = arith.constant 7 : i32
      %get3A_577 = arith.index_cast %get3A_576 : i32 to index
      %get3A_578 = arith.index_cast %mul3A_542 : i32 to index
      %get3A_579 = tpu.vector_load %arg8[%get3A_577, %get3A_578] {strides = array<i32>} : memref<16x4096xf32, #tpu.memory_space<vmem>>, vector<16xf32>,
      %add3A_580 = arith.addf %add3A_575, %get3A_579 : vector<16xf32>
      %get3A_581 = arith.constant 8 : i32
      %get3A_582 = arith.index_cast %get3A_581 : i32 to index
      %get3A_583 = arith.index_cast %mul3A_542 : i32 to index
      %get3A_584 = tpu.vector_load %arg8[%get3A_582, %get3A_583] {strides = array<i32>} : memref<16x4096xf32, #tpu.memory_space<vmem>>, vector<16xf32>,
      %add3A_585 = arith.addf %add3A_580, %get3A_584 : vector<16xf32>
      %get3A_586 = arith.constant 9 : i32
      %get3A_587 = arith.index_cast %get3A_586 : i32 to index
      %get3A_588 = arith.index_cast %mul3A_542 : i32 to index
      %get3A_589 = tpu.vector_load %arg8[%get3A_587, %get3A_588] {strides = array<i32>} : memref<16x4096xf32, #tpu.memory_space<vmem>>, vector<16xf32>,
      %add3A_590 = arith.addf %add3A_585, %get3A_589 : vector<16xf32>
      %get3A_591 = arith.constant 10 : i32
      %get3A_592 = arith.index_cast %get3A_591 : i32 to index
      %get3A_593 = arith.index_cast %mul3A_542 : i32 to index
      %get3A_594 = tpu.vector_load %arg8[%get3A_592, %get3A_593] {strides = array<i32>} : memref<16x4096xf32, #tpu.memory_space<vmem>>, vector<16xf32>,
      %add3A_595 = arith.addf %add3A_590, %get3A_594 : vector<16xf32>
      %get3A_596 = arith.constant 11 : i32
      %get3A_597 = arith.index_cast %get3A_596 : i32 to index
      %get3A_598 = arith.index_cast %mul3A_542 : i32 to index
      %get3A_599 = tpu.vector_load %arg8[%get3A_597, %get3A_598] {strides = array<i32>} : memref<16x4096xf32, #tpu.memory_space<vmem>>, vector<16xf32>,
      %add3A_600 = arith.addf %add3A_595, %get3A_599 : vector<16xf32>
      %get3A_601 = arith.constant 12 : i32
      %get3A_602 = arith.index_cast %get3A_601 : i32 to index
      %get3A_603 = arith.index_cast %mul3A_542 : i32 to index
      %get3A_604 = tpu.vector_load %arg8[%get3A_602, %get3A_603] {strides = array<i32>} : memref<16x4096xf32, #tpu.memory_space<vmem>>, vector<16xf32>,
      %add3A_605 = arith.addf %add3A_600, %get3A_604 : vector<16xf32>
      %get3A_606 = arith.constant 13 : i32
      %get3A_607 = arith.index_cast %get3A_606 : i32 to index
      %get3A_608 = arith.index_cast %mul3A_542 : i32 to index
      %get3A_609 = tpu.vector_load %arg8[%get3A_607, %get3A_608] {strides = array<i32>} : memref<16x4096xf32, #tpu.memory_space<vmem>>, vector<16xf32>,
      %add3A_610 = arith.addf %add3A_605, %get3A_609 : vector<16xf32>
      %get3A_611 = arith.constant 14 : i32
      %get3A_612 = arith.index_cast %get3A_611 : i32 to index
      %get3A_613 = arith.index_cast %mul3A_542 : i32 to index
      %get3A_614 = tpu.vector_load %arg8[%get3A_612, %get3A_613] {strides = array<i32>} : memref<16x4096xf32, #tpu.memory_space<vmem>>, vector<16xf32>,
      %add3A_615 = arith.addf %add3A_610, %get3A_614 : vector<16xf32>
      %get3A_616 = arith.constant 15 : i32
      %get3A_617 = arith.index_cast %get3A_616 : i32 to index
      %get3A_618 = arith.index_cast %mul3A_542 : i32 to index
      %get3A_619 = tpu.vector_load %arg8[%get3A_617, %get3A_618] {strides = array<i32>} : memref<16x4096xf32, #tpu.memory_space<vmem>>, vector<16xf32>,
      %add3A_620 = arith.addf %add3A_615, %get3A_619 : vector<16xf32>
      %mul3A_621 = arith.constant 16 : i32
      %mul3A_622 = arith.muli %scan3A_539, %mul3A_621 : i32
      %add3A_623 = arith.constant 4096 : i32
      %add3A_624 = arith.addi %add3A_623, %mul3A_622 : i32
      %swap3A = arith.index_cast %add3A_624 : i32 to index
      %swap3A_625 = tpu.vector_load %arg9[%swap3A] {strides = array<i32>} : memref<8192xf32, #tpu.memory_space<vmem>>, vector<16xf32>,
      tpu.vector_store %arg9[%swap3A], %add3A_620 {strides = array<i32>} : memref<8192xf32, #tpu.memory_space<vmem>>, vector<16xf32>,
      %scan3A_626 = arith.constant 0 : i32
      scf.yield %scan3A_626 : i32
    }
    %scan3A_370 = arith.constant 256 : i32
    "tpu.region"() ({
      %run_scoped3A_539 = tpu.sem_alloc : memref<!tpu.dma_semaphore, #tpu.memory_space<semaphore_mem>>
      %dma_start3A_540 = arith.constant 0 : i32
      %dma_start3A_541 = tpu.memref_slice %arg12[%arg1, %dma_start3A_540] : memref<16x8192xf32, #tpu.memory_space<vmem_shared>> -> memref<1x8192xf32, #tpu.memory_space<vmem_shared>>
      %dma_start3A_542 = tpu.memref_squeeze %dma_start3A_541 : memref<1x8192xf32, #tpu.memory_space<vmem_shared>> -> memref<8192xf32, #tpu.memory_space<vmem_shared>>
      %dma_start3A_543 = arith.constant 0 : i32
      %dma_start3A_544 = tpu.memref_slice %arg12[%arg1, %dma_start3A_543] : memref<16x8192xf32, #tpu.memory_space<vmem_shared>> -> memref<1x8192xf32, #tpu.memory_space<vmem_shared>>
      %dma_start3A_545 = tpu.memref_squeeze %dma_start3A_544 : memref<1x8192xf32, #tpu.memory_space<vmem_shared>> -> memref<8192xf32, #tpu.memory_space<vmem_shared>>
      tpu.enqueue_dma source(%arg9 : memref<8192xf32, #tpu.memory_space<vmem>>) target(%dma_start3A_545 : memref<8192xf32, #tpu.memory_space<vmem_shared>>) target_semaphore(%run_scoped3A_539 : memref<!tpu.dma_semaphore, #tpu.memory_space<semaphore_mem>>)
      %dma_wait3A_546 = arith.constant 0 : i32
      %dma_wait3A_547 = tpu.memref_slice %arg12[%arg1, %dma_wait3A_546] : memref<16x8192xf32, #tpu.memory_space<vmem_shared>> -> memref<1x8192xf32, #tpu.memory_space<vmem_shared>>
      %dma_wait3A_548 = tpu.memref_squeeze %dma_wait3A_547 : memref<1x8192xf32, #tpu.memory_space<vmem_shared>> -> memref<8192xf32, #tpu.memory_space<vmem_shared>>
      %dma_wait3A_549 = arith.constant 0 : i32
      %dma_wait3A_550 = tpu.memref_slice %arg12[%arg1, %dma_wait3A_549] : memref<16x8192xf32, #tpu.memory_space<vmem_shared>> -> memref<1x8192xf32, #tpu.memory_space<vmem_shared>>
      %dma_wait3A_551 = tpu.memref_squeeze %dma_wait3A_550 : memref<1x8192xf32, #tpu.memory_space<vmem_shared>> -> memref<8192xf32, #tpu.memory_space<vmem_shared>>
      tpu.wait_dma2 semaphore(%run_scoped3A_539 : memref<!tpu.dma_semaphore, #tpu.memory_space<semaphore_mem>>) src(%arg9 : memref<8192xf32, #tpu.memory_space<vmem>>) dst(%dma_wait3A_551 : memref<8192xf32, #tpu.memory_space<vmem_shared>>)
      tpu.yield
    }) : () -> ()
    %barrier3A = arith.constant 0 : index
    tpu.barrier barrier_id(%barrier3A)
    %scan3A_371 = arith.constant 0 : i32
    %scan3A_372 = arith.constant 0 : i32
    %scan3A_373 = arith.constant 32 : i32
    %scan3A_374 = arith.addi %scan3A_372, %scan3A_373 : i32
    %scan3A_375 = arith.constant 1 : i32
    %scan3A_376 = scf.for %scan3A_539 = %scan3A_372 to %scan3A_374 step %scan3A_375 iter_args(%scan3A_540 = %scan3A_371) -> (i32)  : i32 {
      %broadcast_in_dim3A_541 = arith.constant 0.000000e+00 : f32
      %broadcast_in_dim3A_542 = vector.broadcast %broadcast_in_dim3A_541 : f32 to vector<16xf32>
      %mul3A_543 = arith.constant 16 : i32
      %mul3A_544 = arith.muli %scan3A_539, %mul3A_543 : i32
      %swap3A = arith.index_cast %mul3A_544 : i32 to index
      %swap3A_545 = tpu.vector_load %arg11[%swap3A] {strides = array<i32>} : memref<512xf32, #tpu.memory_space<vmem>>, vector<16xf32>,
      tpu.vector_store %arg11[%swap3A], %broadcast_in_dim3A_542 {strides = array<i32>} : memref<512xf32, #tpu.memory_space<vmem>>, vector<16xf32>,
      %scan3A_546 = arith.constant 0 : i32
      scf.yield %scan3A_546 : i32
    }
    %scan3A_377 = arith.constant 32 : i32
    %mul3A_378 = arith.constant 512 : i32
    %mul3A_379 = arith.muli %arg1, %mul3A_378 : i32
    %run_scoped3A = arith.constant 0 : i32
    "tpu.region"() ({
      %run_scoped3A_539 = tpu.sem_alloc : memref<!tpu.dma_semaphore, #tpu.memory_space<semaphore_mem>>
      %dma_start3A_540 = tpu.memref_slice %arg12[%run_scoped3A, %mul3A_379] : memref<16x8192xf32, #tpu.memory_space<vmem_shared>> -> memref<1x512xf32, #tpu.memory_space<vmem_shared>>
      %dma_start3A_541 = tpu.memref_squeeze %dma_start3A_540 : memref<1x512xf32, #tpu.memory_space<vmem_shared>> -> memref<512xf32, #tpu.memory_space<vmem_shared>>
      %dma_start3A_542 = tpu.memref_slice %arg12[%run_scoped3A, %mul3A_379] : memref<16x8192xf32, #tpu.memory_space<vmem_shared>> -> memref<1x512xf32, #tpu.memory_space<vmem_shared>>
      %dma_start3A_543 = tpu.memref_squeeze %dma_start3A_542 : memref<1x512xf32, #tpu.memory_space<vmem_shared>> -> memref<512xf32, #tpu.memory_space<vmem_shared>>
      tpu.enqueue_dma source(%dma_start3A_543 : memref<512xf32, #tpu.memory_space<vmem_shared>>) target(%arg10 : memref<512xf32, #tpu.memory_space<vmem>>) target_semaphore(%run_scoped3A_539 : memref<!tpu.dma_semaphore, #tpu.memory_space<semaphore_mem>>)
      %dma_wait3A_544 = tpu.memref_slice %arg12[%run_scoped3A, %mul3A_379] : memref<16x8192xf32, #tpu.memory_space<vmem_shared>> -> memref<1x512xf32, #tpu.memory_space<vmem_shared>>
      %dma_wait3A_545 = tpu.memref_squeeze %dma_wait3A_544 : memref<1x512xf32, #tpu.memory_space<vmem_shared>> -> memref<512xf32, #tpu.memory_space<vmem_shared>>
      %dma_wait3A_546 = tpu.memref_slice %arg12[%run_scoped3A, %mul3A_379] : memref<16x8192xf32, #tpu.memory_space<vmem_shared>> -> memref<1x512xf32, #tpu.memory_space<vmem_shared>>
      %dma_wait3A_547 = tpu.memref_squeeze %dma_wait3A_546 : memref<1x512xf32, #tpu.memory_space<vmem_shared>> -> memref<512xf32, #tpu.memory_space<vmem_shared>>
      tpu.wait_dma2 semaphore(%run_scoped3A_539 : memref<!tpu.dma_semaphore, #tpu.memory_space<semaphore_mem>>) src(%dma_wait3A_547 : memref<512xf32, #tpu.memory_space<vmem_shared>>) dst(%arg10 : memref<512xf32, #tpu.memory_space<vmem>>)
      tpu.yield
    }) : () -> ()
    %scan3A_380 = arith.constant 0 : i32
    %scan3A_381 = arith.constant 0 : i32
    %scan3A_382 = arith.constant 32 : i32
    %scan3A_383 = arith.addi %scan3A_381, %scan3A_382 : i32
    %scan3A_384 = arith.constant 1 : i32
    %scan3A_385 = scf.for %scan3A_539 = %scan3A_381 to %scan3A_383 step %scan3A_384 iter_args(%scan3A_540 = %scan3A_380) -> (i32)  : i32 {
      %mul3A_541 = arith.constant 16 : i32
      %mul3A_542 = arith.muli %scan3A_539, %mul3A_541 : i32
      %get3A = arith.index_cast %mul3A_542 : i32 to index
      %get3A_543 = tpu.vector_load %arg11[%get3A] {strides = array<i32>} : memref<512xf32, #tpu.memory_space<vmem>>, vector<16xf32>,
      %get3A_544 = arith.index_cast %mul3A_542 : i32 to index
      %get3A_545 = tpu.vector_load %arg10[%get3A_544] {strides = array<i32>} : memref<512xf32, #tpu.memory_space<vmem>>, vector<16xf32>,
      %add3A_546 = arith.addf %get3A_543, %get3A_545 : vector<16xf32>
      %swap3A = arith.index_cast %mul3A_542 : i32 to index
      %swap3A_547 = tpu.vector_load %arg11[%swap3A] {strides = array<i32>} : memref<512xf32, #tpu.memory_space<vmem>>, vector<16xf32>,
      tpu.vector_store %arg11[%swap3A], %add3A_546 {strides = array<i32>} : memref<512xf32, #tpu.memory_space<vmem>>, vector<16xf32>,
      %scan3A_548 = arith.constant 0 : i32
      scf.yield %scan3A_548 : i32
    }
    %scan3A_386 = arith.constant 32 : i32
    %mul3A_387 = arith.constant 512 : i32
    %mul3A_388 = arith.muli %arg1, %mul3A_387 : i32
    %run_scoped3A_389 = arith.constant 1 : i32
    "tpu.region"() ({
      %run_scoped3A_539 = tpu.sem_alloc : memref<!tpu.dma_semaphore, #tpu.memory_space<semaphore_mem>>
      %dma_start3A_540 = tpu.memref_slice %arg12[%run_scoped3A_389, %mul3A_388] : memref<16x8192xf32, #tpu.memory_space<vmem_shared>> -> memref<1x512xf32, #tpu.memory_space<vmem_shared>>
      %dma_start3A_541 = tpu.memref_squeeze %dma_start3A_540 : memref<1x512xf32, #tpu.memory_space<vmem_shared>> -> memref<512xf32, #tpu.memory_space<vmem_shared>>
      %dma_start3A_542 = tpu.memref_slice %arg12[%run_scoped3A_389, %mul3A_388] : memref<16x8192xf32, #tpu.memory_space<vmem_shared>> -> memref<1x512xf32, #tpu.memory_space<vmem_shared>>
      %dma_start3A_543 = tpu.memref_squeeze %dma_start3A_542 : memref<1x512xf32, #tpu.memory_space<vmem_shared>> -> memref<512xf32, #tpu.memory_space<vmem_shared>>
      tpu.enqueue_dma source(%dma_start3A_543 : memref<512xf32, #tpu.memory_space<vmem_shared>>) target(%arg10 : memref<512xf32, #tpu.memory_space<vmem>>) target_semaphore(%run_scoped3A_539 : memref<!tpu.dma_semaphore, #tpu.memory_space<semaphore_mem>>)
      %dma_wait3A_544 = tpu.memref_slice %arg12[%run_scoped3A_389, %mul3A_388] : memref<16x8192xf32, #tpu.memory_space<vmem_shared>> -> memref<1x512xf32, #tpu.memory_space<vmem_shared>>
      %dma_wait3A_545 = tpu.memref_squeeze %dma_wait3A_544 : memref<1x512xf32, #tpu.memory_space<vmem_shared>> -> memref<512xf32, #tpu.memory_space<vmem_shared>>
      %dma_wait3A_546 = tpu.memref_slice %arg12[%run_scoped3A_389, %mul3A_388] : memref<16x8192xf32, #tpu.memory_space<vmem_shared>> -> memref<1x512xf32, #tpu.memory_space<vmem_shared>>
      %dma_wait3A_547 = tpu.memref_squeeze %dma_wait3A_546 : memref<1x512xf32, #tpu.memory_space<vmem_shared>> -> memref<512xf32, #tpu.memory_space<vmem_shared>>
      tpu.wait_dma2 semaphore(%run_scoped3A_539 : memref<!tpu.dma_semaphore, #tpu.memory_space<semaphore_mem>>) src(%dma_wait3A_547 : memref<512xf32, #tpu.memory_space<vmem_shared>>) dst(%arg10 : memref<512xf32, #tpu.memory_space<vmem>>)
      tpu.yield
    }) : () -> ()
    %scan3A_390 = arith.constant 0 : i32
    %scan3A_391 = arith.constant 0 : i32
    %scan3A_392 = arith.constant 32 : i32
    %scan3A_393 = arith.addi %scan3A_391, %scan3A_392 : i32
    %scan3A_394 = arith.constant 1 : i32
    %scan3A_395 = scf.for %scan3A_539 = %scan3A_391 to %scan3A_393 step %scan3A_394 iter_args(%scan3A_540 = %scan3A_390) -> (i32)  : i32 {
      %mul3A_541 = arith.constant 16 : i32
      %mul3A_542 = arith.muli %scan3A_539, %mul3A_541 : i32
      %get3A = arith.index_cast %mul3A_542 : i32 to index
      %get3A_543 = tpu.vector_load %arg11[%get3A] {strides = array<i32>} : memref<512xf32, #tpu.memory_space<vmem>>, vector<16xf32>,
      %get3A_544 = arith.index_cast %mul3A_542 : i32 to index
      %get3A_545 = tpu.vector_load %arg10[%get3A_544] {strides = array<i32>} : memref<512xf32, #tpu.memory_space<vmem>>, vector<16xf32>,
      %add3A_546 = arith.addf %get3A_543, %get3A_545 : vector<16xf32>
      %swap3A = arith.index_cast %mul3A_542 : i32 to index
      %swap3A_547 = tpu.vector_load %arg11[%swap3A] {strides = array<i32>} : memref<512xf32, #tpu.memory_space<vmem>>, vector<16xf32>,
      tpu.vector_store %arg11[%swap3A], %add3A_546 {strides = array<i32>} : memref<512xf32, #tpu.memory_space<vmem>>, vector<16xf32>,
      %scan3A_548 = arith.constant 0 : i32
      scf.yield %scan3A_548 : i32
    }
    %scan3A_396 = arith.constant 32 : i32
    %mul3A_397 = arith.constant 512 : i32
    %mul3A_398 = arith.muli %arg1, %mul3A_397 : i32
    %run_scoped3A_399 = arith.constant 2 : i32
    "tpu.region"() ({
      %run_scoped3A_539 = tpu.sem_alloc : memref<!tpu.dma_semaphore, #tpu.memory_space<semaphore_mem>>
      %dma_start3A_540 = tpu.memref_slice %arg12[%run_scoped3A_399, %mul3A_398] : memref<16x8192xf32, #tpu.memory_space<vmem_shared>> -> memref<1x512xf32, #tpu.memory_space<vmem_shared>>
      %dma_start3A_541 = tpu.memref_squeeze %dma_start3A_540 : memref<1x512xf32, #tpu.memory_space<vmem_shared>> -> memref<512xf32, #tpu.memory_space<vmem_shared>>
      %dma_start3A_542 = tpu.memref_slice %arg12[%run_scoped3A_399, %mul3A_398] : memref<16x8192xf32, #tpu.memory_space<vmem_shared>> -> memref<1x512xf32, #tpu.memory_space<vmem_shared>>
      %dma_start3A_543 = tpu.memref_squeeze %dma_start3A_542 : memref<1x512xf32, #tpu.memory_space<vmem_shared>> -> memref<512xf32, #tpu.memory_space<vmem_shared>>
      tpu.enqueue_dma source(%dma_start3A_543 : memref<512xf32, #tpu.memory_space<vmem_shared>>) target(%arg10 : memref<512xf32, #tpu.memory_space<vmem>>) target_semaphore(%run_scoped3A_539 : memref<!tpu.dma_semaphore, #tpu.memory_space<semaphore_mem>>)
      %dma_wait3A_544 = tpu.memref_slice %arg12[%run_scoped3A_399, %mul3A_398] : memref<16x8192xf32, #tpu.memory_space<vmem_shared>> -> memref<1x512xf32, #tpu.memory_space<vmem_shared>>
      %dma_wait3A_545 = tpu.memref_squeeze %dma_wait3A_544 : memref<1x512xf32, #tpu.memory_space<vmem_shared>> -> memref<512xf32, #tpu.memory_space<vmem_shared>>
      %dma_wait3A_546 = tpu.memref_slice %arg12[%run_scoped3A_399, %mul3A_398] : memref<16x8192xf32, #tpu.memory_space<vmem_shared>> -> memref<1x512xf32, #tpu.memory_space<vmem_shared>>
      %dma_wait3A_547 = tpu.memref_squeeze %dma_wait3A_546 : memref<1x512xf32, #tpu.memory_space<vmem_shared>> -> memref<512xf32, #tpu.memory_space<vmem_shared>>
      tpu.wait_dma2 semaphore(%run_scoped3A_539 : memref<!tpu.dma_semaphore, #tpu.memory_space<semaphore_mem>>) src(%dma_wait3A_547 : memref<512xf32, #tpu.memory_space<vmem_shared>>) dst(%arg10 : memref<512xf32, #tpu.memory_space<vmem>>)
      tpu.yield
    }) : () -> ()
    %scan3A_400 = arith.constant 0 : i32
    %scan3A_401 = arith.constant 0 : i32
    %scan3A_402 = arith.constant 32 : i32
    %scan3A_403 = arith.addi %scan3A_401, %scan3A_402 : i32
    %scan3A_404 = arith.constant 1 : i32
    %scan3A_405 = scf.for %scan3A_539 = %scan3A_401 to %scan3A_403 step %scan3A_404 iter_args(%scan3A_540 = %scan3A_400) -> (i32)  : i32 {
      %mul3A_541 = arith.constant 16 : i32
      %mul3A_542 = arith.muli %scan3A_539, %mul3A_541 : i32
      %get3A = arith.index_cast %mul3A_542 : i32 to index
      %get3A_543 = tpu.vector_load %arg11[%get3A] {strides = array<i32>} : memref<512xf32, #tpu.memory_space<vmem>>, vector<16xf32>,
      %get3A_544 = arith.index_cast %mul3A_542 : i32 to index
      %get3A_545 = tpu.vector_load %arg10[%get3A_544] {strides = array<i32>} : memref<512xf32, #tpu.memory_space<vmem>>, vector<16xf32>,
      %add3A_546 = arith.addf %get3A_543, %get3A_545 : vector<16xf32>
      %swap3A = arith.index_cast %mul3A_542 : i32 to index
      %swap3A_547 = tpu.vector_load %arg11[%swap3A] {strides = array<i32>} : memref<512xf32, #tpu.memory_space<vmem>>, vector<16xf32>,
      tpu.vector_store %arg11[%swap3A], %add3A_546 {strides = array<i32>} : memref<512xf32, #tpu.memory_space<vmem>>, vector<16xf32>,
      %scan3A_548 = arith.constant 0 : i32
      scf.yield %scan3A_548 : i32
    }
    %scan3A_406 = arith.constant 32 : i32
    %mul3A_407 = arith.constant 512 : i32
    %mul3A_408 = arith.muli %arg1, %mul3A_407 : i32
    %run_scoped3A_409 = arith.constant 3 : i32
    "tpu.region"() ({
      %run_scoped3A_539 = tpu.sem_alloc : memref<!tpu.dma_semaphore, #tpu.memory_space<semaphore_mem>>
      %dma_start3A_540 = tpu.memref_slice %arg12[%run_scoped3A_409, %mul3A_408] : memref<16x8192xf32, #tpu.memory_space<vmem_shared>> -> memref<1x512xf32, #tpu.memory_space<vmem_shared>>
      %dma_start3A_541 = tpu.memref_squeeze %dma_start3A_540 : memref<1x512xf32, #tpu.memory_space<vmem_shared>> -> memref<512xf32, #tpu.memory_space<vmem_shared>>
      %dma_start3A_542 = tpu.memref_slice %arg12[%run_scoped3A_409, %mul3A_408] : memref<16x8192xf32, #tpu.memory_space<vmem_shared>> -> memref<1x512xf32, #tpu.memory_space<vmem_shared>>
      %dma_start3A_543 = tpu.memref_squeeze %dma_start3A_542 : memref<1x512xf32, #tpu.memory_space<vmem_shared>> -> memref<512xf32, #tpu.memory_space<vmem_shared>>
      tpu.enqueue_dma source(%dma_start3A_543 : memref<512xf32, #tpu.memory_space<vmem_shared>>) target(%arg10 : memref<512xf32, #tpu.memory_space<vmem>>) target_semaphore(%run_scoped3A_539 : memref<!tpu.dma_semaphore, #tpu.memory_space<semaphore_mem>>)
      %dma_wait3A_544 = tpu.memref_slice %arg12[%run_scoped3A_409, %mul3A_408] : memref<16x8192xf32, #tpu.memory_space<vmem_shared>> -> memref<1x512xf32, #tpu.memory_space<vmem_shared>>
      %dma_wait3A_545 = tpu.memref_squeeze %dma_wait3A_544 : memref<1x512xf32, #tpu.memory_space<vmem_shared>> -> memref<512xf32, #tpu.memory_space<vmem_shared>>
      %dma_wait3A_546 = tpu.memref_slice %arg12[%run_scoped3A_409, %mul3A_408] : memref<16x8192xf32, #tpu.memory_space<vmem_shared>> -> memref<1x512xf32, #tpu.memory_space<vmem_shared>>
      %dma_wait3A_547 = tpu.memref_squeeze %dma_wait3A_546 : memref<1x512xf32, #tpu.memory_space<vmem_shared>> -> memref<512xf32, #tpu.memory_space<vmem_shared>>
      tpu.wait_dma2 semaphore(%run_scoped3A_539 : memref<!tpu.dma_semaphore, #tpu.memory_space<semaphore_mem>>) src(%dma_wait3A_547 : memref<512xf32, #tpu.memory_space<vmem_shared>>) dst(%arg10 : memref<512xf32, #tpu.memory_space<vmem>>)
      tpu.yield
    }) : () -> ()
    %scan3A_410 = arith.constant 0 : i32
    %scan3A_411 = arith.constant 0 : i32
    %scan3A_412 = arith.constant 32 : i32
    %scan3A_413 = arith.addi %scan3A_411, %scan3A_412 : i32
    %scan3A_414 = arith.constant 1 : i32
    %scan3A_415 = scf.for %scan3A_539 = %scan3A_411 to %scan3A_413 step %scan3A_414 iter_args(%scan3A_540 = %scan3A_410) -> (i32)  : i32 {
      %mul3A_541 = arith.constant 16 : i32
      %mul3A_542 = arith.muli %scan3A_539, %mul3A_541 : i32
      %get3A = arith.index_cast %mul3A_542 : i32 to index
      %get3A_543 = tpu.vector_load %arg11[%get3A] {strides = array<i32>} : memref<512xf32, #tpu.memory_space<vmem>>, vector<16xf32>,
      %get3A_544 = arith.index_cast %mul3A_542 : i32 to index
      %get3A_545 = tpu.vector_load %arg10[%get3A_544] {strides = array<i32>} : memref<512xf32, #tpu.memory_space<vmem>>, vector<16xf32>,
      %add3A_546 = arith.addf %get3A_543, %get3A_545 : vector<16xf32>
      %swap3A = arith.index_cast %mul3A_542 : i32 to index
      %swap3A_547 = tpu.vector_load %arg11[%swap3A] {strides = array<i32>} : memref<512xf32, #tpu.memory_space<vmem>>, vector<16xf32>,
      tpu.vector_store %arg11[%swap3A], %add3A_546 {strides = array<i32>} : memref<512xf32, #tpu.memory_space<vmem>>, vector<16xf32>,
      %scan3A_548 = arith.constant 0 : i32
      scf.yield %scan3A_548 : i32
    }
    %scan3A_416 = arith.constant 32 : i32
    %mul3A_417 = arith.constant 512 : i32
    %mul3A_418 = arith.muli %arg1, %mul3A_417 : i32
    %run_scoped3A_419 = arith.constant 4 : i32
    "tpu.region"() ({
      %run_scoped3A_539 = tpu.sem_alloc : memref<!tpu.dma_semaphore, #tpu.memory_space<semaphore_mem>>
      %dma_start3A_540 = tpu.memref_slice %arg12[%run_scoped3A_419, %mul3A_418] : memref<16x8192xf32, #tpu.memory_space<vmem_shared>> -> memref<1x512xf32, #tpu.memory_space<vmem_shared>>
      %dma_start3A_541 = tpu.memref_squeeze %dma_start3A_540 : memref<1x512xf32, #tpu.memory_space<vmem_shared>> -> memref<512xf32, #tpu.memory_space<vmem_shared>>
      %dma_start3A_542 = tpu.memref_slice %arg12[%run_scoped3A_419, %mul3A_418] : memref<16x8192xf32, #tpu.memory_space<vmem_shared>> -> memref<1x512xf32, #tpu.memory_space<vmem_shared>>
      %dma_start3A_543 = tpu.memref_squeeze %dma_start3A_542 : memref<1x512xf32, #tpu.memory_space<vmem_shared>> -> memref<512xf32, #tpu.memory_space<vmem_shared>>
      tpu.enqueue_dma source(%dma_start3A_543 : memref<512xf32, #tpu.memory_space<vmem_shared>>) target(%arg10 : memref<512xf32, #tpu.memory_space<vmem>>) target_semaphore(%run_scoped3A_539 : memref<!tpu.dma_semaphore, #tpu.memory_space<semaphore_mem>>)
      %dma_wait3A_544 = tpu.memref_slice %arg12[%run_scoped3A_419, %mul3A_418] : memref<16x8192xf32, #tpu.memory_space<vmem_shared>> -> memref<1x512xf32, #tpu.memory_space<vmem_shared>>
      %dma_wait3A_545 = tpu.memref_squeeze %dma_wait3A_544 : memref<1x512xf32, #tpu.memory_space<vmem_shared>> -> memref<512xf32, #tpu.memory_space<vmem_shared>>
      %dma_wait3A_546 = tpu.memref_slice %arg12[%run_scoped3A_419, %mul3A_418] : memref<16x8192xf32, #tpu.memory_space<vmem_shared>> -> memref<1x512xf32, #tpu.memory_space<vmem_shared>>
      %dma_wait3A_547 = tpu.memref_squeeze %dma_wait3A_546 : memref<1x512xf32, #tpu.memory_space<vmem_shared>> -> memref<512xf32, #tpu.memory_space<vmem_shared>>
      tpu.wait_dma2 semaphore(%run_scoped3A_539 : memref<!tpu.dma_semaphore, #tpu.memory_space<semaphore_mem>>) src(%dma_wait3A_547 : memref<512xf32, #tpu.memory_space<vmem_shared>>) dst(%arg10 : memref<512xf32, #tpu.memory_space<vmem>>)
      tpu.yield
    }) : () -> ()
    %scan3A_420 = arith.constant 0 : i32
    %scan3A_421 = arith.constant 0 : i32
    %scan3A_422 = arith.constant 32 : i32
    %scan3A_423 = arith.addi %scan3A_421, %scan3A_422 : i32
    %scan3A_424 = arith.constant 1 : i32
    %scan3A_425 = scf.for %scan3A_539 = %scan3A_421 to %scan3A_423 step %scan3A_424 iter_args(%scan3A_540 = %scan3A_420) -> (i32)  : i32 {
      %mul3A_541 = arith.constant 16 : i32
      %mul3A_542 = arith.muli %scan3A_539, %mul3A_541 : i32
      %get3A = arith.index_cast %mul3A_542 : i32 to index
      %get3A_543 = tpu.vector_load %arg11[%get3A] {strides = array<i32>} : memref<512xf32, #tpu.memory_space<vmem>>, vector<16xf32>,
      %get3A_544 = arith.index_cast %mul3A_542 : i32 to index
      %get3A_545 = tpu.vector_load %arg10[%get3A_544] {strides = array<i32>} : memref<512xf32, #tpu.memory_space<vmem>>, vector<16xf32>,
      %add3A_546 = arith.addf %get3A_543, %get3A_545 : vector<16xf32>
      %swap3A = arith.index_cast %mul3A_542 : i32 to index
      %swap3A_547 = tpu.vector_load %arg11[%swap3A] {strides = array<i32>} : memref<512xf32, #tpu.memory_space<vmem>>, vector<16xf32>,
      tpu.vector_store %arg11[%swap3A], %add3A_546 {strides = array<i32>} : memref<512xf32, #tpu.memory_space<vmem>>, vector<16xf32>,
      %scan3A_548 = arith.constant 0 : i32
      scf.yield %scan3A_548 : i32
    }
    %scan3A_426 = arith.constant 32 : i32
    %mul3A_427 = arith.constant 512 : i32
    %mul3A_428 = arith.muli %arg1, %mul3A_427 : i32
    %run_scoped3A_429 = arith.constant 5 : i32
    "tpu.region"() ({
      %run_scoped3A_539 = tpu.sem_alloc : memref<!tpu.dma_semaphore, #tpu.memory_space<semaphore_mem>>
      %dma_start3A_540 = tpu.memref_slice %arg12[%run_scoped3A_429, %mul3A_428] : memref<16x8192xf32, #tpu.memory_space<vmem_shared>> -> memref<1x512xf32, #tpu.memory_space<vmem_shared>>
      %dma_start3A_541 = tpu.memref_squeeze %dma_start3A_540 : memref<1x512xf32, #tpu.memory_space<vmem_shared>> -> memref<512xf32, #tpu.memory_space<vmem_shared>>
      %dma_start3A_542 = tpu.memref_slice %arg12[%run_scoped3A_429, %mul3A_428] : memref<16x8192xf32, #tpu.memory_space<vmem_shared>> -> memref<1x512xf32, #tpu.memory_space<vmem_shared>>
      %dma_start3A_543 = tpu.memref_squeeze %dma_start3A_542 : memref<1x512xf32, #tpu.memory_space<vmem_shared>> -> memref<512xf32, #tpu.memory_space<vmem_shared>>
      tpu.enqueue_dma source(%dma_start3A_543 : memref<512xf32, #tpu.memory_space<vmem_shared>>) target(%arg10 : memref<512xf32, #tpu.memory_space<vmem>>) target_semaphore(%run_scoped3A_539 : memref<!tpu.dma_semaphore, #tpu.memory_space<semaphore_mem>>)
      %dma_wait3A_544 = tpu.memref_slice %arg12[%run_scoped3A_429, %mul3A_428] : memref<16x8192xf32, #tpu.memory_space<vmem_shared>> -> memref<1x512xf32, #tpu.memory_space<vmem_shared>>
      %dma_wait3A_545 = tpu.memref_squeeze %dma_wait3A_544 : memref<1x512xf32, #tpu.memory_space<vmem_shared>> -> memref<512xf32, #tpu.memory_space<vmem_shared>>
      %dma_wait3A_546 = tpu.memref_slice %arg12[%run_scoped3A_429, %mul3A_428] : memref<16x8192xf32, #tpu.memory_space<vmem_shared>> -> memref<1x512xf32, #tpu.memory_space<vmem_shared>>
      %dma_wait3A_547 = tpu.memref_squeeze %dma_wait3A_546 : memref<1x512xf32, #tpu.memory_space<vmem_shared>> -> memref<512xf32, #tpu.memory_space<vmem_shared>>
      tpu.wait_dma2 semaphore(%run_scoped3A_539 : memref<!tpu.dma_semaphore, #tpu.memory_space<semaphore_mem>>) src(%dma_wait3A_547 : memref<512xf32, #tpu.memory_space<vmem_shared>>) dst(%arg10 : memref<512xf32, #tpu.memory_space<vmem>>)
      tpu.yield
    }) : () -> ()
    %scan3A_430 = arith.constant 0 : i32
    %scan3A_431 = arith.constant 0 : i32
    %scan3A_432 = arith.constant 32 : i32
    %scan3A_433 = arith.addi %scan3A_431, %scan3A_432 : i32
    %scan3A_434 = arith.constant 1 : i32
    %scan3A_435 = scf.for %scan3A_539 = %scan3A_431 to %scan3A_433 step %scan3A_434 iter_args(%scan3A_540 = %scan3A_430) -> (i32)  : i32 {
      %mul3A_541 = arith.constant 16 : i32
      %mul3A_542 = arith.muli %scan3A_539, %mul3A_541 : i32
      %get3A = arith.index_cast %mul3A_542 : i32 to index
      %get3A_543 = tpu.vector_load %arg11[%get3A] {strides = array<i32>} : memref<512xf32, #tpu.memory_space<vmem>>, vector<16xf32>,
      %get3A_544 = arith.index_cast %mul3A_542 : i32 to index
      %get3A_545 = tpu.vector_load %arg10[%get3A_544] {strides = array<i32>} : memref<512xf32, #tpu.memory_space<vmem>>, vector<16xf32>,
      %add3A_546 = arith.addf %get3A_543, %get3A_545 : vector<16xf32>
      %swap3A = arith.index_cast %mul3A_542 : i32 to index
      %swap3A_547 = tpu.vector_load %arg11[%swap3A] {strides = array<i32>} : memref<512xf32, #tpu.memory_space<vmem>>, vector<16xf32>,
      tpu.vector_store %arg11[%swap3A], %add3A_546 {strides = array<i32>} : memref<512xf32, #tpu.memory_space<vmem>>, vector<16xf32>,
      %scan3A_548 = arith.constant 0 : i32
      scf.yield %scan3A_548 : i32
    }
    %scan3A_436 = arith.constant 32 : i32
    %mul3A_437 = arith.constant 512 : i32
    %mul3A_438 = arith.muli %arg1, %mul3A_437 : i32
    %run_scoped3A_439 = arith.constant 6 : i32
    "tpu.region"() ({
      %run_scoped3A_539 = tpu.sem_alloc : memref<!tpu.dma_semaphore, #tpu.memory_space<semaphore_mem>>
      %dma_start3A_540 = tpu.memref_slice %arg12[%run_scoped3A_439, %mul3A_438] : memref<16x8192xf32, #tpu.memory_space<vmem_shared>> -> memref<1x512xf32, #tpu.memory_space<vmem_shared>>
      %dma_start3A_541 = tpu.memref_squeeze %dma_start3A_540 : memref<1x512xf32, #tpu.memory_space<vmem_shared>> -> memref<512xf32, #tpu.memory_space<vmem_shared>>
      %dma_start3A_542 = tpu.memref_slice %arg12[%run_scoped3A_439, %mul3A_438] : memref<16x8192xf32, #tpu.memory_space<vmem_shared>> -> memref<1x512xf32, #tpu.memory_space<vmem_shared>>
      %dma_start3A_543 = tpu.memref_squeeze %dma_start3A_542 : memref<1x512xf32, #tpu.memory_space<vmem_shared>> -> memref<512xf32, #tpu.memory_space<vmem_shared>>
      tpu.enqueue_dma source(%dma_start3A_543 : memref<512xf32, #tpu.memory_space<vmem_shared>>) target(%arg10 : memref<512xf32, #tpu.memory_space<vmem>>) target_semaphore(%run_scoped3A_539 : memref<!tpu.dma_semaphore, #tpu.memory_space<semaphore_mem>>)
      %dma_wait3A_544 = tpu.memref_slice %arg12[%run_scoped3A_439, %mul3A_438] : memref<16x8192xf32, #tpu.memory_space<vmem_shared>> -> memref<1x512xf32, #tpu.memory_space<vmem_shared>>
      %dma_wait3A_545 = tpu.memref_squeeze %dma_wait3A_544 : memref<1x512xf32, #tpu.memory_space<vmem_shared>> -> memref<512xf32, #tpu.memory_space<vmem_shared>>
      %dma_wait3A_546 = tpu.memref_slice %arg12[%run_scoped3A_439, %mul3A_438] : memref<16x8192xf32, #tpu.memory_space<vmem_shared>> -> memref<1x512xf32, #tpu.memory_space<vmem_shared>>
      %dma_wait3A_547 = tpu.memref_squeeze %dma_wait3A_546 : memref<1x512xf32, #tpu.memory_space<vmem_shared>> -> memref<512xf32, #tpu.memory_space<vmem_shared>>
      tpu.wait_dma2 semaphore(%run_scoped3A_539 : memref<!tpu.dma_semaphore, #tpu.memory_space<semaphore_mem>>) src(%dma_wait3A_547 : memref<512xf32, #tpu.memory_space<vmem_shared>>) dst(%arg10 : memref<512xf32, #tpu.memory_space<vmem>>)
      tpu.yield
    }) : () -> ()
    %scan3A_440 = arith.constant 0 : i32
    %scan3A_441 = arith.constant 0 : i32
    %scan3A_442 = arith.constant 32 : i32
    %scan3A_443 = arith.addi %scan3A_441, %scan3A_442 : i32
    %scan3A_444 = arith.constant 1 : i32
    %scan3A_445 = scf.for %scan3A_539 = %scan3A_441 to %scan3A_443 step %scan3A_444 iter_args(%scan3A_540 = %scan3A_440) -> (i32)  : i32 {
      %mul3A_541 = arith.constant 16 : i32
      %mul3A_542 = arith.muli %scan3A_539, %mul3A_541 : i32
      %get3A = arith.index_cast %mul3A_542 : i32 to index
      %get3A_543 = tpu.vector_load %arg11[%get3A] {strides = array<i32>} : memref<512xf32, #tpu.memory_space<vmem>>, vector<16xf32>,
      %get3A_544 = arith.index_cast %mul3A_542 : i32 to index
      %get3A_545 = tpu.vector_load %arg10[%get3A_544] {strides = array<i32>} : memref<512xf32, #tpu.memory_space<vmem>>, vector<16xf32>,
      %add3A_546 = arith.addf %get3A_543, %get3A_545 : vector<16xf32>
      %swap3A = arith.index_cast %mul3A_542 : i32 to index
      %swap3A_547 = tpu.vector_load %arg11[%swap3A] {strides = array<i32>} : memref<512xf32, #tpu.memory_space<vmem>>, vector<16xf32>,
      tpu.vector_store %arg11[%swap3A], %add3A_546 {strides = array<i32>} : memref<512xf32, #tpu.memory_space<vmem>>, vector<16xf32>,
      %scan3A_548 = arith.constant 0 : i32
      scf.yield %scan3A_548 : i32
    }
    %scan3A_446 = arith.constant 32 : i32
    %mul3A_447 = arith.constant 512 : i32
    %mul3A_448 = arith.muli %arg1, %mul3A_447 : i32
    %run_scoped3A_449 = arith.constant 7 : i32
    "tpu.region"() ({
      %run_scoped3A_539 = tpu.sem_alloc : memref<!tpu.dma_semaphore, #tpu.memory_space<semaphore_mem>>
      %dma_start3A_540 = tpu.memref_slice %arg12[%run_scoped3A_449, %mul3A_448] : memref<16x8192xf32, #tpu.memory_space<vmem_shared>> -> memref<1x512xf32, #tpu.memory_space<vmem_shared>>
      %dma_start3A_541 = tpu.memref_squeeze %dma_start3A_540 : memref<1x512xf32, #tpu.memory_space<vmem_shared>> -> memref<512xf32, #tpu.memory_space<vmem_shared>>
      %dma_start3A_542 = tpu.memref_slice %arg12[%run_scoped3A_449, %mul3A_448] : memref<16x8192xf32, #tpu.memory_space<vmem_shared>> -> memref<1x512xf32, #tpu.memory_space<vmem_shared>>
      %dma_start3A_543 = tpu.memref_squeeze %dma_start3A_542 : memref<1x512xf32, #tpu.memory_space<vmem_shared>> -> memref<512xf32, #tpu.memory_space<vmem_shared>>
      tpu.enqueue_dma source(%dma_start3A_543 : memref<512xf32, #tpu.memory_space<vmem_shared>>) target(%arg10 : memref<512xf32, #tpu.memory_space<vmem>>) target_semaphore(%run_scoped3A_539 : memref<!tpu.dma_semaphore, #tpu.memory_space<semaphore_mem>>)
      %dma_wait3A_544 = tpu.memref_slice %arg12[%run_scoped3A_449, %mul3A_448] : memref<16x8192xf32, #tpu.memory_space<vmem_shared>> -> memref<1x512xf32, #tpu.memory_space<vmem_shared>>
      %dma_wait3A_545 = tpu.memref_squeeze %dma_wait3A_544 : memref<1x512xf32, #tpu.memory_space<vmem_shared>> -> memref<512xf32, #tpu.memory_space<vmem_shared>>
      %dma_wait3A_546 = tpu.memref_slice %arg12[%run_scoped3A_449, %mul3A_448] : memref<16x8192xf32, #tpu.memory_space<vmem_shared>> -> memref<1x512xf32, #tpu.memory_space<vmem_shared>>
      %dma_wait3A_547 = tpu.memref_squeeze %dma_wait3A_546 : memref<1x512xf32, #tpu.memory_space<vmem_shared>> -> memref<512xf32, #tpu.memory_space<vmem_shared>>
      tpu.wait_dma2 semaphore(%run_scoped3A_539 : memref<!tpu.dma_semaphore, #tpu.memory_space<semaphore_mem>>) src(%dma_wait3A_547 : memref<512xf32, #tpu.memory_space<vmem_shared>>) dst(%arg10 : memref<512xf32, #tpu.memory_space<vmem>>)
      tpu.yield
    }) : () -> ()
    %scan3A_450 = arith.constant 0 : i32
    %scan3A_451 = arith.constant 0 : i32
    %scan3A_452 = arith.constant 32 : i32
    %scan3A_453 = arith.addi %scan3A_451, %scan3A_452 : i32
    %scan3A_454 = arith.constant 1 : i32
    %scan3A_455 = scf.for %scan3A_539 = %scan3A_451 to %scan3A_453 step %scan3A_454 iter_args(%scan3A_540 = %scan3A_450) -> (i32)  : i32 {
      %mul3A_541 = arith.constant 16 : i32
      %mul3A_542 = arith.muli %scan3A_539, %mul3A_541 : i32
      %get3A = arith.index_cast %mul3A_542 : i32 to index
      %get3A_543 = tpu.vector_load %arg11[%get3A] {strides = array<i32>} : memref<512xf32, #tpu.memory_space<vmem>>, vector<16xf32>,
      %get3A_544 = arith.index_cast %mul3A_542 : i32 to index
      %get3A_545 = tpu.vector_load %arg10[%get3A_544] {strides = array<i32>} : memref<512xf32, #tpu.memory_space<vmem>>, vector<16xf32>,
      %add3A_546 = arith.addf %get3A_543, %get3A_545 : vector<16xf32>
      %swap3A = arith.index_cast %mul3A_542 : i32 to index
      %swap3A_547 = tpu.vector_load %arg11[%swap3A] {strides = array<i32>} : memref<512xf32, #tpu.memory_space<vmem>>, vector<16xf32>,
      tpu.vector_store %arg11[%swap3A], %add3A_546 {strides = array<i32>} : memref<512xf32, #tpu.memory_space<vmem>>, vector<16xf32>,
      %scan3A_548 = arith.constant 0 : i32
      scf.yield %scan3A_548 : i32
    }
    %scan3A_456 = arith.constant 32 : i32
    %mul3A_457 = arith.constant 512 : i32
    %mul3A_458 = arith.muli %arg1, %mul3A_457 : i32
    %run_scoped3A_459 = arith.constant 8 : i32
    "tpu.region"() ({
      %run_scoped3A_539 = tpu.sem_alloc : memref<!tpu.dma_semaphore, #tpu.memory_space<semaphore_mem>>
      %dma_start3A_540 = tpu.memref_slice %arg12[%run_scoped3A_459, %mul3A_458] : memref<16x8192xf32, #tpu.memory_space<vmem_shared>> -> memref<1x512xf32, #tpu.memory_space<vmem_shared>>
      %dma_start3A_541 = tpu.memref_squeeze %dma_start3A_540 : memref<1x512xf32, #tpu.memory_space<vmem_shared>> -> memref<512xf32, #tpu.memory_space<vmem_shared>>
      %dma_start3A_542 = tpu.memref_slice %arg12[%run_scoped3A_459, %mul3A_458] : memref<16x8192xf32, #tpu.memory_space<vmem_shared>> -> memref<1x512xf32, #tpu.memory_space<vmem_shared>>
      %dma_start3A_543 = tpu.memref_squeeze %dma_start3A_542 : memref<1x512xf32, #tpu.memory_space<vmem_shared>> -> memref<512xf32, #tpu.memory_space<vmem_shared>>
      tpu.enqueue_dma source(%dma_start3A_543 : memref<512xf32, #tpu.memory_space<vmem_shared>>) target(%arg10 : memref<512xf32, #tpu.memory_space<vmem>>) target_semaphore(%run_scoped3A_539 : memref<!tpu.dma_semaphore, #tpu.memory_space<semaphore_mem>>)
      %dma_wait3A_544 = tpu.memref_slice %arg12[%run_scoped3A_459, %mul3A_458] : memref<16x8192xf32, #tpu.memory_space<vmem_shared>> -> memref<1x512xf32, #tpu.memory_space<vmem_shared>>
      %dma_wait3A_545 = tpu.memref_squeeze %dma_wait3A_544 : memref<1x512xf32, #tpu.memory_space<vmem_shared>> -> memref<512xf32, #tpu.memory_space<vmem_shared>>
      %dma_wait3A_546 = tpu.memref_slice %arg12[%run_scoped3A_459, %mul3A_458] : memref<16x8192xf32, #tpu.memory_space<vmem_shared>> -> memref<1x512xf32, #tpu.memory_space<vmem_shared>>
      %dma_wait3A_547 = tpu.memref_squeeze %dma_wait3A_546 : memref<1x512xf32, #tpu.memory_space<vmem_shared>> -> memref<512xf32, #tpu.memory_space<vmem_shared>>
      tpu.wait_dma2 semaphore(%run_scoped3A_539 : memref<!tpu.dma_semaphore, #tpu.memory_space<semaphore_mem>>) src(%dma_wait3A_547 : memref<512xf32, #tpu.memory_space<vmem_shared>>) dst(%arg10 : memref<512xf32, #tpu.memory_space<vmem>>)
      tpu.yield
    }) : () -> ()
    %scan3A_460 = arith.constant 0 : i32
    %scan3A_461 = arith.constant 0 : i32
    %scan3A_462 = arith.constant 32 : i32
    %scan3A_463 = arith.addi %scan3A_461, %scan3A_462 : i32
    %scan3A_464 = arith.constant 1 : i32
    %scan3A_465 = scf.for %scan3A_539 = %scan3A_461 to %scan3A_463 step %scan3A_464 iter_args(%scan3A_540 = %scan3A_460) -> (i32)  : i32 {
      %mul3A_541 = arith.constant 16 : i32
      %mul3A_542 = arith.muli %scan3A_539, %mul3A_541 : i32
      %get3A = arith.index_cast %mul3A_542 : i32 to index
      %get3A_543 = tpu.vector_load %arg11[%get3A] {strides = array<i32>} : memref<512xf32, #tpu.memory_space<vmem>>, vector<16xf32>,
      %get3A_544 = arith.index_cast %mul3A_542 : i32 to index
      %get3A_545 = tpu.vector_load %arg10[%get3A_544] {strides = array<i32>} : memref<512xf32, #tpu.memory_space<vmem>>, vector<16xf32>,
      %add3A_546 = arith.addf %get3A_543, %get3A_545 : vector<16xf32>
      %swap3A = arith.index_cast %mul3A_542 : i32 to index
      %swap3A_547 = tpu.vector_load %arg11[%swap3A] {strides = array<i32>} : memref<512xf32, #tpu.memory_space<vmem>>, vector<16xf32>,
      tpu.vector_store %arg11[%swap3A], %add3A_546 {strides = array<i32>} : memref<512xf32, #tpu.memory_space<vmem>>, vector<16xf32>,
      %scan3A_548 = arith.constant 0 : i32
      scf.yield %scan3A_548 : i32
    }
    %scan3A_466 = arith.constant 32 : i32
    %mul3A_467 = arith.constant 512 : i32
    %mul3A_468 = arith.muli %arg1, %mul3A_467 : i32
    %run_scoped3A_469 = arith.constant 9 : i32
    "tpu.region"() ({
      %run_scoped3A_539 = tpu.sem_alloc : memref<!tpu.dma_semaphore, #tpu.memory_space<semaphore_mem>>
      %dma_start3A_540 = tpu.memref_slice %arg12[%run_scoped3A_469, %mul3A_468] : memref<16x8192xf32, #tpu.memory_space<vmem_shared>> -> memref<1x512xf32, #tpu.memory_space<vmem_shared>>
      %dma_start3A_541 = tpu.memref_squeeze %dma_start3A_540 : memref<1x512xf32, #tpu.memory_space<vmem_shared>> -> memref<512xf32, #tpu.memory_space<vmem_shared>>
      %dma_start3A_542 = tpu.memref_slice %arg12[%run_scoped3A_469, %mul3A_468] : memref<16x8192xf32, #tpu.memory_space<vmem_shared>> -> memref<1x512xf32, #tpu.memory_space<vmem_shared>>
      %dma_start3A_543 = tpu.memref_squeeze %dma_start3A_542 : memref<1x512xf32, #tpu.memory_space<vmem_shared>> -> memref<512xf32, #tpu.memory_space<vmem_shared>>
      tpu.enqueue_dma source(%dma_start3A_543 : memref<512xf32, #tpu.memory_space<vmem_shared>>) target(%arg10 : memref<512xf32, #tpu.memory_space<vmem>>) target_semaphore(%run_scoped3A_539 : memref<!tpu.dma_semaphore, #tpu.memory_space<semaphore_mem>>)
      %dma_wait3A_544 = tpu.memref_slice %arg12[%run_scoped3A_469, %mul3A_468] : memref<16x8192xf32, #tpu.memory_space<vmem_shared>> -> memref<1x512xf32, #tpu.memory_space<vmem_shared>>
      %dma_wait3A_545 = tpu.memref_squeeze %dma_wait3A_544 : memref<1x512xf32, #tpu.memory_space<vmem_shared>> -> memref<512xf32, #tpu.memory_space<vmem_shared>>
      %dma_wait3A_546 = tpu.memref_slice %arg12[%run_scoped3A_469, %mul3A_468] : memref<16x8192xf32, #tpu.memory_space<vmem_shared>> -> memref<1x512xf32, #tpu.memory_space<vmem_shared>>
      %dma_wait3A_547 = tpu.memref_squeeze %dma_wait3A_546 : memref<1x512xf32, #tpu.memory_space<vmem_shared>> -> memref<512xf32, #tpu.memory_space<vmem_shared>>
      tpu.wait_dma2 semaphore(%run_scoped3A_539 : memref<!tpu.dma_semaphore, #tpu.memory_space<semaphore_mem>>) src(%dma_wait3A_547 : memref<512xf32, #tpu.memory_space<vmem_shared>>) dst(%arg10 : memref<512xf32, #tpu.memory_space<vmem>>)
      tpu.yield
    }) : () -> ()
    %scan3A_470 = arith.constant 0 : i32
    %scan3A_471 = arith.constant 0 : i32
    %scan3A_472 = arith.constant 32 : i32
    %scan3A_473 = arith.addi %scan3A_471, %scan3A_472 : i32
    %scan3A_474 = arith.constant 1 : i32
    %scan3A_475 = scf.for %scan3A_539 = %scan3A_471 to %scan3A_473 step %scan3A_474 iter_args(%scan3A_540 = %scan3A_470) -> (i32)  : i32 {
      %mul3A_541 = arith.constant 16 : i32
      %mul3A_542 = arith.muli %scan3A_539, %mul3A_541 : i32
      %get3A = arith.index_cast %mul3A_542 : i32 to index
      %get3A_543 = tpu.vector_load %arg11[%get3A] {strides = array<i32>} : memref<512xf32, #tpu.memory_space<vmem>>, vector<16xf32>,
      %get3A_544 = arith.index_cast %mul3A_542 : i32 to index
      %get3A_545 = tpu.vector_load %arg10[%get3A_544] {strides = array<i32>} : memref<512xf32, #tpu.memory_space<vmem>>, vector<16xf32>,
      %add3A_546 = arith.addf %get3A_543, %get3A_545 : vector<16xf32>
      %swap3A = arith.index_cast %mul3A_542 : i32 to index
      %swap3A_547 = tpu.vector_load %arg11[%swap3A] {strides = array<i32>} : memref<512xf32, #tpu.memory_space<vmem>>, vector<16xf32>,
      tpu.vector_store %arg11[%swap3A], %add3A_546 {strides = array<i32>} : memref<512xf32, #tpu.memory_space<vmem>>, vector<16xf32>,
      %scan3A_548 = arith.constant 0 : i32
      scf.yield %scan3A_548 : i32
    }
    %scan3A_476 = arith.constant 32 : i32
    %mul3A_477 = arith.constant 512 : i32
    %mul3A_478 = arith.muli %arg1, %mul3A_477 : i32
    %run_scoped3A_479 = arith.constant 10 : i32
    "tpu.region"() ({
      %run_scoped3A_539 = tpu.sem_alloc : memref<!tpu.dma_semaphore, #tpu.memory_space<semaphore_mem>>
      %dma_start3A_540 = tpu.memref_slice %arg12[%run_scoped3A_479, %mul3A_478] : memref<16x8192xf32, #tpu.memory_space<vmem_shared>> -> memref<1x512xf32, #tpu.memory_space<vmem_shared>>
      %dma_start3A_541 = tpu.memref_squeeze %dma_start3A_540 : memref<1x512xf32, #tpu.memory_space<vmem_shared>> -> memref<512xf32, #tpu.memory_space<vmem_shared>>
      %dma_start3A_542 = tpu.memref_slice %arg12[%run_scoped3A_479, %mul3A_478] : memref<16x8192xf32, #tpu.memory_space<vmem_shared>> -> memref<1x512xf32, #tpu.memory_space<vmem_shared>>
      %dma_start3A_543 = tpu.memref_squeeze %dma_start3A_542 : memref<1x512xf32, #tpu.memory_space<vmem_shared>> -> memref<512xf32, #tpu.memory_space<vmem_shared>>
      tpu.enqueue_dma source(%dma_start3A_543 : memref<512xf32, #tpu.memory_space<vmem_shared>>) target(%arg10 : memref<512xf32, #tpu.memory_space<vmem>>) target_semaphore(%run_scoped3A_539 : memref<!tpu.dma_semaphore, #tpu.memory_space<semaphore_mem>>)
      %dma_wait3A_544 = tpu.memref_slice %arg12[%run_scoped3A_479, %mul3A_478] : memref<16x8192xf32, #tpu.memory_space<vmem_shared>> -> memref<1x512xf32, #tpu.memory_space<vmem_shared>>
      %dma_wait3A_545 = tpu.memref_squeeze %dma_wait3A_544 : memref<1x512xf32, #tpu.memory_space<vmem_shared>> -> memref<512xf32, #tpu.memory_space<vmem_shared>>
      %dma_wait3A_546 = tpu.memref_slice %arg12[%run_scoped3A_479, %mul3A_478] : memref<16x8192xf32, #tpu.memory_space<vmem_shared>> -> memref<1x512xf32, #tpu.memory_space<vmem_shared>>
      %dma_wait3A_547 = tpu.memref_squeeze %dma_wait3A_546 : memref<1x512xf32, #tpu.memory_space<vmem_shared>> -> memref<512xf32, #tpu.memory_space<vmem_shared>>
      tpu.wait_dma2 semaphore(%run_scoped3A_539 : memref<!tpu.dma_semaphore, #tpu.memory_space<semaphore_mem>>) src(%dma_wait3A_547 : memref<512xf32, #tpu.memory_space<vmem_shared>>) dst(%arg10 : memref<512xf32, #tpu.memory_space<vmem>>)
      tpu.yield
    }) : () -> ()
    %scan3A_480 = arith.constant 0 : i32
    %scan3A_481 = arith.constant 0 : i32
    %scan3A_482 = arith.constant 32 : i32
    %scan3A_483 = arith.addi %scan3A_481, %scan3A_482 : i32
    %scan3A_484 = arith.constant 1 : i32
    %scan3A_485 = scf.for %scan3A_539 = %scan3A_481 to %scan3A_483 step %scan3A_484 iter_args(%scan3A_540 = %scan3A_480) -> (i32)  : i32 {
      %mul3A_541 = arith.constant 16 : i32
      %mul3A_542 = arith.muli %scan3A_539, %mul3A_541 : i32
      %get3A = arith.index_cast %mul3A_542 : i32 to index
      %get3A_543 = tpu.vector_load %arg11[%get3A] {strides = array<i32>} : memref<512xf32, #tpu.memory_space<vmem>>, vector<16xf32>,
      %get3A_544 = arith.index_cast %mul3A_542 : i32 to index
      %get3A_545 = tpu.vector_load %arg10[%get3A_544] {strides = array<i32>} : memref<512xf32, #tpu.memory_space<vmem>>, vector<16xf32>,
      %add3A_546 = arith.addf %get3A_543, %get3A_545 : vector<16xf32>
      %swap3A = arith.index_cast %mul3A_542 : i32 to index
      %swap3A_547 = tpu.vector_load %arg11[%swap3A] {strides = array<i32>} : memref<512xf32, #tpu.memory_space<vmem>>, vector<16xf32>,
      tpu.vector_store %arg11[%swap3A], %add3A_546 {strides = array<i32>} : memref<512xf32, #tpu.memory_space<vmem>>, vector<16xf32>,
      %scan3A_548 = arith.constant 0 : i32
      scf.yield %scan3A_548 : i32
    }
    %scan3A_486 = arith.constant 32 : i32
    %mul3A_487 = arith.constant 512 : i32
    %mul3A_488 = arith.muli %arg1, %mul3A_487 : i32
    %run_scoped3A_489 = arith.constant 11 : i32
    "tpu.region"() ({
      %run_scoped3A_539 = tpu.sem_alloc : memref<!tpu.dma_semaphore, #tpu.memory_space<semaphore_mem>>
      %dma_start3A_540 = tpu.memref_slice %arg12[%run_scoped3A_489, %mul3A_488] : memref<16x8192xf32, #tpu.memory_space<vmem_shared>> -> memref<1x512xf32, #tpu.memory_space<vmem_shared>>
      %dma_start3A_541 = tpu.memref_squeeze %dma_start3A_540 : memref<1x512xf32, #tpu.memory_space<vmem_shared>> -> memref<512xf32, #tpu.memory_space<vmem_shared>>
      %dma_start3A_542 = tpu.memref_slice %arg12[%run_scoped3A_489, %mul3A_488] : memref<16x8192xf32, #tpu.memory_space<vmem_shared>> -> memref<1x512xf32, #tpu.memory_space<vmem_shared>>
      %dma_start3A_543 = tpu.memref_squeeze %dma_start3A_542 : memref<1x512xf32, #tpu.memory_space<vmem_shared>> -> memref<512xf32, #tpu.memory_space<vmem_shared>>
      tpu.enqueue_dma source(%dma_start3A_543 : memref<512xf32, #tpu.memory_space<vmem_shared>>) target(%arg10 : memref<512xf32, #tpu.memory_space<vmem>>) target_semaphore(%run_scoped3A_539 : memref<!tpu.dma_semaphore, #tpu.memory_space<semaphore_mem>>)
      %dma_wait3A_544 = tpu.memref_slice %arg12[%run_scoped3A_489, %mul3A_488] : memref<16x8192xf32, #tpu.memory_space<vmem_shared>> -> memref<1x512xf32, #tpu.memory_space<vmem_shared>>
      %dma_wait3A_545 = tpu.memref_squeeze %dma_wait3A_544 : memref<1x512xf32, #tpu.memory_space<vmem_shared>> -> memref<512xf32, #tpu.memory_space<vmem_shared>>
      %dma_wait3A_546 = tpu.memref_slice %arg12[%run_scoped3A_489, %mul3A_488] : memref<16x8192xf32, #tpu.memory_space<vmem_shared>> -> memref<1x512xf32, #tpu.memory_space<vmem_shared>>
      %dma_wait3A_547 = tpu.memref_squeeze %dma_wait3A_546 : memref<1x512xf32, #tpu.memory_space<vmem_shared>> -> memref<512xf32, #tpu.memory_space<vmem_shared>>
      tpu.wait_dma2 semaphore(%run_scoped3A_539 : memref<!tpu.dma_semaphore, #tpu.memory_space<semaphore_mem>>) src(%dma_wait3A_547 : memref<512xf32, #tpu.memory_space<vmem_shared>>) dst(%arg10 : memref<512xf32, #tpu.memory_space<vmem>>)
      tpu.yield
    }) : () -> ()
    %scan3A_490 = arith.constant 0 : i32
    %scan3A_491 = arith.constant 0 : i32
    %scan3A_492 = arith.constant 32 : i32
    %scan3A_493 = arith.addi %scan3A_491, %scan3A_492 : i32
    %scan3A_494 = arith.constant 1 : i32
    %scan3A_495 = scf.for %scan3A_539 = %scan3A_491 to %scan3A_493 step %scan3A_494 iter_args(%scan3A_540 = %scan3A_490) -> (i32)  : i32 {
      %mul3A_541 = arith.constant 16 : i32
      %mul3A_542 = arith.muli %scan3A_539, %mul3A_541 : i32
      %get3A = arith.index_cast %mul3A_542 : i32 to index
      %get3A_543 = tpu.vector_load %arg11[%get3A] {strides = array<i32>} : memref<512xf32, #tpu.memory_space<vmem>>, vector<16xf32>,
      %get3A_544 = arith.index_cast %mul3A_542 : i32 to index
      %get3A_545 = tpu.vector_load %arg10[%get3A_544] {strides = array<i32>} : memref<512xf32, #tpu.memory_space<vmem>>, vector<16xf32>,
      %add3A_546 = arith.addf %get3A_543, %get3A_545 : vector<16xf32>
      %swap3A = arith.index_cast %mul3A_542 : i32 to index
      %swap3A_547 = tpu.vector_load %arg11[%swap3A] {strides = array<i32>} : memref<512xf32, #tpu.memory_space<vmem>>, vector<16xf32>,
      tpu.vector_store %arg11[%swap3A], %add3A_546 {strides = array<i32>} : memref<512xf32, #tpu.memory_space<vmem>>, vector<16xf32>,
      %scan3A_548 = arith.constant 0 : i32
      scf.yield %scan3A_548 : i32
    }
    %scan3A_496 = arith.constant 32 : i32
    %mul3A_497 = arith.constant 512 : i32
    %mul3A_498 = arith.muli %arg1, %mul3A_497 : i32
    %run_scoped3A_499 = arith.constant 12 : i32
    "tpu.region"() ({
      %run_scoped3A_539 = tpu.sem_alloc : memref<!tpu.dma_semaphore, #tpu.memory_space<semaphore_mem>>
      %dma_start3A_540 = tpu.memref_slice %arg12[%run_scoped3A_499, %mul3A_498] : memref<16x8192xf32, #tpu.memory_space<vmem_shared>> -> memref<1x512xf32, #tpu.memory_space<vmem_shared>>
      %dma_start3A_541 = tpu.memref_squeeze %dma_start3A_540 : memref<1x512xf32, #tpu.memory_space<vmem_shared>> -> memref<512xf32, #tpu.memory_space<vmem_shared>>
      %dma_start3A_542 = tpu.memref_slice %arg12[%run_scoped3A_499, %mul3A_498] : memref<16x8192xf32, #tpu.memory_space<vmem_shared>> -> memref<1x512xf32, #tpu.memory_space<vmem_shared>>
      %dma_start3A_543 = tpu.memref_squeeze %dma_start3A_542 : memref<1x512xf32, #tpu.memory_space<vmem_shared>> -> memref<512xf32, #tpu.memory_space<vmem_shared>>
      tpu.enqueue_dma source(%dma_start3A_543 : memref<512xf32, #tpu.memory_space<vmem_shared>>) target(%arg10 : memref<512xf32, #tpu.memory_space<vmem>>) target_semaphore(%run_scoped3A_539 : memref<!tpu.dma_semaphore, #tpu.memory_space<semaphore_mem>>)
      %dma_wait3A_544 = tpu.memref_slice %arg12[%run_scoped3A_499, %mul3A_498] : memref<16x8192xf32, #tpu.memory_space<vmem_shared>> -> memref<1x512xf32, #tpu.memory_space<vmem_shared>>
      %dma_wait3A_545 = tpu.memref_squeeze %dma_wait3A_544 : memref<1x512xf32, #tpu.memory_space<vmem_shared>> -> memref<512xf32, #tpu.memory_space<vmem_shared>>
      %dma_wait3A_546 = tpu.memref_slice %arg12[%run_scoped3A_499, %mul3A_498] : memref<16x8192xf32, #tpu.memory_space<vmem_shared>> -> memref<1x512xf32, #tpu.memory_space<vmem_shared>>
      %dma_wait3A_547 = tpu.memref_squeeze %dma_wait3A_546 : memref<1x512xf32, #tpu.memory_space<vmem_shared>> -> memref<512xf32, #tpu.memory_space<vmem_shared>>
      tpu.wait_dma2 semaphore(%run_scoped3A_539 : memref<!tpu.dma_semaphore, #tpu.memory_space<semaphore_mem>>) src(%dma_wait3A_547 : memref<512xf32, #tpu.memory_space<vmem_shared>>) dst(%arg10 : memref<512xf32, #tpu.memory_space<vmem>>)
      tpu.yield
    }) : () -> ()
    %scan3A_500 = arith.constant 0 : i32
    %scan3A_501 = arith.constant 0 : i32
    %scan3A_502 = arith.constant 32 : i32
    %scan3A_503 = arith.addi %scan3A_501, %scan3A_502 : i32
    %scan3A_504 = arith.constant 1 : i32
    %scan3A_505 = scf.for %scan3A_539 = %scan3A_501 to %scan3A_503 step %scan3A_504 iter_args(%scan3A_540 = %scan3A_500) -> (i32)  : i32 {
      %mul3A_541 = arith.constant 16 : i32
      %mul3A_542 = arith.muli %scan3A_539, %mul3A_541 : i32
      %get3A = arith.index_cast %mul3A_542 : i32 to index
      %get3A_543 = tpu.vector_load %arg11[%get3A] {strides = array<i32>} : memref<512xf32, #tpu.memory_space<vmem>>, vector<16xf32>,
      %get3A_544 = arith.index_cast %mul3A_542 : i32 to index
      %get3A_545 = tpu.vector_load %arg10[%get3A_544] {strides = array<i32>} : memref<512xf32, #tpu.memory_space<vmem>>, vector<16xf32>,
      %add3A_546 = arith.addf %get3A_543, %get3A_545 : vector<16xf32>
      %swap3A = arith.index_cast %mul3A_542 : i32 to index
      %swap3A_547 = tpu.vector_load %arg11[%swap3A] {strides = array<i32>} : memref<512xf32, #tpu.memory_space<vmem>>, vector<16xf32>,
      tpu.vector_store %arg11[%swap3A], %add3A_546 {strides = array<i32>} : memref<512xf32, #tpu.memory_space<vmem>>, vector<16xf32>,
      %scan3A_548 = arith.constant 0 : i32
      scf.yield %scan3A_548 : i32
    }
    %scan3A_506 = arith.constant 32 : i32
    %mul3A_507 = arith.constant 512 : i32
    %mul3A_508 = arith.muli %arg1, %mul3A_507 : i32
    %run_scoped3A_509 = arith.constant 13 : i32
    "tpu.region"() ({
      %run_scoped3A_539 = tpu.sem_alloc : memref<!tpu.dma_semaphore, #tpu.memory_space<semaphore_mem>>
      %dma_start3A_540 = tpu.memref_slice %arg12[%run_scoped3A_509, %mul3A_508] : memref<16x8192xf32, #tpu.memory_space<vmem_shared>> -> memref<1x512xf32, #tpu.memory_space<vmem_shared>>
      %dma_start3A_541 = tpu.memref_squeeze %dma_start3A_540 : memref<1x512xf32, #tpu.memory_space<vmem_shared>> -> memref<512xf32, #tpu.memory_space<vmem_shared>>
      %dma_start3A_542 = tpu.memref_slice %arg12[%run_scoped3A_509, %mul3A_508] : memref<16x8192xf32, #tpu.memory_space<vmem_shared>> -> memref<1x512xf32, #tpu.memory_space<vmem_shared>>
      %dma_start3A_543 = tpu.memref_squeeze %dma_start3A_542 : memref<1x512xf32, #tpu.memory_space<vmem_shared>> -> memref<512xf32, #tpu.memory_space<vmem_shared>>
      tpu.enqueue_dma source(%dma_start3A_543 : memref<512xf32, #tpu.memory_space<vmem_shared>>) target(%arg10 : memref<512xf32, #tpu.memory_space<vmem>>) target_semaphore(%run_scoped3A_539 : memref<!tpu.dma_semaphore, #tpu.memory_space<semaphore_mem>>)
      %dma_wait3A_544 = tpu.memref_slice %arg12[%run_scoped3A_509, %mul3A_508] : memref<16x8192xf32, #tpu.memory_space<vmem_shared>> -> memref<1x512xf32, #tpu.memory_space<vmem_shared>>
      %dma_wait3A_545 = tpu.memref_squeeze %dma_wait3A_544 : memref<1x512xf32, #tpu.memory_space<vmem_shared>> -> memref<512xf32, #tpu.memory_space<vmem_shared>>
      %dma_wait3A_546 = tpu.memref_slice %arg12[%run_scoped3A_509, %mul3A_508] : memref<16x8192xf32, #tpu.memory_space<vmem_shared>> -> memref<1x512xf32, #tpu.memory_space<vmem_shared>>
      %dma_wait3A_547 = tpu.memref_squeeze %dma_wait3A_546 : memref<1x512xf32, #tpu.memory_space<vmem_shared>> -> memref<512xf32, #tpu.memory_space<vmem_shared>>
      tpu.wait_dma2 semaphore(%run_scoped3A_539 : memref<!tpu.dma_semaphore, #tpu.memory_space<semaphore_mem>>) src(%dma_wait3A_547 : memref<512xf32, #tpu.memory_space<vmem_shared>>) dst(%arg10 : memref<512xf32, #tpu.memory_space<vmem>>)
      tpu.yield
    }) : () -> ()
    %scan3A_510 = arith.constant 0 : i32
    %scan3A_511 = arith.constant 0 : i32
    %scan3A_512 = arith.constant 32 : i32
    %scan3A_513 = arith.addi %scan3A_511, %scan3A_512 : i32
    %scan3A_514 = arith.constant 1 : i32
    %scan3A_515 = scf.for %scan3A_539 = %scan3A_511 to %scan3A_513 step %scan3A_514 iter_args(%scan3A_540 = %scan3A_510) -> (i32)  : i32 {
      %mul3A_541 = arith.constant 16 : i32
      %mul3A_542 = arith.muli %scan3A_539, %mul3A_541 : i32
      %get3A = arith.index_cast %mul3A_542 : i32 to index
      %get3A_543 = tpu.vector_load %arg11[%get3A] {strides = array<i32>} : memref<512xf32, #tpu.memory_space<vmem>>, vector<16xf32>,
      %get3A_544 = arith.index_cast %mul3A_542 : i32 to index
      %get3A_545 = tpu.vector_load %arg10[%get3A_544] {strides = array<i32>} : memref<512xf32, #tpu.memory_space<vmem>>, vector<16xf32>,
      %add3A_546 = arith.addf %get3A_543, %get3A_545 : vector<16xf32>
      %swap3A = arith.index_cast %mul3A_542 : i32 to index
      %swap3A_547 = tpu.vector_load %arg11[%swap3A] {strides = array<i32>} : memref<512xf32, #tpu.memory_space<vmem>>, vector<16xf32>,
      tpu.vector_store %arg11[%swap3A], %add3A_546 {strides = array<i32>} : memref<512xf32, #tpu.memory_space<vmem>>, vector<16xf32>,
      %scan3A_548 = arith.constant 0 : i32
      scf.yield %scan3A_548 : i32
    }
    %scan3A_516 = arith.constant 32 : i32
    %mul3A_517 = arith.constant 512 : i32
    %mul3A_518 = arith.muli %arg1, %mul3A_517 : i32
    %run_scoped3A_519 = arith.constant 14 : i32
    "tpu.region"() ({
      %run_scoped3A_539 = tpu.sem_alloc : memref<!tpu.dma_semaphore, #tpu.memory_space<semaphore_mem>>
      %dma_start3A_540 = tpu.memref_slice %arg12[%run_scoped3A_519, %mul3A_518] : memref<16x8192xf32, #tpu.memory_space<vmem_shared>> -> memref<1x512xf32, #tpu.memory_space<vmem_shared>>
      %dma_start3A_541 = tpu.memref_squeeze %dma_start3A_540 : memref<1x512xf32, #tpu.memory_space<vmem_shared>> -> memref<512xf32, #tpu.memory_space<vmem_shared>>
      %dma_start3A_542 = tpu.memref_slice %arg12[%run_scoped3A_519, %mul3A_518] : memref<16x8192xf32, #tpu.memory_space<vmem_shared>> -> memref<1x512xf32, #tpu.memory_space<vmem_shared>>
      %dma_start3A_543 = tpu.memref_squeeze %dma_start3A_542 : memref<1x512xf32, #tpu.memory_space<vmem_shared>> -> memref<512xf32, #tpu.memory_space<vmem_shared>>
      tpu.enqueue_dma source(%dma_start3A_543 : memref<512xf32, #tpu.memory_space<vmem_shared>>) target(%arg10 : memref<512xf32, #tpu.memory_space<vmem>>) target_semaphore(%run_scoped3A_539 : memref<!tpu.dma_semaphore, #tpu.memory_space<semaphore_mem>>)
      %dma_wait3A_544 = tpu.memref_slice %arg12[%run_scoped3A_519, %mul3A_518] : memref<16x8192xf32, #tpu.memory_space<vmem_shared>> -> memref<1x512xf32, #tpu.memory_space<vmem_shared>>
      %dma_wait3A_545 = tpu.memref_squeeze %dma_wait3A_544 : memref<1x512xf32, #tpu.memory_space<vmem_shared>> -> memref<512xf32, #tpu.memory_space<vmem_shared>>
      %dma_wait3A_546 = tpu.memref_slice %arg12[%run_scoped3A_519, %mul3A_518] : memref<16x8192xf32, #tpu.memory_space<vmem_shared>> -> memref<1x512xf32, #tpu.memory_space<vmem_shared>>
      %dma_wait3A_547 = tpu.memref_squeeze %dma_wait3A_546 : memref<1x512xf32, #tpu.memory_space<vmem_shared>> -> memref<512xf32, #tpu.memory_space<vmem_shared>>
      tpu.wait_dma2 semaphore(%run_scoped3A_539 : memref<!tpu.dma_semaphore, #tpu.memory_space<semaphore_mem>>) src(%dma_wait3A_547 : memref<512xf32, #tpu.memory_space<vmem_shared>>) dst(%arg10 : memref<512xf32, #tpu.memory_space<vmem>>)
      tpu.yield
    }) : () -> ()
    %scan3A_520 = arith.constant 0 : i32
    %scan3A_521 = arith.constant 0 : i32
    %scan3A_522 = arith.constant 32 : i32
    %scan3A_523 = arith.addi %scan3A_521, %scan3A_522 : i32
    %scan3A_524 = arith.constant 1 : i32
    %scan3A_525 = scf.for %scan3A_539 = %scan3A_521 to %scan3A_523 step %scan3A_524 iter_args(%scan3A_540 = %scan3A_520) -> (i32)  : i32 {
      %mul3A_541 = arith.constant 16 : i32
      %mul3A_542 = arith.muli %scan3A_539, %mul3A_541 : i32
      %get3A = arith.index_cast %mul3A_542 : i32 to index
      %get3A_543 = tpu.vector_load %arg11[%get3A] {strides = array<i32>} : memref<512xf32, #tpu.memory_space<vmem>>, vector<16xf32>,
      %get3A_544 = arith.index_cast %mul3A_542 : i32 to index
      %get3A_545 = tpu.vector_load %arg10[%get3A_544] {strides = array<i32>} : memref<512xf32, #tpu.memory_space<vmem>>, vector<16xf32>,
      %add3A_546 = arith.addf %get3A_543, %get3A_545 : vector<16xf32>
      %swap3A = arith.index_cast %mul3A_542 : i32 to index
      %swap3A_547 = tpu.vector_load %arg11[%swap3A] {strides = array<i32>} : memref<512xf32, #tpu.memory_space<vmem>>, vector<16xf32>,
      tpu.vector_store %arg11[%swap3A], %add3A_546 {strides = array<i32>} : memref<512xf32, #tpu.memory_space<vmem>>, vector<16xf32>,
      %scan3A_548 = arith.constant 0 : i32
      scf.yield %scan3A_548 : i32
    }
    %scan3A_526 = arith.constant 32 : i32
    %mul3A_527 = arith.constant 512 : i32
    %mul3A_528 = arith.muli %arg1, %mul3A_527 : i32
    %run_scoped3A_529 = arith.constant 15 : i32
    "tpu.region"() ({
      %run_scoped3A_539 = tpu.sem_alloc : memref<!tpu.dma_semaphore, #tpu.memory_space<semaphore_mem>>
      %dma_start3A_540 = tpu.memref_slice %arg12[%run_scoped3A_529, %mul3A_528] : memref<16x8192xf32, #tpu.memory_space<vmem_shared>> -> memref<1x512xf32, #tpu.memory_space<vmem_shared>>
      %dma_start3A_541 = tpu.memref_squeeze %dma_start3A_540 : memref<1x512xf32, #tpu.memory_space<vmem_shared>> -> memref<512xf32, #tpu.memory_space<vmem_shared>>
      %dma_start3A_542 = tpu.memref_slice %arg12[%run_scoped3A_529, %mul3A_528] : memref<16x8192xf32, #tpu.memory_space<vmem_shared>> -> memref<1x512xf32, #tpu.memory_space<vmem_shared>>
      %dma_start3A_543 = tpu.memref_squeeze %dma_start3A_542 : memref<1x512xf32, #tpu.memory_space<vmem_shared>> -> memref<512xf32, #tpu.memory_space<vmem_shared>>
      tpu.enqueue_dma source(%dma_start3A_543 : memref<512xf32, #tpu.memory_space<vmem_shared>>) target(%arg10 : memref<512xf32, #tpu.memory_space<vmem>>) target_semaphore(%run_scoped3A_539 : memref<!tpu.dma_semaphore, #tpu.memory_space<semaphore_mem>>)
      %dma_wait3A_544 = tpu.memref_slice %arg12[%run_scoped3A_529, %mul3A_528] : memref<16x8192xf32, #tpu.memory_space<vmem_shared>> -> memref<1x512xf32, #tpu.memory_space<vmem_shared>>
      %dma_wait3A_545 = tpu.memref_squeeze %dma_wait3A_544 : memref<1x512xf32, #tpu.memory_space<vmem_shared>> -> memref<512xf32, #tpu.memory_space<vmem_shared>>
      %dma_wait3A_546 = tpu.memref_slice %arg12[%run_scoped3A_529, %mul3A_528] : memref<16x8192xf32, #tpu.memory_space<vmem_shared>> -> memref<1x512xf32, #tpu.memory_space<vmem_shared>>
      %dma_wait3A_547 = tpu.memref_squeeze %dma_wait3A_546 : memref<1x512xf32, #tpu.memory_space<vmem_shared>> -> memref<512xf32, #tpu.memory_space<vmem_shared>>
      tpu.wait_dma2 semaphore(%run_scoped3A_539 : memref<!tpu.dma_semaphore, #tpu.memory_space<semaphore_mem>>) src(%dma_wait3A_547 : memref<512xf32, #tpu.memory_space<vmem_shared>>) dst(%arg10 : memref<512xf32, #tpu.memory_space<vmem>>)
      tpu.yield
    }) : () -> ()
    %scan3A_530 = arith.constant 0 : i32
    %scan3A_531 = arith.constant 0 : i32
    %scan3A_532 = arith.constant 32 : i32
    %scan3A_533 = arith.addi %scan3A_531, %scan3A_532 : i32
    %scan3A_534 = arith.constant 1 : i32
    %scan3A_535 = scf.for %scan3A_539 = %scan3A_531 to %scan3A_533 step %scan3A_534 iter_args(%scan3A_540 = %scan3A_530) -> (i32)  : i32 {
      %mul3A_541 = arith.constant 16 : i32
      %mul3A_542 = arith.muli %scan3A_539, %mul3A_541 : i32
      %get3A = arith.index_cast %mul3A_542 : i32 to index
      %get3A_543 = tpu.vector_load %arg11[%get3A] {strides = array<i32>} : memref<512xf32, #tpu.memory_space<vmem>>, vector<16xf32>,
      %get3A_544 = arith.index_cast %mul3A_542 : i32 to index
      %get3A_545 = tpu.vector_load %arg10[%get3A_544] {strides = array<i32>} : memref<512xf32, #tpu.memory_space<vmem>>, vector<16xf32>,
      %add3A_546 = arith.addf %get3A_543, %get3A_545 : vector<16xf32>
      %swap3A = arith.index_cast %mul3A_542 : i32 to index
      %swap3A_547 = tpu.vector_load %arg11[%swap3A] {strides = array<i32>} : memref<512xf32, #tpu.memory_space<vmem>>, vector<16xf32>,
      tpu.vector_store %arg11[%swap3A], %add3A_546 {strides = array<i32>} : memref<512xf32, #tpu.memory_space<vmem>>, vector<16xf32>,
      %scan3A_548 = arith.constant 0 : i32
      scf.yield %scan3A_548 : i32
    }
    %scan3A_536 = arith.constant 32 : i32
    %mul3A_537 = arith.constant 512 : i32
    %mul3A_538 = arith.muli %arg1, %mul3A_537 : i32
    "tpu.region"() ({
      %run_scoped3A_539 = tpu.sem_alloc : memref<!tpu.dma_semaphore, #tpu.memory_space<semaphore_mem>>
      %dma_start3A_540 = tpu.memref_slice %arg5[%arg0, %mul3A_538] : memref<2x8192xf32, #tpu.memory_space<hbm>> -> memref<1x512xf32, #tpu.memory_space<hbm>>
      %dma_start3A_541 = tpu.memref_squeeze %dma_start3A_540 : memref<1x512xf32, #tpu.memory_space<hbm>> -> memref<512xf32, #tpu.memory_space<hbm>>
      %dma_start3A_542 = tpu.memref_slice %arg5[%arg0, %mul3A_538] : memref<2x8192xf32, #tpu.memory_space<hbm>> -> memref<1x512xf32, #tpu.memory_space<hbm>>
      %dma_start3A_543 = tpu.memref_squeeze %dma_start3A_542 : memref<1x512xf32, #tpu.memory_space<hbm>> -> memref<512xf32, #tpu.memory_space<hbm>>
      tpu.enqueue_dma source(%arg11 : memref<512xf32, #tpu.memory_space<vmem>>) target(%dma_start3A_543 : memref<512xf32, #tpu.memory_space<hbm>>) target_semaphore(%run_scoped3A_539 : memref<!tpu.dma_semaphore, #tpu.memory_space<semaphore_mem>>)
      %dma_wait3A_544 = tpu.memref_slice %arg5[%arg0, %mul3A_538] : memref<2x8192xf32, #tpu.memory_space<hbm>> -> memref<1x512xf32, #tpu.memory_space<hbm>>
      %dma_wait3A_545 = tpu.memref_squeeze %dma_wait3A_544 : memref<1x512xf32, #tpu.memory_space<hbm>> -> memref<512xf32, #tpu.memory_space<hbm>>
      %dma_wait3A_546 = tpu.memref_slice %arg5[%arg0, %mul3A_538] : memref<2x8192xf32, #tpu.memory_space<hbm>> -> memref<1x512xf32, #tpu.memory_space<hbm>>
      %dma_wait3A_547 = tpu.memref_squeeze %dma_wait3A_546 : memref<1x512xf32, #tpu.memory_space<hbm>> -> memref<512xf32, #tpu.memory_space<hbm>>
      tpu.wait_dma2 semaphore(%run_scoped3A_539 : memref<!tpu.dma_semaphore, #tpu.memory_space<semaphore_mem>>) src(%arg11 : memref<512xf32, #tpu.memory_space<vmem>>) dst(%dma_wait3A_547 : memref<512xf32, #tpu.memory_space<hbm>>)
      tpu.yield
    }) : () -> ()
    return
  }
}

module attributes {stable_mosaic.version = 14 : i64} {
  func.func @_search_body(%arg0: i32, %arg1: memref<512x49xf32, #tpu.memory_space<vmem>>, %arg2: memref<8192x49xf32, #tpu.memory_space<vmem>>, %arg3: memref<512x1xi32, #tpu.memory_space<vmem>>, %arg4: memref<1x1xf32, #tpu.memory_space<vmem>>) attributes {dimension_semantics = [#tpu.dimension_semantics<arbitrary>], iteration_bounds = array<i64: 128>, scalar_prefetch = 0 : i64, scratch_operands = 0 : i64, tpu.core_type = #tpu.core_type<tc>, window_params = [{transform_indices = @transform_0, window_bounds = array<i64: 512, 49>}, {pipeline_mode = #tpu.pipeline_mode<synchronous>, transform_indices = @transform_1, window_bounds = array<i64: 8192, 49>}, {transform_indices = @transform_2, window_bounds = array<i64: 512, 1>}, {pipeline_mode = #tpu.pipeline_mode<synchronous>, transform_indices = @transform_3, window_bounds = array<i64: 1, 1>}]} {
    %eq3A = arith.constant 0 : i32
    %eq3A_0 = arith.cmpi eq, %arg0, %eq3A : i32
    %convert_element_type3A = arith.extui %eq3A_0 : i1 to i32
    %cond3A = arith.constant 0 : i32
    %cond3A_1 = arith.cmpi ne, %convert_element_type3A, %cond3A : i32
    scf.if %cond3A_1 {
      %broadcast_in_dim3A_35 = arith.constant 0.000000e+00 : f32
      %broadcast_in_dim3A_36 = vector.broadcast %broadcast_in_dim3A_35 : f32 to vector<1x1xf32>
      %swap3A_37 = arith.constant 0 : index
      %swap3A_38 = arith.constant 0 : index
      %swap3A_39 = vector.load %arg4[%swap3A_37, %swap3A_38] : memref<1x1xf32, #tpu.memory_space<vmem>>, vector<1x1xf32>
      tpu.vector_store %arg4[%swap3A_37, %swap3A_38], %broadcast_in_dim3A_36 {strides = array<i32>} : memref<1x1xf32, #tpu.memory_space<vmem>>, vector<1x1xf32>,
    } else {
    }
    %get3A = arith.constant 0 : index
    %get3A_2 = arith.constant 0 : index
    %get3A_3 = vector.load %arg1[%get3A, %get3A_2] : memref<512x49xf32, #tpu.memory_space<vmem>>, vector<512x49xf32>
    %get3A_4 = arith.constant 0 : index
    %get3A_5 = arith.constant 0 : index
    %get3A_6 = vector.load %arg2[%get3A_4, %get3A_5] : memref<8192x49xf32, #tpu.memory_space<vmem>>, vector<8192x49xf32>
    %dot_general3A = arith.constant dense<0.000000e+00> : vector<512x8192xf32>
    %dot_general3A_7 = tpu.matmul %get3A_3, %get3A_6, %dot_general3A {dimension_numbers = #tpu.dot_dimension_numbers<[1], [1], [0], [0], [0, 0, 1, 0], [], []>, precision = #tpu.contract_precision<fp32>, transpose_lhs_hint = false} : vector<512x49xf32>, vector<8192x49xf32>, vector<512x8192xf32> -> vector<512x8192xf32>
    %reduce_min3A = arith.constant dense<0x7F800000> : vector<512xf32>
    %reduce_min3A_8 = vector.multi_reduction <minimumf>, %dot_general3A_7, %reduce_min3A [1] : vector<512x8192xf32> to vector<512xf32>
    %broadcast_in_dim3A = vector.shape_cast %reduce_min3A_8 : vector<512xf32> to vector<512x1xf32>
    %iota3A = tpu.iota {dimensions = array<i32: 1>} : vector<512x8192xi32>
    %eq3A_9 = vector.broadcast %broadcast_in_dim3A : vector<512x1xf32> to vector<512x8192xf32>
    %eq3A_10 = arith.cmpf oeq, %dot_general3A_7, %eq3A_9 : vector<512x8192xf32>
    %jit3A = arith.constant 1073741824 : i32
    %broadcast_in_dim3A_11 = vector.broadcast %jit3A : i32 to vector<512x8192xi32>
    %select_n3A = arith.select %eq3A_10, %iota3A, %broadcast_in_dim3A_11 : vector<512x8192xi1>, vector<512x8192xi32>
    %reduce_min3A_12 = arith.constant dense<2147483647> : vector<512xi32>
    %reduce_min3A_13 = vector.multi_reduction <minsi>, %select_n3A, %reduce_min3A_12 [1] : vector<512x8192xi32> to vector<512xi32>
    %broadcast_in_dim3A_14 = vector.shape_cast %reduce_min3A_13 : vector<512xi32> to vector<512x1xi32>
    %swap3A = arith.constant 0 : index
    %swap3A_15 = arith.constant 0 : index
    %swap3A_16 = vector.load %arg3[%swap3A, %swap3A_15] : memref<512x1xi32, #tpu.memory_space<vmem>>, vector<512x1xi32>
    tpu.vector_store %arg3[%swap3A, %swap3A_15], %broadcast_in_dim3A_14 {strides = array<i32>} : memref<512x1xi32, #tpu.memory_space<vmem>>, vector<512x1xi32>,
    %slice3A = vector.extract_strided_slice %get3A_3 {offsets = [0, 0], sizes = [512, 32], strides = [1, 1]} : vector<512x49xf32> to vector<512x32xf32>
    %mul3A = arith.mulf %slice3A, %slice3A : vector<512x32xf32>
    %reduce_sum3A = arith.constant dense<0.000000e+00> : vector<512xf32>
    %reduce_sum3A_17 = vector.multi_reduction <add>, %mul3A, %reduce_sum3A [1] : vector<512x32xf32> to vector<512xf32>
    %broadcast_in_dim3A_18 = vector.shape_cast %reduce_sum3A_17 : vector<512xf32> to vector<512x1xf32>
    %mul3A_19 = arith.constant 2.500000e-01 : f32
    %mul3A_20 = vector.broadcast %mul3A_19 : f32 to vector<512x1xf32>
    %mul3A_21 = arith.mulf %broadcast_in_dim3A_18, %mul3A_20 : vector<512x1xf32>
    %get3A_22 = arith.constant 0 : index
    %get3A_23 = arith.constant 0 : index
    %get3A_24 = vector.load %arg4[%get3A_22, %get3A_23] : memref<1x1xf32, #tpu.memory_space<vmem>>, vector<1x1xf32>
    %add3A = arith.addf %mul3A_21, %broadcast_in_dim3A : vector<512x1xf32>
    %reduce_sum3A_25 = vector.shape_cast %add3A : vector<512x1xf32> to vector<1x512x1xf32>
    %reduce_sum3A_26 = arith.constant dense<0.000000e+00> : vector<1xf32>
    %reduce_sum3A_27 = vector.multi_reduction <add>, %reduce_sum3A_25, %reduce_sum3A_26 [1, 2] : vector<1x512x1xf32> to vector<1xf32>
    %reduce_sum3A_28 = vector.shape_cast %reduce_sum3A_27 : vector<1xf32> to vector<1x1x1xf32>
    %reduce_sum3A_29 = vector.extract %reduce_sum3A_28[0, 0, 0] : f32 from vector<1x1x1xf32>
    %add3A_30 = vector.broadcast %reduce_sum3A_29 : f32 to vector<1x1xf32>
    %add3A_31 = arith.addf %get3A_24, %add3A_30 : vector<1x1xf32>
    %swap3A_32 = arith.constant 0 : index
    %swap3A_33 = arith.constant 0 : index
    %swap3A_34 = vector.load %arg4[%swap3A_32, %swap3A_33] : memref<1x1xf32, #tpu.memory_space<vmem>>, vector<1x1xf32>
    tpu.vector_store %arg4[%swap3A_32, %swap3A_33], %add3A_31 {strides = array<i32>} : memref<1x1xf32, #tpu.memory_space<vmem>>, vector<1x1xf32>,
    return
  }
  func.func @transform_0(%arg0: i32) -> (i32, i32) {
    %c0_i32 = arith.constant 0 : i32
    %c0_i32_0 = arith.constant 0 : i32
    return %arg0, %c0_i32 : i32, i32
  }
  func.func @transform_1(%arg0: i32) -> (i32, i32) {
    %c0_i32 = arith.constant 0 : i32
    %c0_i32_0 = arith.constant 0 : i32
    %c0_i32_1 = arith.constant 0 : i32
    return %c0_i32, %c0_i32_0 : i32, i32
  }
  func.func @transform_2(%arg0: i32) -> (i32, i32) {
    %c0_i32 = arith.constant 0 : i32
    %c0_i32_0 = arith.constant 0 : i32
    return %arg0, %c0_i32 : i32, i32
  }
  func.func @transform_3(%arg0: i32) -> (i32, i32) {
    %c0_i32 = arith.constant 0 : i32
    %c0_i32_0 = arith.constant 0 : i32
    %c0_i32_1 = arith.constant 0 : i32
    return %c0_i32, %c0_i32_0 : i32, i32
  }
}

module attributes {stable_mosaic.version = 14 : i64} {
  func.func @_finalize_body(%arg0: memref<2x8192xf32, #tpu.memory_space<vmem>>, %arg1: memref<1x1xf32, #tpu.memory_space<vmem>>, %arg2: memref<1x1xf32, #tpu.memory_space<vmem>>, %arg3: memref<1x1xf32, #tpu.memory_space<vmem>>, %arg4: memref<1x1xf32, #tpu.memory_space<vmem>>) attributes {dimension_semantics = [], scalar_prefetch = 0 : i64, scratch_operands = 0 : i64, tpu.core_type = #tpu.core_type<tc>} {
    %get3A = arith.constant 0 : index
    %get3A_0 = arith.constant 0 : index
    %get3A_1 = vector.load %arg0[%get3A, %get3A_0] : memref<2x8192xf32, #tpu.memory_space<vmem>>, vector<1x8192xf32>
    %get3A_2 = vector.shape_cast %get3A_1 : vector<1x8192xf32> to vector<8192xf32>
    %get3A_3 = arith.constant 1 : index
    %get3A_4 = arith.constant 0 : index
    %get3A_5 = vector.load %arg0[%get3A_3, %get3A_4] : memref<2x8192xf32, #tpu.memory_space<vmem>>, vector<1x8192xf32>
    %get3A_6 = vector.shape_cast %get3A_5 : vector<1x8192xf32> to vector<8192xf32>
    %add3A = arith.addf %get3A_2, %get3A_6 : vector<8192xf32>
    %reduce_sum3A = vector.shape_cast %add3A : vector<8192xf32> to vector<1x8192xf32>
    %reduce_sum3A_7 = arith.constant dense<0.000000e+00> : vector<1xf32>
    %reduce_sum3A_8 = vector.multi_reduction <add>, %reduce_sum3A, %reduce_sum3A_7 [1] : vector<1x8192xf32> to vector<1xf32>
    %reduce_sum3A_9 = vector.shape_cast %reduce_sum3A_8 : vector<1xf32> to vector<1x1xf32>
    %reduce_sum3A_10 = vector.extract %reduce_sum3A_9[0, 0] : f32 from vector<1x1xf32>
    %max3A = arith.constant 1.000000e+00 : f32
    %max3A_11 = arith.maximumf %reduce_sum3A_10, %max3A : f32
    %div3A = vector.broadcast %max3A_11 : f32 to vector<8192xf32>
    %div3A_12 = arith.divf %add3A, %div3A : vector<8192xf32>
    %gt3A = arith.constant 0.000000e+00 : f32
    %gt3A_13 = vector.broadcast %gt3A : f32 to vector<8192xf32>
    %gt3A_14 = arith.cmpf ogt, %div3A_12, %gt3A_13 : vector<8192xf32>
    %jit3A = arith.constant 1.000000e+00 : f32
    %broadcast_in_dim3A = vector.broadcast %jit3A : f32 to vector<8192xf32>
    %select_n3A = arith.select %gt3A_14, %div3A_12, %broadcast_in_dim3A : vector<8192xi1>, vector<8192xf32>
    %add3A_15 = arith.constant 1.000000e-10 : f32
    %add3A_16 = vector.broadcast %add3A_15 : f32 to vector<8192xf32>
    %add3A_17 = arith.addf %select_n3A, %add3A_16 : vector<8192xf32>
    %log3A = math.log %add3A_17 : vector<8192xf32>
    %mul3A = arith.mulf %div3A_12, %log3A : vector<8192xf32>
    %reduce_sum3A_18 = vector.shape_cast %mul3A : vector<8192xf32> to vector<1x8192xf32>
    %reduce_sum3A_19 = arith.constant dense<0.000000e+00> : vector<1xf32>
    %reduce_sum3A_20 = vector.multi_reduction <add>, %reduce_sum3A_18, %reduce_sum3A_19 [1] : vector<1x8192xf32> to vector<1xf32>
    %reduce_sum3A_21 = vector.shape_cast %reduce_sum3A_20 : vector<1xf32> to vector<1x1xf32>
    %reduce_sum3A_22 = vector.extract %reduce_sum3A_21[0, 0] : f32 from vector<1x1xf32>
    %neg3A = arith.constant 0.000000e+00 : f32
    %neg3A_23 = arith.subf %neg3A, %reduce_sum3A_22 : f32
    %exp3A = math.exp %neg3A_23 : f32
    %gt3A_24 = arith.constant 0.000000e+00 : f32
    %gt3A_25 = vector.broadcast %gt3A_24 : f32 to vector<8192xf32>
    %gt3A_26 = arith.cmpf ogt, %add3A, %gt3A_25 : vector<8192xf32>
    %convert_element_type3A = arith.extui %gt3A_26 : vector<8192xi1> to vector<8192xi32>
    %convert_element_type3A_27 = arith.sitofp %convert_element_type3A : vector<8192xi32> to vector<8192xf32>
    %reduce_sum3A_28 = vector.shape_cast %convert_element_type3A_27 : vector<8192xf32> to vector<1x8192xf32>
    %reduce_sum3A_29 = arith.constant dense<0.000000e+00> : vector<1xf32>
    %reduce_sum3A_30 = vector.multi_reduction <add>, %reduce_sum3A_28, %reduce_sum3A_29 [1] : vector<1x8192xf32> to vector<1xf32>
    %reduce_sum3A_31 = vector.shape_cast %reduce_sum3A_30 : vector<1xf32> to vector<1x1xf32>
    %reduce_sum3A_32 = vector.extract %reduce_sum3A_31[0, 0] : f32 from vector<1x1xf32>
    %div3A_33 = arith.constant 8.192000e+03 : f32
    %div3A_34 = arith.divf %reduce_sum3A_32, %div3A_33 : f32
    %get3A_35 = arith.constant 0 : index
    %get3A_36 = arith.constant 0 : index
    %get3A_37 = vector.load %arg1[%get3A_35, %get3A_36] : memref<1x1xf32, #tpu.memory_space<vmem>>, vector<1x1xf32>
    %squeeze3A = vector.extract %get3A_37[0, 0] : f32 from vector<1x1xf32>
    %div3A_38 = arith.constant 0x4A000000 : f32
    %div3A_39 = arith.divf %squeeze3A, %div3A_38 : f32
    %mul3A_40 = arith.constant 2.500000e-01 : f32
    %mul3A_41 = arith.mulf %mul3A_40, %div3A_39 : f32
    %add3A_42 = arith.addf %mul3A_41, %div3A_39 : f32
    %broadcast_in_dim3A_43 = vector.broadcast %add3A_42 : f32 to vector<1x1xf32>
    %swap3A = arith.constant 0 : index
    %swap3A_44 = arith.constant 0 : index
    %swap3A_45 = vector.load %arg2[%swap3A, %swap3A_44] : memref<1x1xf32, #tpu.memory_space<vmem>>, vector<1x1xf32>
    tpu.vector_store %arg2[%swap3A, %swap3A_44], %broadcast_in_dim3A_43 {strides = array<i32>} : memref<1x1xf32, #tpu.memory_space<vmem>>, vector<1x1xf32>,
    %broadcast_in_dim3A_46 = vector.broadcast %exp3A : f32 to vector<1x1xf32>
    %swap3A_47 = arith.constant 0 : index
    %swap3A_48 = arith.constant 0 : index
    %swap3A_49 = vector.load %arg3[%swap3A_47, %swap3A_48] : memref<1x1xf32, #tpu.memory_space<vmem>>, vector<1x1xf32>
    tpu.vector_store %arg3[%swap3A_47, %swap3A_48], %broadcast_in_dim3A_46 {strides = array<i32>} : memref<1x1xf32, #tpu.memory_space<vmem>>, vector<1x1xf32>,
    %broadcast_in_dim3A_50 = vector.broadcast %div3A_34 : f32 to vector<1x1xf32>
    %swap3A_51 = arith.constant 0 : index
    %swap3A_52 = arith.constant 0 : index
    %swap3A_53 = vector.load %arg4[%swap3A_51, %swap3A_52] : memref<1x1xf32, #tpu.memory_space<vmem>>, vector<1x1xf32>
    tpu.vector_store %arg4[%swap3A_51, %swap3A_52], %broadcast_in_dim3A_50 {strides = array<i32>} : memref<1x1xf32, #tpu.memory_space<vmem>>, vector<1x1xf32>,
    return
  }
}

</mosaic_0001>

<sc_bundles>
// kernel: kernel.5.cloned.1.call-start
scs
__scs_entry_jumppad:
0x0: {  	(pc) =	sbr.rel $0x88, $3  }
0x1: {  	(tag) =	ssettag $0x0;
	lr =	simm.s32 $0x1  }
0x2: {  	[smem:$0x3F9D] =	sst lr;
	_ =	strace $0xD0000000  }
0x3: {  	_ = 	snop  }
0x4: {  	_ = 	snop  }
0x5: {  	_ = 	snop  }
0x6: {  	_ = 	snop  }
0x7: {  	_ = 	snop  }
__scs_overlays_trampoline_lowered:
0x8: {  	[smem:$0x3FAC] =	sst s0  }
0x9: {  	[smem:$0x3FAD] =	sst s1  }
0xa: {  	[smem:$0x3FAE] =	sst s2  }
0xb: {  	[smem:$0x3FAF] =	sst s3  }
0xc: {  	[smem:$0x3FB0] =	sst s4  }
0xd: {  	[smem:$0x3FB1] =	sst s5  }
0xe: {  	[smem:$0x3FB2] =	sst s6  }
0xf: {  	[smem:$0x3FB3] =	sst s7  }
0x10: {  	[smem:$0x3FB4] =	sst s8  }
0x11: {  	[smem:$0x3FB5] =	sst s9;
	s0 =	simm.s32 @!p0 $0x0  }
0x12: {  	s1 =	sld [smem:$0x3F9B];
	s0 =	simm.s32 @p0 $0x1  }
0x13: {  	[smem:$0x3FB6] =	sst s0;
	s0 =	simm.s32 @!p1 $0x0  }
0x14: {  	s2 =	sld [smem:$0x3F9A];
	s0 =	simm.s32 @p1 $0x1  }
0x15: {  	[smem:$0x3FB7] =	sst s0;
	s0 =	simm.s32 @!p2 $0x0  }
0x16: {  	s3 =	sld [smem:$0x3FDB];
	s0 =	simm.s32 @p2 $0x1  }
0x17: {  	s4 =	simm.s32 $0x1BF5;
	[smem:$0x3FB9] =	sst s0  }
0x18: {  	s0 =	sld [smem:$0x3F9C];
	_ =	swait.ge [sflag:s4], $0x0  }
0x19: {  	s7 =	sld [smem:$0x3F9D]  }
0x1a: {  	s8 =	sadd.s32 $0xFFFFE003, lr  }
0x1b: {  	s9 =	sadd.s32 $0xFFFFFEF7, lr;
	s5 =	simm.s32 $0xFFFFFFFF;
	p2 =	slt.u32 s8, $0xFFFFF086  }
0x1c: {  	p1 =	slt.u32 s9, $0xF7A;
	s5 =	simm.s32 @!p2 $0x0  }
0x1d: {  	s5 =	simm.s32 @p1 $0x1;
	p0 =	seq.s32 s7, s2  }
0x1e: {  	s7 =	smul.u32 @!p0 $0xF7A, s2;
	p2 =	seq.s32 @!p0 s5, $0x0  }
0x1f: {  	s9 =	smul.u32 $0xF7A, s1;
	s8 =	simm.s32 @!p0 $0x1BF5;
	p2 =	por !p2, p0  }
0x20: {  	[sflag:s8] =	ssyncset.s32 @!p0 $0xFFFFF086;
	s6 =	sadd.s32 @!p0 s3, s7;
	s7 =	simm.s32 @!p0 $0x108  }
0x21: {  	s3 =	sadd.s32 s3, s9;
	s6 =	sadd.s32 @!p0 $0x88, s6;
	s7 =	simm.s32 @p2 $0x1082  }
0x22: {  	[simem:s7], [sflag:s8] =	dma.local @!p0 [hbm:s6], $0xF7A  }
0x23: {  	s9 =	sor.u32 $0xD0000000, s2;
	s6 =	simm.s32 $0x108;
	_ =	swait.ge @!p0 [sflag:s8], $0x0  }
0x24: {  	s3 =	sadd.s32 $0x88, s3;
	s6 =	simm.s32 @!p1 $0x1082;
	[sflag:s4] =	ssyncset.s32 $0xFFFFF086  }
0x25: {  	[simem:s6], [sflag:s4] =	dma.local [hbm:s3], $0xF7A  }
0x26: {  	[smem:$0x3F9D] =	sst s1;
	(tag) =	ssettag s2;
	_ =	strace s9  }
0x27: {  	s1 =	sld [smem:$0x3FAD]  }
0x28: {  	s2 =	sld [smem:$0x3FAE]  }
0x29: {  	s4 =	sld [smem:$0x3FB0]  }
0x2a: {  	p0 =	seq.s32 s5, $0x0;
	s5 =	sld [smem:$0x3FB1]  }
0x2b: {  	s6 =	sld [smem:$0x3FB2]  }
0x2c: {  	s7 =	sld [smem:$0x3FB3]  }
0x2d: {  	s3 =	simm.s32 $0x108;
	s8 =	sld [smem:$0x3FB4]  }
0x2e: {  	s3 =	simm.s32 @!p0 $0x1082;
	s9 =	sld [smem:$0x3FB5]  }
0x2f: {  	lr =	sadd.s32 s0, s3;
	s0 =	sld [smem:$0x3FAC]  }
0x30: {  	s3 =	sld [smem:$0x3FAF]  }
0x31: {  	[smem:$0x3FB8] =	sst s10  }
0x32: {  	s10 =	sld [smem:$0x3FB6];
	_ =	sdelay $0x3  }
0x33: {  	p0 =	seq.s32 s10, $0x1;
	s10 =	sld [smem:$0x3FB8];
	_ =	sdelay $0x3  }
0x34: {  	[smem:$0x3FB8] =	sst s10  }
0x35: {  	s10 =	sld [smem:$0x3FB7];
	_ =	sdelay $0x3  }
0x36: {  	p1 =	seq.s32 s10, $0x1;
	s10 =	sld [smem:$0x3FB8];
	_ =	sdelay $0x3  }
0x37: {  	[smem:$0x3FB8] =	sst s10  }
0x38: {  	s10 =	sld [smem:$0x3FB9]  }
0x39: {  	_ = 	snop;
	(pc) =	sbr.ind lr, $3  }
0x3a: {  	_ = 	snop  }
0x3b: {  	_ = 	snop  }
0x3c: {  	p2 =	seq.s32 s10, $0x1;
	s10 =	sld [smem:$0x3FB8]  }
0x3d: {  	_ =	shalt  }
0x3e: {  	_ =	shalt  }
0x3f: {  	_ =	shalt  }
0x40: {  	_ =	shalt  }
0x41: {  	_ =	shalt  }
0x42: {  	_ =	shalt  }
0x43: {  	_ =	shalt  }
0x44: {  	_ =	shalt  }
0x45: {  	_ =	shalt  }
0x46: {  	_ =	shalt  }
0x47: {  	_ =	shalt  }
0x48: {  	_ =	shalt  }
0x49: {  	_ =	shalt  }
0x4a: {  	_ =	shalt  }
0x4b: {  	_ =	shalt  }
0x4c: {  	_ =	shalt  }
0x4d: {  	_ =	shalt  }
0x4e: {  	_ =	shalt  }
0x4f: {  	_ =	shalt  }
0x50: {  	_ =	shalt  }
0x51: {  	_ =	shalt  }
0x52: {  	_ =	shalt  }
0x53: {  	_ =	shalt  }
0x54: {  	_ =	shalt  }
0x55: {  	_ =	shalt  }
0x56: {  	_ =	shalt  }
0x57: {  	_ =	shalt  }
0x58: {  	_ =	shalt  }
0x59: {  	_ =	shalt  }
0x5a: {  	_ =	shalt  }
0x5b: {  	_ =	shalt  }
0x5c: {  	_ =	shalt  }
0x5d: {  	_ =	shalt  }
0x5e: {  	_ =	shalt  }
0x5f: {  	_ =	shalt  }
0x60: {  	_ =	shalt  }
0x61: {  	_ =	shalt  }
0x62: {  	_ =	shalt  }
0x63: {  	_ =	shalt  }
0x64: {  	_ =	shalt  }
0x65: {  	_ =	shalt  }
0x66: {  	_ =	shalt  }
0x67: {  	_ =	shalt  }
0x68: {  	_ =	shalt  }
0x69: {  	_ =	shalt  }
0x6a: {  	_ =	shalt  }
0x6b: {  	_ =	shalt  }
0x6c: {  	_ =	shalt  }
0x6d: {  	_ =	shalt  }
0x6e: {  	_ =	shalt  }
0x6f: {  	_ =	shalt  }
0x70: {  	_ =	shalt  }
0x71: {  	_ =	shalt  }
0x72: {  	_ =	shalt  }
0x73: {  	_ =	shalt  }
0x74: {  	_ =	shalt  }
0x75: {  	_ =	shalt  }
0x76: {  	_ =	shalt  }
0x77: {  	_ =	shalt  }
0x78: {  	_ =	shalt  }
0x79: {  	_ =	shalt  }
0x7a: {  	_ =	shalt  }
0x7b: {  	_ =	shalt  }
0x7c: {  	_ =	shalt  }
0x7d: {  	_ =	shalt  }
0x7e: {  	_ =	shalt  }
0x7f: {  	_ =	shalt  }
0x80: {  	_ =	shalt  }
0x81: {  	_ =	shalt  }
0x82: {  	_ =	shalt  }
0x83: {  	_ =	shalt  }
0x84: {  	_ =	shalt  }
0x85: {  	_ =	shalt  }
0x86: {  	_ =	shalt  }
0x87: {  	_ =	shalt  }
.Lfunc_end0:
.L_simem_size_0:
called_computation_lowered:
.L_overlay_start_0:
0x88: {  	s2 =	sld [smem:$0x3FD9]  }
0x89: {  	s3 =	sld [smem:$0x3FFE];
	_ =	sdelay $0x1  }
0x8a: {  	s1 =	srdreg.scid  }
0x8b: {  	s0 =	sand.u32 $0x1, s1  }
0x8c: {  	s14 =	sshll.u32 s0, $0xA;
	s2 =	sadd.s32 s3, s2  }
0x8d: {  	s2 =	sadd.s32 s2, s14  }
0x8e: {  	[smem:$0x3FC4] =	sst s2  }
0x8f: {  	_ = 	snop  }
0x90: {  	s2 =	sld [smem:$0x3FD0];
	_ =	sdelay $0x2  }
0x91: {  	s15 =	simm.s32 $0xA;
	s4 =	simm.s32 $0x10  }
0x92: {  	[smem:s4], [sflag:s15] =	dma.local [hbm:s2], $0x1  }
0x93: {  	_ =	swait.eq [sflag:s15], $0x1  }
0x94: {  	[sflag:s15] =	ssyncset.done $0x0  }
0x95: {  	[sflag:s15] =	ssyncadd.s32 $0xFFFFFFFF  }
0x96: {  	s16 =	sld [smem:$0x10];
	(tm) =	ssettm $0x1  }
0x97: {  	s17 =	sld [smem:$0x3FFB];
	_ =	sdelay $0x3  }
0x98: {  	_ =	strace s17  }
0x99: {  	s3 =	sld [smem:$0x3FFC];
	_ =	sdelay $0x3  }
0x9a: {  	_ =	strace s3  }
0x9b: {  	s3 =	sld [smem:$0x3FFD];
	_ =	sdelay $0x3  }
0x9c: {  	_ =	strace s3  }
0x9d: {  	_ =	strace $0x8FFFFFFF  }
0x9e: {  	s18 =	sld [smem:$0x3FDB];
	_ =	sdelay $0x1  }
0x9f: {  	s19 =	simm.s32 $_scs_section_size  }
0xa0: {  	s5 =	simm.s32 $_size__tile_overlayer_lowered;
	s6 =	simm.s32 $_tile_overlayer_lowered  }
0xa1: {  	s22 =	simm.s32 $0x1BFF;
	s21 =	sshll.u32 s6, $0x1;
	s3 =	sadd.s32 s19, s18  }
0xa2: {  	s7 =	simm.s32 $0x0;
	s20 =	sshll.u32 s5, $0x1;
	s5 =	sadd.s32 s21, s3  }
0xa3: {  	[timem:s7], [sflag:s22] =	dma.local [hbm:s5], s20  }
0xa4: {  	_ =	swait.ge [sflag:s22], s20  }
0xa5: {  	s4 =	ssub.s32 $0x0, s20;
	[sflag:s22] =	ssyncset.done $0x0  }
0xa6: {  	[sflag:s22] =	ssyncadd.s32 s4;
	_ =	sdelay $0x1  }
0xa7: {  	s23 =	simm.s32 $0x1B8B  }
0xa8: {  	_ =	swait.ge [sflag:s23], $0x1  }
0xa9: {  	[sflag:s23] =	ssyncset.done $0x0  }
0xaa: {  	s25 =	simm.s32 $0x1B8E;
	s24 =	sld [smem:$0x3FFE];
	[sflag:s23] =	ssyncadd.s32 $0xFFFFFFFF  }
0xab: {  	s26 =	simm.s32 $execute0_lowered;
	[smem:$0x3FD2] =	sst s25  }
0xac: {  	s5 =	sshll.u32 s26, $0x1;
	_ =	strace $0x80000046;
	[dreg:$0x1] =	wrdreg $0xFFFFFFFF  }
0xad: {  	s28 =	simm.s32 $_size_execute0_lowered;
	s3 =	sadd.s32 s3, s5;
	[dreg:$0x0] =	wrdreg $0x0  }
0xae: {  	s5 =	sshll.u32 s28, $0x1;
	[dreg:$0x2] =	wrdreg s3  }
0xaf: {  	[dreg:$0x3] =	wrdreg s5  }
0xb0: {  	[dreg:$0x4] =	wrdreg $0xC0  }
0xb1: {  	_ =	task [dreg:s7], $0x5FFFF  }
0xb2: {  	[dreg:$0x1] =	wrdreg $0xFFFFFFFF  }
0xb3: {  	[dreg:$0x0] =	wrdreg $0x60  }
0xb4: {  	[dreg:$0x2] =	wrdreg s24  }
0xb5: {  	[dreg:$0x3] =	wrdreg s16  }
0xb6: {  	[dreg:$0x4] =	wrdreg $0x1AC000  }
0xb7: {  	[dreg:$0x5] =	wrdreg $0x9  }
0xb8: {  	_ =	task.clear_ibuf [dreg:s7], $0x6FFFF;
	_ =	strace $0x90000046  }
0xb9: {  	s29 =	simm.s32 $0x9;
	_ =	strace $0x80000048  }
0xba: {  	_ =	swait.ge [sflag:s29], $0x1  }
0xbb: {  	[sflag:s29] =	ssyncadd.s32 $0xFFFFFFFF  }
0xbc: {  	_ =	strace $0x90000048  }
0xbd: {  	_ =	sfence  }
0xbe: {  	s30 =	sld [smem:$0x0];
	_ =	sdelay $0x2  }
0xbf: {  	s31 =	sshll.u32 s1, $0xD;
	s1 =	sshrl.u32 s1, $0x2  }
0xc0: {  	s3 =	sand.u32 $0x4000, s31;
	s1 =	sadd.s32 s1, s30  }
0xc1: {  	s0 =	sor.u32 s3, s0;
	s1 =	sshll.u32 s1, $0x11  }
0xc2: {  	s0 =	sor.u32 s1, s0  }
0xc3: {  	s0 =	sadd.s32 $0x8F2B, s0  }
0xc4: {  	[sflag:s0] =	ssyncadd.remote.s32 $0x1  }
0xc5: {  	_ =	sfence.sel $0xFFFF  }
0xc6: {  	[dreg:$0x0] =	wrdreg $0xFFFFFFFF;
	(pc) =	sbr.abs _section_cstart, $3  }
0xc7: {  	[dreg:$0x1] =	wrdreg $0xFFFFFFFF  }
0xc8: {  	_ =	task.clear_ibuf [dreg:s7], $0x2FFFF;
	_ =	strace $0x9FFFFFFF  }
0xc9: {  	(tm) =	ssettm $0x7FFFFFFF  }
tec
execute0_lowered:
.L_overlay_start_1:
0x0: {  	(tag) =	ssettag $0x1  }
0x1: {  	s0 =	rddreg [dreg:$0x0]  }
0x2: {  	s1 =	rddreg [dreg:$0x1]  }
0x3: {  	s4 =	rddreg [dreg:$0x2];
	s2 =	simm.s32 $0x0  }
0x4: {  	s3 =	srdreg.scid;
	s10 =	stileid.u32;
	s28 =	simm.s32 $0x80  }
0x5: {  	s29 =	simm.s32 $0x800;
	s31 =	simm.s32 $0x3800;
	s30 =	simm.s32 $0x1A800  }
0x6: {  	s11 =	simm.s32 $0x0;
	[smem:$0x7FF] =	sst s2;
	s5 =	sand.u32 $0x1, s3  }
0x7: {  	s17 =	sshll.u32 s10, $0x1;
	s7 =	sshll.u32 s10, $0x9;
	s3 =	sadd.s32 $0x20000, s0  }
0x8: {  	s20 =	sshll.u32 s10, $0xD;
	s10 =	simm.s32 $0x8800;
	_ =	strace $0x80000047  }
0x9: {  	s6 =	sor.u32 s5, s17;
	s8 =	sshll.u32 s5, $0xD;
	s5 =	ssub.s32 $0x2, s5  }
0xa: {  	s9 =	sshll.u32 s6, $0x8;
	s8 =	sor.u32 s7, s8;
	s18 =	sshrl.u32 s5, $0x1  }
0xb: {  	s6 =	sshll.u32 s6, $0xD;
	s7 =	sadd.s32 s7, s4;
	s9 =	sadd.s32 s9, s0  }
0xc: {  	s8 =	sshrl.u32 s8, $0x3;
	s21 =	sadd.s32 $0x2000, s7;
	s22 =	sadd.s32 $0x4000, s7  }
0xd: {  	s23 =	sadd.s32 $0x6000, s7;
	s24 =	sadd.s32 $0x8000, s7;
	[dreg:$0x7] =	wrdreg s21  }
0xe: {  	s25 =	sadd.s32 $0xA000, s7;
	s26 =	sadd.s32 $0xC000, s7;
	[dreg:$0x8] =	wrdreg s22  }
0xf: {  	s15 =	sadd.s32 $0xE000, s7;
	s16 =	sadd.s32 $0x10000, s7;
	[dreg:$0x9] =	wrdreg s23  }
0x10: {  	s17 =	sadd.s32 $0x12000, s7;
	s0 =	sadd.s32 s8, s0;
	[dreg:$0xa] =	wrdreg s24  }
0x11: {  	s8 =	ssub.s32 s5, s18;
	s19 =	sadd.s32 $0x200, s9;
	[dreg:$0xb] =	wrdreg s25  }
0x12: {  	s5 =	sadd.s32 s1, s6;
	[dreg:$0xc] =	wrdreg s26;
	s18 =	sadd.s32 $0x14000, s7  }
0x13: {  	s21 =	sadd.s32 $0x1A000, s7;
	s22 =	sadd.s32 $0x1C000, s7;
	s23 =	sadd.s32 $0x1E000, s7  }
0x14: {  	s26 =	simm.s32 $0x2;
	s6 =	simm.s32 $0x6800;
	s9 =	simm.s32 $0x1  }
0x15: {  	v0 =	vlaneseq.u32;
	[dreg:$0x4] =	wrdreg s19;
	s1 =	sadd.s32 $0x1000, s5;
	s19 =	sadd.s32 $0x16000, s7  }
0x16: {  	v0 =	vmul.u32 $0x1000, v0;
	s24 =	sadd.s32 $0x2200, s0;
	s25 =	smax.u32 s8, $0x1;
	s8 =	simm.s32 $0x7800  }
0x17: {  	[dreg:$0x5] =	wrdreg s1;
	s1 =	sadd.s32 s20, s4;
	s20 =	sadd.s32 $0x18000, s7  }
0x18: {  	v1 =	vimm.f32 $0.0e+00;
	v2 =	vimm.f32 $1.000000000e+00;
	v3 =	vadd.s32 $0xFFFFF000, v0;
	s4 =	simm.s32 $0x5800;
	[dreg:$0x6] =	wrdreg s1;
	s1 =	simm.s32 $0x4800  }
.LBB2_1:
0x19: {  	s0 =	rddreg [dreg:$0x4]  }
0x1a: {  	[tilespmem:s2], [sflag:$0x2] =	stream.linear.gather [hbm4b:s0+s2], $0x800, $0x38;
	[tilespmem:$0x1CC00] =	vst v63  }
0x1b: {  	_ =	swait.ge [sflag:s26], $0x800  }
0x1c: {  	[sflag:s26] =	ssyncset.done $0x0  }
0x1d: {  	[sflag:s26] =	ssyncadd.s32 $0xFFFFF800  }
0x1e: {  	[tilespmem:s29], [sflag:$0x1] =	stream.indirect.gather [hbm4b:s3+s28], $0x20, s2, s28, $0xb8;
	[tilespmem:$0x1CC00] =	vst v63  }
0x1f: {  	s0 =	simm.s32 $0x1800  }
0x20: {  	[tilespmem:s0], [sflag:$0x1] =	stream.indirect.gather [hbm4b:s3+s28], $0x20, s28, s28, $0xb8;
	[tilespmem:$0x1CC00] =	vst v63  }
0x21: {  	s12 =	simm.s32 $0x100;
	s13 =	simm.s32 $0x2800  }
0x22: {  	[tilespmem:s13], [sflag:$0x1] =	stream.indirect.gather [hbm4b:s3+s28], $0x20, s12, s28, $0xb8;
	[tilespmem:$0x1CC00] =	vst v63  }
0x23: {  	s14 =	simm.s32 $0x180  }
0x24: {  	[tilespmem:s31], [sflag:$0x1] =	stream.indirect.gather [hbm4b:s3+s28], $0x20, s14, s28, $0xb8;
	[tilespmem:$0x1CC00] =	vst v63  }
0x25: {  	s14 =	simm.s32 $0x200  }
0x26: {  	[tilespmem:s1], [sflag:$0x1] =	stream.indirect.gather [hbm4b:s3+s28], $0x20, s14, s28, $0xb8;
	[tilespmem:$0x1CC00] =	vst v63  }
0x27: {  	s14 =	simm.s32 $0x280  }
0x28: {  	[tilespmem:s4], [sflag:$0x1] =	stream.indirect.gather [hbm4b:s3+s28], $0x20, s14, s28, $0xb8;
	[tilespmem:$0x1CC00] =	vst v63  }
0x29: {  	s14 =	simm.s32 $0x300  }
0x2a: {  	[tilespmem:s6], [sflag:$0x1] =	stream.indirect.gather [hbm4b:s3+s28], $0x20, s14, s28, $0xb8;
	[tilespmem:$0x1CC00] =	vst v63  }
0x2b: {  	s14 =	simm.s32 $0x380  }
0x2c: {  	[tilespmem:s8], [sflag:$0x1] =	stream.indirect.gather [hbm4b:s3+s28], $0x20, s14, s28, $0xb8;
	[tilespmem:$0x1CC00] =	vst v63  }
0x2d: {  	_ =	swait.ge [sflag:s9], $0x1000  }
0x2e: {  	[sflag:s9] =	ssyncset.done $0x0  }
0x2f: {  	[sflag:s9] =	ssyncadd.s32 $0xFFFFF000  }
0x30: {  	_ =	swait.ge [sflag:s9], $0x1000  }
0x31: {  	[sflag:s9] =	ssyncset.done $0x0  }
0x32: {  	[sflag:s9] =	ssyncadd.s32 $0xFFFFF000  }
0x33: {  	_ =	swait.ge [sflag:s9], $0x1000  }
0x34: {  	[sflag:s9] =	ssyncset.done $0x0  }
0x35: {  	[sflag:s9] =	ssyncadd.s32 $0xFFFFF000  }
0x36: {  	_ =	swait.ge [sflag:s9], $0x1000  }
0x37: {  	[sflag:s9] =	ssyncset.done $0x0  }
0x38: {  	[sflag:s9] =	ssyncadd.s32 $0xFFFFF000  }
0x39: {  	_ =	swait.ge [sflag:s9], $0x1000  }
0x3a: {  	[sflag:s9] =	ssyncset.done $0x0  }
0x3b: {  	[sflag:s9] =	ssyncadd.s32 $0xFFFFF000  }
0x3c: {  	_ =	swait.ge [sflag:s9], $0x1000  }
0x3d: {  	[sflag:s9] =	ssyncset.done $0x0  }
0x3e: {  	[sflag:s9] =	ssyncadd.s32 $0xFFFFF000  }
0x3f: {  	_ =	swait.ge [sflag:s9], $0x1000  }
0x40: {  	[sflag:s9] =	ssyncset.done $0x0  }
0x41: {  	[sflag:s9] =	ssyncadd.s32 $0xFFFFF000  }
0x42: {  	_ =	swait.ge [sflag:s9], $0x1000  }
0x43: {  	[sflag:s9] =	ssyncset.done $0x0  }
0x44: {  	[sflag:s9] =	ssyncadd.s32 $0xFFFFF000  }
0x45: {  	[hbm4b:s5+s2] =	stream.linear.scatter [tilespmem:s29], [sflag:$0x2], $0x8000, $0x38;
	[tilespmem:$0x1CC00] =	vst v63  }
0x46: {  	_ =	swait.ge [sflag:s26], $0x8000  }
0x47: {  	[sflag:s26] =	ssyncset.done $0x0  }
0x48: {  	s14 =	simm.s32 $0x400;
	[sflag:s26] =	ssyncadd.s32 $0xFFFF8000  }
0x49: {  	[tilespmem:s29], [sflag:$0x1] =	stream.indirect.gather [hbm4b:s3+s28], $0x20, s14, s28, $0xb8;
	[tilespmem:$0x1CC00] =	vst v63  }
0x4a: {  	s14 =	simm.s32 $0x480  }
0x4b: {  	[tilespmem:s0], [sflag:$0x1] =	stream.indirect.gather [hbm4b:s3+s28], $0x20, s14, s28, $0xb8;
	[tilespmem:$0x1CC00] =	vst v63  }
0x4c: {  	s14 =	simm.s32 $0x500  }
0x4d: {  	[tilespmem:s13], [sflag:$0x1] =	stream.indirect.gather [hbm4b:s3+s28], $0x20, s14, s28, $0xb8;
	[tilespmem:$0x1CC00] =	vst v63  }
0x4e: {  	s12 =	simm.s32 $0x580  }
0x4f: {  	[tilespmem:s31], [sflag:$0x1] =	stream.indirect.gather [hbm4b:s3+s28], $0x20, s12, s28, $0xb8;
	[tilespmem:$0x1CC00] =	vst v63  }
0x50: {  	s13 =	simm.s32 $0x600  }
0x51: {  	[tilespmem:s1], [sflag:$0x1] =	stream.indirect.gather [hbm4b:s3+s28], $0x20, s13, s28, $0xb8;
	[tilespmem:$0x1CC00] =	vst v63  }
0x52: {  	s14 =	simm.s32 $0x680  }
0x53: {  	[tilespmem:s4], [sflag:$0x1] =	stream.indirect.gather [hbm4b:s3+s28], $0x20, s14, s28, $0xb8;
	[tilespmem:$0x1CC00] =	vst v63  }
0x54: {  	s12 =	simm.s32 $0x700  }
0x55: {  	[tilespmem:s6], [sflag:$0x1] =	stream.indirect.gather [hbm4b:s3+s28], $0x20, s12, s28, $0xb8;
	[tilespmem:$0x1CC00] =	vst v63  }
0x56: {  	s13 =	simm.s32 $0x780  }
0x57: {  	[tilespmem:s8], [sflag:$0x1] =	stream.indirect.gather [hbm4b:s3+s28], $0x20, s13, s28, $0xb8;
	[tilespmem:$0x1CC00] =	vst v63  }
0x58: {  	_ =	swait.ge [sflag:s9], $0x1000  }
0x59: {  	[sflag:s9] =	ssyncset.done $0x0  }
0x5a: {  	[sflag:s9] =	ssyncadd.s32 $0xFFFFF000  }
0x5b: {  	_ =	swait.ge [sflag:s9], $0x1000  }
0x5c: {  	[sflag:s9] =	ssyncset.done $0x0  }
0x5d: {  	[sflag:s9] =	ssyncadd.s32 $0xFFFFF000  }
0x5e: {  	_ =	swait.ge [sflag:s9], $0x1000  }
0x5f: {  	[sflag:s9] =	ssyncset.done $0x0  }
0x60: {  	[sflag:s9] =	ssyncadd.s32 $0xFFFFF000  }
0x61: {  	_ =	swait.ge [sflag:s9], $0x1000  }
0x62: {  	[sflag:s9] =	ssyncset.done $0x0  }
0x63: {  	[sflag:s9] =	ssyncadd.s32 $0xFFFFF000  }
0x64: {  	_ =	swait.ge [sflag:s9], $0x1000  }
0x65: {  	[sflag:s9] =	ssyncset.done $0x0  }
0x66: {  	[sflag:s9] =	ssyncadd.s32 $0xFFFFF000  }
0x67: {  	_ =	swait.ge [sflag:s9], $0x1000  }
0x68: {  	[sflag:s9] =	ssyncset.done $0x0  }
0x69: {  	[sflag:s9] =	ssyncadd.s32 $0xFFFFF000  }
0x6a: {  	_ =	swait.ge [sflag:s9], $0x1000  }
0x6b: {  	[sflag:s9] =	ssyncset.done $0x0  }
0x6c: {  	[sflag:s9] =	ssyncadd.s32 $0xFFFFF000  }
0x6d: {  	_ =	swait.ge [sflag:s9], $0x1000  }
0x6e: {  	[sflag:s9] =	ssyncset.done $0x0  }
0x6f: {  	s14 =	rddreg [dreg:$0x5];
	[sflag:s9] =	ssyncadd.s32 $0xFFFFF000  }
0x70: {  	[hbm4b:s14+s2] =	stream.linear.scatter [tilespmem:s29], [sflag:$0x2], $0x8000, $0x38;
	[tilespmem:$0x1CC00] =	vst v63  }
0x71: {  	_ =	swait.ge [sflag:s26], $0x8000  }
0x72: {  	[sflag:s26] =	ssyncset.done $0x0  }
0x73: {  	s0 =	simm.s32 $0x0;
	s12 =	simm.s32 $0x40;
	[sflag:s26] =	ssyncadd.s32 $0xFFFF8000  }
.LBB2_2:
0x74: {  	p0 =	sne.s32 s12, $0x3FC0;
	[tilespmem:s0+$0x17800] =	vst v1  }
0x75: {  	[tilespmem:s0+$0x8800] =	vst v1  }
0x76: {  	[tilespmem:s0+$0x9800] =	vst v1  }
0x77: {  	[tilespmem:s0+$0xA800] =	vst v1  }
0x78: {  	[tilespmem:s0+$0xB800] =	vst v1  }
0x79: {  	[tilespmem:s0+$0xC800] =	vst v1  }
0x7a: {  	[tilespmem:s0+$0xD800] =	vst v1  }
0x7b: {  	[tilespmem:s0+$0xE800] =	vst v1  }
0x7c: {  	[tilespmem:s0+$0xF800] =	vst v1  }
0x7d: {  	[tilespmem:s0+$0x10800] =	vst v1  }
0x7e: {  	[tilespmem:s0+$0x11800] =	vst v1  }
.Ltmp0:
0x7f: {  	[tilespmem:s0+$0x12800] =	vst v1;
	(pc) =	sbr.rel @p0 .LBB2_2-.Ltmp0, $4  }
0x80: {  	[tilespmem:s0+$0x13800] =	vst v1  }
0x81: {  	[tilespmem:s0+$0x14800] =	vst v1  }
0x82: {  	[tilespmem:s0+$0x15800] =	vst v1  }
0x83: {  	[tilespmem:s0+$0x16800] =	vst v1;
	s0 =	sshra.s32 s12, $0x2;
	s12 =	sadd.s32 $0x40, s12  }
0x84: {  	[tilespmem:s0+$0x17800] =	vst v1  }
0x85: {  	[tilespmem:s0+$0x8800] =	vst v1  }
0x86: {  	[tilespmem:s0+$0x9800] =	vst v1  }
0x87: {  	[tilespmem:s0+$0xA800] =	vst v1  }
0x88: {  	[tilespmem:s0+$0xB800] =	vst v1  }
0x89: {  	[tilespmem:s0+$0xC800] =	vst v1  }
0x8a: {  	[tilespmem:s0+$0xD800] =	vst v1  }
0x8b: {  	[tilespmem:s0+$0xE800] =	vst v1  }
0x8c: {  	[tilespmem:s0+$0xF800] =	vst v1  }
0x8d: {  	[tilespmem:s0+$0x10800] =	vst v1  }
0x8e: {  	[tilespmem:s0+$0x11800] =	vst v1  }
0x8f: {  	[tilespmem:s0+$0x12800] =	vst v1  }
0x90: {  	[tilespmem:s0+$0x13800] =	vst v1  }
0x91: {  	[tilespmem:s0+$0x14800] =	vst v1  }
0x92: {  	[tilespmem:s0+$0x15800] =	vst v1  }
0x93: {  	s12 =	simm.s32 $0x0;
	[tilespmem:s0+$0x16800] =	vst v1  }
.LBB2_4:
0x94: {  	s0 =	sshra.s32 s12, $0x2  }
0x95: {  	v4 =	vld [tilespmem:s0+$0x0];
	_ =	sdelay $0x4  }
0x96: {  	vm0 =	vlt.u32 v4, $0x1000  }
0x97: {  	v4 =	vadd.s32 v0, v4;
	_ =	sdelay $0x4  }
0x98: {  	[tilespmem:v4+s10+$0x0] =	vst.idx.add.f32.msk vm0, v2  }
0x99: {  	v4 =	vld [tilespmem:s0+$0x10];
	_ =	sdelay $0x4  }
0x9a: {  	vm9 =	vlt.u32 v4, $0x1000  }
0x9b: {  	v4 =	vadd.s32 v0, v4;
	_ =	sdelay $0x4  }
0x9c: {  	[tilespmem:v4+s10+$0x0] =	vst.idx.add.f32.msk vm9, v2  }
0x9d: {  	v4 =	vld [tilespmem:s0+$0x20];
	_ =	sdelay $0x4  }
0x9e: {  	vm10 =	vlt.u32 v4, $0x1000  }
0x9f: {  	v4 =	vadd.s32 v0, v4;
	_ =	sdelay $0x4  }
0xa0: {  	[tilespmem:v4+s10+$0x0] =	vst.idx.add.f32.msk vm10, v2  }
0xa1: {  	v4 =	vld [tilespmem:s0+$0x30];
	_ =	sdelay $0x4  }
0xa2: {  	vm11 =	vlt.u32 v4, $0x1000  }
0xa3: {  	v4 =	vadd.s32 v0, v4;
	_ =	sdelay $0x4  }
0xa4: {  	[tilespmem:v4+s10+$0x0] =	vst.idx.add.f32.msk vm11, v2  }
0xa5: {  	v4 =	vld [tilespmem:s0+$0x40];
	_ =	sdelay $0x4  }
0xa6: {  	vm12 =	vlt.u32 v4, $0x1000  }
0xa7: {  	v4 =	vadd.s32 v0, v4;
	_ =	sdelay $0x4  }
0xa8: {  	[tilespmem:v4+s10+$0x0] =	vst.idx.add.f32.msk vm12, v2  }
0xa9: {  	v4 =	vld [tilespmem:s0+$0x50];
	_ =	sdelay $0x4  }
0xaa: {  	vm13 =	vlt.u32 v4, $0x1000  }
0xab: {  	v4 =	vadd.s32 v0, v4;
	_ =	sdelay $0x4  }
0xac: {  	[tilespmem:v4+s10+$0x0] =	vst.idx.add.f32.msk vm13, v2  }
0xad: {  	v4 =	vld [tilespmem:s0+$0x60];
	_ =	sdelay $0x4  }
0xae: {  	vm14 =	vlt.u32 v4, $0x1000  }
0xaf: {  	v4 =	vadd.s32 v0, v4;
	_ =	sdelay $0x4  }
0xb0: {  	[tilespmem:v4+s10+$0x0] =	vst.idx.add.f32.msk vm14, v2  }
0xb1: {  	v4 =	vld [tilespmem:s0+$0x70];
	_ =	sdelay $0x4  }
0xb2: {  	vm15 =	vlt.u32 v4, $0x1000  }
0xb3: {  	p0 =	sne.s32 s12, $0x1E00;
	v4 =	vadd.s32 v0, v4  }
.Ltmp1:
0xb4: {  	_ = 	snop;
	(pc) =	sbr.rel @p0 .LBB2_4-.Ltmp1, $2  }
0xb5: {  	_ =	sdelay $0x2  }
0xb6: {  	s12 =	sadd.s32 $0x200, s12;
	[tilespmem:v4+s10+$0x0] =	vst.idx.add.f32.msk vm15, v2  }
0xb7: {  	s0 =	simm.s32 $0x0  }
0xb8: {  	v4 =	vld [tilespmem:s0+$0x8800]  }
0xb9: {  	v5 =	vld [tilespmem:s0+$0x9800];
	_ =	sdelay $0x1  }
0xba: {  	v6 =	vld [tilespmem:s0+$0xA800];
	_ =	sdelay $0x1  }
0xbb: {  	v7 =	vld [tilespmem:s0+$0xB800]  }
0xbc: {  	v4 =	vadd.f32 v5, v4  }
0xbd: {  	v5 =	vld [tilespmem:s0+$0xC800]  }
0xbe: {  	v4 =	vadd.f32 v6, v4  }
0xbf: {  	v6 =	vld [tilespmem:s0+$0xD800]  }
0xc0: {  	v4 =	vadd.f32 v7, v4  }
0xc1: {  	v7 =	vld [tilespmem:s0+$0xE800]  }
0xc2: {  	v4 =	vadd.f32 v5, v4  }
0xc3: {  	v5 =	vld [tilespmem:s0+$0xF800]  }
0xc4: {  	s12 =	simm.s32 $0x10;
	v8 =	vld [tilespmem:s0+$0x10800];
	v4 =	vadd.f32 v6, v4  }
0xc5: {  	v9 =	vld [tilespmem:s12+$0x8800]  }
0xc6: {  	v6 =	vld [tilespmem:s0+$0x11800];
	v4 =	vadd.f32 v7, v4  }
0xc7: {  	v7 =	vld [tilespmem:s12+$0x9800]  }
0xc8: {  	v10 =	vld [tilespmem:s12+$0xA800];
	v4 =	vadd.f32 v5, v4  }
0xc9: {  	v5 =	vld [tilespmem:s0+$0x12800]  }
0xca: {  	v11 =	vld [tilespmem:s12+$0xB800];
	v4 =	vadd.f32 v8, v4  }
0xcb: {  	v8 =	vld [tilespmem:s0+$0x13800]  }
0xcc: {  	v7 =	vadd.f32 v7, v9;
	v9 =	vld [tilespmem:s12+$0xC800];
	v4 =	vadd.f32 v6, v4  }
0xcd: {  	v6 =	vld [tilespmem:s0+$0x14800]  }
0xce: {  	v7 =	vadd.f32 v10, v7;
	v10 =	vld [tilespmem:s12+$0xD800];
	v4 =	vadd.f32 v5, v4  }
0xcf: {  	v5 =	vld [tilespmem:s0+$0x15800]  }
0xd0: {  	v12 =	vld [tilespmem:s12+$0xE800];
	v7 =	vadd.f32 v11, v7;
	v4 =	vadd.f32 v8, v4  }
0xd1: {  	v11 =	vld [tilespmem:s0+$0x16800]  }
0xd2: {  	v8 =	vadd.f32 v9, v7;
	v7 =	vld [tilespmem:s12+$0xF800];
	v9 =	vadd.f32 v6, v4  }
0xd3: {  	v6 =	vld [tilespmem:s0+$0x17800]  }
0xd4: {  	v4 =	vld [tilespmem:s12+$0x11800];
	v10 =	vadd.f32 v10, v8;
	v13 =	vadd.f32 v5, v9  }
0xd5: {  	s13 =	simm.s32 $0x20;
	v8 =	vld [tilespmem:s12+$0x10800]  }
0xd6: {  	s14 =	simm.s32 $0xC0;
	v5 =	vld [tilespmem:s13+$0x8800];
	v9 =	vadd.f32 v12, v10;
	v10 =	vadd.f32 v11, v13  }
.LBB2_6:
0xd7: {  	p0 =	sne.s32 s14, $0x3FC0;
	v11 =	vld [tilespmem:s13+$0x9800]  }
0xd8: {  	v7 =	vadd.f32 v7, v9;
	v9 =	vld [tilespmem:s12+$0x12800];
	v6 =	vadd.f32 v6, v10  }
0xd9: {  	v10 =	vld [tilespmem:s13+$0xA800]  }
0xda: {  	v7 =	vadd.f32 v8, v7;
	v8 =	vld [tilespmem:s12+$0x13800];
	[tilespmem:s0+$0x18800] =	vst v6;
	s0 =	smov.u32 s12;
	s12 =	smov.u32 s13  }
0xdb: {  	v6 =	vld [tilespmem:s12+$0xB800]  }
0xdc: {  	v5 =	vadd.f32 v11, v5;
	v4 =	vadd.f32 v4, v7;
	v7 =	vld [tilespmem:s0+$0x14800]  }
0xdd: {  	v11 =	vld [tilespmem:s12+$0xC800]  }
0xde: {  	v5 =	vadd.f32 v10, v5;
	v4 =	vadd.f32 v9, v4;
	v9 =	vld [tilespmem:s0+$0x15800]  }
0xdf: {  	v10 =	vld [tilespmem:s12+$0xD800]  }
0xe0: {  	v5 =	vadd.f32 v6, v5;
	v4 =	vadd.f32 v8, v4;
	v12 =	vld [tilespmem:s0+$0x16800]  }
0xe1: {  	v13 =	vld [tilespmem:s12+$0xE800]  }
.Ltmp2:
0xe2: {  	v5 =	vadd.f32 v11, v5;
	v8 =	vadd.f32 v7, v4;
	v6 =	vld [tilespmem:s0+$0x17800];
	(pc) =	sbr.rel @p0 .LBB2_6-.Ltmp2, $4  }
0xe3: {  	v7 =	vld [tilespmem:s12+$0xF800]  }
0xe4: {  	v10 =	vadd.f32 v10, v5;
	v4 =	vld [tilespmem:s12+$0x11800];
	v11 =	vadd.f32 v9, v8  }
0xe5: {  	s13 =	sshra.s32 s14, $0x2;
	v8 =	vld [tilespmem:s12+$0x10800]  }
0xe6: {  	s14 =	sadd.s32 $0x40, s14;
	v5 =	vld [tilespmem:s13+$0x8800];
	v9 =	vadd.f32 v13, v10;
	v10 =	vadd.f32 v12, v11  }
0xe7: {  	v11 =	vld [tilespmem:s13+$0x9800]  }
0xe8: {  	v12 =	vld [tilespmem:s12+$0x12800];
	v6 =	vadd.f32 v6, v10  }
0xe9: {  	v49 =	vld [tilespmem:s13+$0xA800]  }
0xea: {  	v13 =	vld [tilespmem:s12+$0x13800];
	v7 =	vadd.f32 v7, v9;
	[tilespmem:s0+$0x18800] =	vst v6  }
0xeb: {  	v6 =	vld [tilespmem:s13+$0xB800]  }
0xec: {  	v7 =	vadd.f32 v8, v7;
	v5 =	vadd.f32 v11, v5  }
0xed: {  	v50 =	vld [tilespmem:s13+$0xC800]  }
0xee: {  	v51 =	vld [tilespmem:s12+$0x14800];
	v4 =	vadd.f32 v4, v7;
	v5 =	vadd.f32 v49, v5  }
0xef: {  	v52 =	vld [tilespmem:s13+$0xD800]  }
0xf0: {  	v53 =	vld [tilespmem:s12+$0x15800];
	v4 =	vadd.f32 v12, v4;
	v5 =	vadd.f32 v6, v5  }
0xf1: {  	v54 =	vld [tilespmem:s13+$0xE800]  }
0xf2: {  	v55 =	vld [tilespmem:s12+$0x16800];
	v4 =	vadd.f32 v13, v4;
	v5 =	vadd.f32 v50, v5  }
0xf3: {  	v56 =	vld [tilespmem:s13+$0xF800]  }
0xf4: {  	v57 =	vld [tilespmem:s12+$0x17800];
	v4 =	vadd.f32 v51, v4;
	v5 =	vadd.f32 v52, v5  }
0xf5: {  	v58 =	vld [tilespmem:s13+$0x10800]  }
0xf6: {  	v4 =	vadd.f32 v53, v4;
	v5 =	vadd.f32 v54, v5  }
0xf7: {  	v59 =	vld [tilespmem:s13+$0x11800]  }
0xf8: {  	v4 =	vadd.f32 v55, v4;
	v5 =	vadd.f32 v56, v5  }
0xf9: {  	v60 =	vld [tilespmem:s13+$0x12800]  }
0xfa: {  	v4 =	vadd.f32 v57, v4;
	v5 =	vadd.f32 v58, v5  }
0xfb: {  	v61 =	vld [tilespmem:s13+$0x13800]  }
0xfc: {  	[tilespmem:s12+$0x18800] =	vst v4;
	v4 =	vadd.f32 v59, v5  }
0xfd: {  	v5 =	vld [tilespmem:s13+$0x14800]  }
0xfe: {  	v4 =	vadd.f32 v60, v4  }
0xff: {  	v62 =	vld [tilespmem:s13+$0x15800]  }
0x100: {  	v4 =	vadd.f32 v61, v4  }
0x101: {  	v63 =	vld [tilespmem:s13+$0x16800]  }
0x102: {  	v4 =	vadd.f32 v5, v4  }
0x103: {  	v5 =	vld [tilespmem:s13+$0x17800]  }
0x104: {  	v4 =	vadd.f32 v62, v4;
	_ =	sdelay $0x1  }
0x105: {  	v4 =	vadd.f32 v63, v4;
	_ =	sdelay $0x1  }
0x106: {  	v4 =	vadd.f32 v5, v4;
	_ =	sdelay $0x1  }
0x107: {  	s0 =	simm.s32 $0x0;
	s12 =	simm.s32 $0x0;
	[tilespmem:s13+$0x18800] =	vst v4;
	s13 =	simm.s32 $0x40  }
.LBB2_8:
0x108: {  	p0 =	sne.s32 s13, $0x3FC0;
	[tilespmem:s12+$0x17800] =	vst v1  }
0x109: {  	[tilespmem:s12+$0x8800] =	vst v1  }
0x10a: {  	[tilespmem:s12+$0x9800] =	vst v1  }
0x10b: {  	[tilespmem:s12+$0xA800] =	vst v1  }
0x10c: {  	[tilespmem:s12+$0xB800] =	vst v1  }
0x10d: {  	[tilespmem:s12+$0xC800] =	vst v1  }
0x10e: {  	[tilespmem:s12+$0xD800] =	vst v1  }
0x10f: {  	[tilespmem:s12+$0xE800] =	vst v1  }
0x110: {  	[tilespmem:s12+$0xF800] =	vst v1  }
0x111: {  	[tilespmem:s12+$0x10800] =	vst v1  }
0x112: {  	[tilespmem:s12+$0x11800] =	vst v1  }
.Ltmp3:
0x113: {  	[tilespmem:s12+$0x12800] =	vst v1;
	(pc) =	sbr.rel @p0 .LBB2_8-.Ltmp3, $4  }
0x114: {  	[tilespmem:s12+$0x13800] =	vst v1  }
0x115: {  	[tilespmem:s12+$0x14800] =	vst v1  }
0x116: {  	[tilespmem:s12+$0x15800] =	vst v1  }
0x117: {  	[tilespmem:s12+$0x16800] =	vst v1;
	s12 =	sshra.s32 s13, $0x2;
	s13 =	sadd.s32 $0x40, s13  }
0x118: {  	[tilespmem:s12+$0x17800] =	vst v1  }
0x119: {  	[tilespmem:s12+$0x8800] =	vst v1  }
0x11a: {  	[tilespmem:s12+$0x9800] =	vst v1  }
0x11b: {  	[tilespmem:s12+$0xA800] =	vst v1  }
0x11c: {  	[tilespmem:s12+$0xB800] =	vst v1  }
0x11d: {  	[tilespmem:s12+$0xC800] =	vst v1  }
0x11e: {  	[tilespmem:s12+$0xD800] =	vst v1  }
0x11f: {  	[tilespmem:s12+$0xE800] =	vst v1  }
0x120: {  	[tilespmem:s12+$0xF800] =	vst v1  }
0x121: {  	[tilespmem:s12+$0x10800] =	vst v1  }
0x122: {  	[tilespmem:s12+$0x11800] =	vst v1  }
0x123: {  	[tilespmem:s12+$0x12800] =	vst v1  }
0x124: {  	[tilespmem:s12+$0x13800] =	vst v1  }
0x125: {  	[tilespmem:s12+$0x14800] =	vst v1  }
0x126: {  	[tilespmem:s12+$0x15800] =	vst v1  }
0x127: {  	[tilespmem:s12+$0x16800] =	vst v1  }
.LBB2_10:
0x128: {  	s12 =	sshra.s32 s0, $0x2  }
0x129: {  	v4 =	vld [tilespmem:s12+$0x0];
	_ =	sdelay $0x4  }
0x12a: {  	v5 =	vand.u32 $0xFFFFF000, v4  }
0x12b: {  	vm0 =	veq.s32 v5, $0x1000  }
0x12c: {  	v4 =	vadd.s32 v3, v4;
	_ =	sdelay $0x4  }
0x12d: {  	[tilespmem:v4+s10+$0x0] =	vst.idx.add.f32.msk vm0, v2  }
0x12e: {  	v4 =	vld [tilespmem:s12+$0x10];
	_ =	sdelay $0x4  }
0x12f: {  	v5 =	vand.u32 $0xFFFFF000, v4  }
0x130: {  	vm9 =	veq.s32 v5, $0x1000  }
0x131: {  	v4 =	vadd.s32 v3, v4;
	_ =	sdelay $0x4  }
0x132: {  	[tilespmem:v4+s10+$0x0] =	vst.idx.add.f32.msk vm9, v2  }
0x133: {  	v4 =	vld [tilespmem:s12+$0x20];
	_ =	sdelay $0x4  }
0x134: {  	v5 =	vand.u32 $0xFFFFF000, v4  }
0x135: {  	vm10 =	veq.s32 v5, $0x1000  }
0x136: {  	v4 =	vadd.s32 v3, v4;
	_ =	sdelay $0x4  }
0x137: {  	[tilespmem:v4+s10+$0x0] =	vst.idx.add.f32.msk vm10, v2  }
0x138: {  	v4 =	vld [tilespmem:s12+$0x30];
	_ =	sdelay $0x4  }
0x139: {  	v5 =	vand.u32 $0xFFFFF000, v4  }
0x13a: {  	vm11 =	veq.s32 v5, $0x1000  }
0x13b: {  	v4 =	vadd.s32 v3, v4;
	_ =	sdelay $0x4  }
0x13c: {  	[tilespmem:v4+s10+$0x0] =	vst.idx.add.f32.msk vm11, v2  }
0x13d: {  	v4 =	vld [tilespmem:s12+$0x40];
	_ =	sdelay $0x4  }
0x13e: {  	v5 =	vand.u32 $0xFFFFF000, v4  }
0x13f: {  	vm12 =	veq.s32 v5, $0x1000  }
0x140: {  	v4 =	vadd.s32 v3, v4;
	_ =	sdelay $0x4  }
0x141: {  	[tilespmem:v4+s10+$0x0] =	vst.idx.add.f32.msk vm12, v2  }
0x142: {  	v4 =	vld [tilespmem:s12+$0x50];
	_ =	sdelay $0x4  }
0x143: {  	v5 =	vand.u32 $0xFFFFF000, v4  }
0x144: {  	vm13 =	veq.s32 v5, $0x1000  }
0x145: {  	v4 =	vadd.s32 v3, v4;
	_ =	sdelay $0x4  }
0x146: {  	[tilespmem:v4+s10+$0x0] =	vst.idx.add.f32.msk vm13, v2  }
0x147: {  	v4 =	vld [tilespmem:s12+$0x60];
	_ =	sdelay $0x4  }
0x148: {  	v5 =	vand.u32 $0xFFFFF000, v4  }
0x149: {  	vm14 =	veq.s32 v5, $0x1000  }
0x14a: {  	v4 =	vadd.s32 v3, v4;
	_ =	sdelay $0x4  }
0x14b: {  	[tilespmem:v4+s10+$0x0] =	vst.idx.add.f32.msk vm14, v2  }
0x14c: {  	v4 =	vld [tilespmem:s12+$0x70];
	_ =	sdelay $0x4  }
0x14d: {  	v5 =	vand.u32 $0xFFFFF000, v4  }
0x14e: {  	vm15 =	veq.s32 v5, $0x1000  }
0x14f: {  	p0 =	sne.s32 s0, $0x1E00;
	v4 =	vadd.s32 v3, v4  }
.Ltmp4:
0x150: {  	_ = 	snop;
	(pc) =	sbr.rel @p0 .LBB2_10-.Ltmp4, $2  }
0x151: {  	_ =	sdelay $0x2  }
0x152: {  	s0 =	sadd.s32 $0x200, s0;
	[tilespmem:v4+s10+$0x0] =	vst.idx.add.f32.msk vm15, v2  }
0x153: {  	s0 =	simm.s32 $0x0  }
0x154: {  	v4 =	vld [tilespmem:s0+$0x8800]  }
0x155: {  	v5 =	vld [tilespmem:s0+$0x9800];
	_ =	sdelay $0x1  }
0x156: {  	v6 =	vld [tilespmem:s0+$0xA800];
	_ =	sdelay $0x1  }
0x157: {  	v7 =	vld [tilespmem:s0+$0xB800]  }
0x158: {  	v4 =	vadd.f32 v5, v4  }
0x159: {  	v5 =	vld [tilespmem:s0+$0xC800]  }
0x15a: {  	v4 =	vadd.f32 v6, v4  }
0x15b: {  	v6 =	vld [tilespmem:s0+$0xD800]  }
0x15c: {  	v4 =	vadd.f32 v7, v4  }
0x15d: {  	v7 =	vld [tilespmem:s0+$0xE800]  }
0x15e: {  	v4 =	vadd.f32 v5, v4  }
0x15f: {  	v5 =	vld [tilespmem:s0+$0xF800]  }
0x160: {  	s12 =	simm.s32 $0x10;
	v8 =	vld [tilespmem:s0+$0x10800];
	v4 =	vadd.f32 v6, v4  }
0x161: {  	v9 =	vld [tilespmem:s12+$0x8800]  }
0x162: {  	v6 =	vld [tilespmem:s0+$0x11800];
	v4 =	vadd.f32 v7, v4  }
0x163: {  	v7 =	vld [tilespmem:s12+$0x9800]  }
0x164: {  	v10 =	vld [tilespmem:s12+$0xA800];
	v4 =	vadd.f32 v5, v4  }
0x165: {  	v5 =	vld [tilespmem:s0+$0x12800]  }
0x166: {  	v11 =	vld [tilespmem:s12+$0xB800];
	v4 =	vadd.f32 v8, v4  }
0x167: {  	v8 =	vld [tilespmem:s0+$0x13800]  }
0x168: {  	v7 =	vadd.f32 v7, v9;
	v9 =	vld [tilespmem:s12+$0xC800];
	v4 =	vadd.f32 v6, v4  }
0x169: {  	v6 =	vld [tilespmem:s0+$0x14800]  }
0x16a: {  	v7 =	vadd.f32 v10, v7;
	v10 =	vld [tilespmem:s12+$0xD800];
	v4 =	vadd.f32 v5, v4  }
0x16b: {  	v5 =	vld [tilespmem:s0+$0x15800]  }
0x16c: {  	v12 =	vld [tilespmem:s12+$0xE800];
	v7 =	vadd.f32 v11, v7;
	v4 =	vadd.f32 v8, v4  }
0x16d: {  	v11 =	vld [tilespmem:s0+$0x16800]  }
0x16e: {  	v8 =	vadd.f32 v9, v7;
	v7 =	vld [tilespmem:s12+$0xF800];
	v9 =	vadd.f32 v6, v4  }
0x16f: {  	v6 =	vld [tilespmem:s0+$0x17800]  }
0x170: {  	v4 =	vld [tilespmem:s12+$0x11800];
	v10 =	vadd.f32 v10, v8;
	v13 =	vadd.f32 v5, v9  }
0x171: {  	s13 =	simm.s32 $0x20;
	v8 =	vld [tilespmem:s12+$0x10800]  }
0x172: {  	s14 =	simm.s32 $0xC0;
	v5 =	vld [tilespmem:s13+$0x8800];
	v9 =	vadd.f32 v12, v10;
	v10 =	vadd.f32 v11, v13  }
.LBB2_12:
0x173: {  	p0 =	sne.s32 s14, $0x3FC0;
	v11 =	vld [tilespmem:s13+$0x9800]  }
0x174: {  	v7 =	vadd.f32 v7, v9;
	v9 =	vld [tilespmem:s12+$0x12800];
	v6 =	vadd.f32 v6, v10  }
0x175: {  	v10 =	vld [tilespmem:s13+$0xA800]  }
0x176: {  	v7 =	vadd.f32 v8, v7;
	v8 =	vld [tilespmem:s12+$0x13800];
	[tilespmem:s0+$0x19800] =	vst v6;
	s0 =	smov.u32 s12;
	s12 =	smov.u32 s13  }
0x177: {  	v6 =	vld [tilespmem:s12+$0xB800]  }
0x178: {  	v5 =	vadd.f32 v11, v5;
	v4 =	vadd.f32 v4, v7;
	v7 =	vld [tilespmem:s0+$0x14800]  }
0x179: {  	v11 =	vld [tilespmem:s12+$0xC800]  }
0x17a: {  	v5 =	vadd.f32 v10, v5;
	v4 =	vadd.f32 v9, v4;
	v9 =	vld [tilespmem:s0+$0x15800]  }
0x17b: {  	v10 =	vld [tilespmem:s12+$0xD800]  }
0x17c: {  	v5 =	vadd.f32 v6, v5;
	v4 =	vadd.f32 v8, v4;
	v12 =	vld [tilespmem:s0+$0x16800]  }
0x17d: {  	v13 =	vld [tilespmem:s12+$0xE800]  }
.Ltmp5:
0x17e: {  	v5 =	vadd.f32 v11, v5;
	v8 =	vadd.f32 v7, v4;
	v6 =	vld [tilespmem:s0+$0x17800];
	(pc) =	sbr.rel @p0 .LBB2_12-.Ltmp5, $4  }
0x17f: {  	v7 =	vld [tilespmem:s12+$0xF800]  }
0x180: {  	v10 =	vadd.f32 v10, v5;
	v4 =	vld [tilespmem:s12+$0x11800];
	v11 =	vadd.f32 v9, v8  }
0x181: {  	s13 =	sshra.s32 s14, $0x2;
	v8 =	vld [tilespmem:s12+$0x10800]  }
0x182: {  	s14 =	sadd.s32 $0x40, s14;
	v5 =	vld [tilespmem:s13+$0x8800];
	v9 =	vadd.f32 v13, v10;
	v10 =	vadd.f32 v12, v11  }
0x183: {  	v11 =	vld [tilespmem:s13+$0x9800]  }
0x184: {  	v12 =	vld [tilespmem:s12+$0x12800];
	v6 =	vadd.f32 v6, v10  }
0x185: {  	v56 =	vld [tilespmem:s13+$0xA800]  }
0x186: {  	v13 =	vld [tilespmem:s12+$0x13800];
	v7 =	vadd.f32 v7, v9;
	[tilespmem:s0+$0x19800] =	vst v6  }
0x187: {  	v6 =	vld [tilespmem:s13+$0xB800]  }
0x188: {  	v7 =	vadd.f32 v8, v7;
	v5 =	vadd.f32 v11, v5  }
0x189: {  	v57 =	vld [tilespmem:s13+$0xC800]  }
0x18a: {  	v58 =	vld [tilespmem:s13+$0xD800];
	v4 =	vadd.f32 v4, v7;
	v5 =	vadd.f32 v56, v5  }
0x18b: {  	v7 =	vld [tilespmem:s12+$0x14800]  }
0x18c: {  	v59 =	vld [tilespmem:s12+$0x15800];
	v4 =	vadd.f32 v12, v4;
	v5 =	vadd.f32 v6, v5  }
0x18d: {  	v6 =	vld [tilespmem:s13+$0xE800]  }
0x18e: {  	v60 =	vld [tilespmem:s12+$0x16800];
	v4 =	vadd.f32 v13, v4;
	v5 =	vadd.f32 v57, v5  }
0x18f: {  	v61 =	vld [tilespmem:s13+$0xF800]  }
0x190: {  	v62 =	vld [tilespmem:s13+$0x10800];
	v4 =	vadd.f32 v7, v4;
	v5 =	vadd.f32 v58, v5  }
0x191: {  	v7 =	vld [tilespmem:s12+$0x17800]  }
0x192: {  	v4 =	vadd.f32 v59, v4;
	v5 =	vadd.f32 v6, v5  }
0x193: {  	v6 =	vld [tilespmem:s13+$0x11800]  }
0x194: {  	v4 =	vadd.f32 v60, v4;
	v5 =	vadd.f32 v61, v5  }
0x195: {  	v63 =	vld [tilespmem:s13+$0x12800]  }
0x196: {  	v4 =	vadd.f32 v7, v4;
	v5 =	vadd.f32 v62, v5  }
0x197: {  	v7 =	vld [tilespmem:s13+$0x13800]  }
0x198: {  	[tilespmem:s12+$0x19800] =	vst v4;
	v4 =	vadd.f32 v6, v5  }
0x199: {  	v5 =	vld [tilespmem:s13+$0x14800]  }
0x19a: {  	v4 =	vadd.f32 v63, v4  }
0x19b: {  	v6 =	vld [tilespmem:s13+$0x15800]  }
0x19c: {  	v4 =	vadd.f32 v7, v4  }
0x19d: {  	v7 =	vld [tilespmem:s13+$0x16800]  }
0x19e: {  	v4 =	vadd.f32 v5, v4  }
0x19f: {  	v5 =	vld [tilespmem:s13+$0x17800]  }
0x1a0: {  	v4 =	vadd.f32 v6, v4;
	_ =	sdelay $0x1  }
0x1a1: {  	v4 =	vadd.f32 v7, v4;
	_ =	sdelay $0x1  }
0x1a2: {  	v4 =	vadd.f32 v5, v4;
	_ =	sdelay $0x1  }
0x1a3: {  	s14 =	simm.s32 $0x18800;
	[tilespmem:s13+$0x19800] =	vst v4;
	s13 =	rddreg [dreg:$0x6]  }
0x1a4: {  	[spmem:s13] =	stream.linear.scatter [tilespmem:s14], [sflag:$0x2], $0x2000, $0x38;
	[tilespmem:$0x1CC00] =	vst v63  }
0x1a5: {  	_ =	swait.ge [sflag:s26], $0x2000  }
0x1a6: {  	[sflag:s26] =	ssyncset.done $0x0  }
0x1a7: {  	[sflag:s26] =	ssyncadd.s32 $0xFFFFE000  }
0x1a8: {  	[bflag:$0x0] =	sbarrier.arrive $0xFFFF  }
0x1a9: {  	[tilespmem:$0x1AA00] =	vst v1  }
0x1aa: {  	[tilespmem:$0x1AA10] =	vst v1  }
0x1ab: {  	[tilespmem:$0x1AA20] =	vst v1  }
0x1ac: {  	[tilespmem:$0x1AA30] =	vst v1  }
0x1ad: {  	[tilespmem:$0x1AA40] =	vst v1  }
0x1ae: {  	[tilespmem:$0x1AA50] =	vst v1  }
0x1af: {  	[tilespmem:$0x1AA60] =	vst v1  }
0x1b0: {  	[tilespmem:$0x1AA70] =	vst v1  }
0x1b1: {  	[tilespmem:$0x1AA80] =	vst v1  }
0x1b2: {  	[tilespmem:$0x1AA90] =	vst v1  }
0x1b3: {  	[tilespmem:$0x1AAA0] =	vst v1  }
0x1b4: {  	[tilespmem:$0x1AAB0] =	vst v1  }
0x1b5: {  	[tilespmem:$0x1AAC0] =	vst v1  }
0x1b6: {  	[tilespmem:$0x1AAD0] =	vst v1  }
0x1b7: {  	[tilespmem:$0x1AAE0] =	vst v1  }
0x1b8: {  	[tilespmem:$0x1AAF0] =	vst v1  }
0x1b9: {  	[tilespmem:$0x1AB00] =	vst v1  }
0x1ba: {  	[tilespmem:$0x1AB10] =	vst v1  }
0x1bb: {  	[tilespmem:$0x1AB20] =	vst v1  }
0x1bc: {  	[tilespmem:$0x1AB30] =	vst v1  }
0x1bd: {  	[tilespmem:$0x1AB40] =	vst v1  }
0x1be: {  	[tilespmem:$0x1AB50] =	vst v1  }
0x1bf: {  	[tilespmem:$0x1AB60] =	vst v1  }
0x1c0: {  	[tilespmem:$0x1AB70] =	vst v1  }
0x1c1: {  	[tilespmem:$0x1AB80] =	vst v1  }
0x1c2: {  	[tilespmem:$0x1AB90] =	vst v1  }
0x1c3: {  	[tilespmem:$0x1ABA0] =	vst v1  }
0x1c4: {  	[tilespmem:$0x1ABB0] =	vst v1  }
0x1c5: {  	[tilespmem:$0x1ABC0] =	vst v1  }
0x1c6: {  	[tilespmem:$0x1ABD0] =	vst v1  }
0x1c7: {  	[tilespmem:$0x1ABE0] =	vst v1  }
0x1c8: {  	[tilespmem:$0x1ABF0] =	vst v1  }
0x1c9: {  	[tilespmem:s30], [sflag:$0x2] =	stream.linear.gather [spmem:s7], $0x200, $0x38;
	[tilespmem:$0x1CC00] =	vst v63  }
0x1ca: {  	_ =	swait.ge [sflag:s26], $0x200  }
0x1cb: {  	[sflag:s26] =	ssyncset.done $0x0  }
0x1cc: {  	s0 =	simm.s32 $0x0;
	[sflag:s26] =	ssyncadd.s32 $0xFFFFFE00  }
0x1cd: {  	s12 =	simm.s32 $0x40;
	v4 =	vld [tilespmem:s0+$0x1A800]  }
.LBB2_14:
0x1ce: {  	p0 =	sne.s32 s12, $0x7C0;
	v5 =	vld [tilespmem:s0+$0x1AA00];
	_ =	sdelay $0x2  }
.Ltmp6:
0x1cf: {  	(pc) =	sbr.rel @p0 .LBB2_14-.Ltmp6, $4  }
0x1d0: {  	_ = 	snop  }
0x1d1: {  	v5 =	vadd.f32 v4, v5  }
0x1d2: {  	s13 =	sshra.s32 s12, $0x2  }
0x1d3: {  	s12 =	sadd.s32 $0x40, s12;
	v4 =	vld [tilespmem:s13+$0x1A800];
	[tilespmem:s0+$0x1AA00] =	vst v5;
	s0 =	smov.u32 s13  }
0x1d4: {  	v5 =	vld [tilespmem:s0+$0x1AA00];
	_ =	sdelay $0x4  }
0x1d5: {  	v4 =	vadd.f32 v4, v5;
	_ =	sdelay $0x1  }
0x1d6: {  	s14 =	rddreg [dreg:$0x7];
	[tilespmem:s0+$0x1AA00] =	vst v4  }
0x1d7: {  	[tilespmem:s30], [sflag:$0x2] =	stream.linear.gather [spmem:s14], $0x200, $0x38;
	[tilespmem:$0x1CC00] =	vst v63  }
0x1d8: {  	_ =	swait.ge [sflag:s26], $0x200  }
0x1d9: {  	[sflag:s26] =	ssyncset.done $0x0  }
0x1da: {  	s0 =	simm.s32 $0x0;
	[sflag:s26] =	ssyncadd.s32 $0xFFFFFE00  }
0x1db: {  	s12 =	simm.s32 $0x40;
	v4 =	vld [tilespmem:s0+$0x1A800]  }
.LBB2_16:
0x1dc: {  	p0 =	sne.s32 s12, $0x7C0;
	v5 =	vld [tilespmem:s0+$0x1AA00];
	_ =	sdelay $0x2  }
.Ltmp7:
0x1dd: {  	(pc) =	sbr.rel @p0 .LBB2_16-.Ltmp7, $4  }
0x1de: {  	_ = 	snop  }
0x1df: {  	v5 =	vadd.f32 v4, v5  }
0x1e0: {  	s13 =	sshra.s32 s12, $0x2  }
0x1e1: {  	s12 =	sadd.s32 $0x40, s12;
	v4 =	vld [tilespmem:s13+$0x1A800];
	[tilespmem:s0+$0x1AA00] =	vst v5;
	s0 =	smov.u32 s13  }
0x1e2: {  	v5 =	vld [tilespmem:s0+$0x1AA00];
	_ =	sdelay $0x4  }
0x1e3: {  	v4 =	vadd.f32 v4, v5;
	_ =	sdelay $0x1  }
0x1e4: {  	s14 =	rddreg [dreg:$0x8];
	[tilespmem:s0+$0x1AA00] =	vst v4  }
0x1e5: {  	[tilespmem:s30], [sflag:$0x2] =	stream.linear.gather [spmem:s14], $0x200, $0x38;
	[tilespmem:$0x1CC00] =	vst v63  }
0x1e6: {  	_ =	swait.ge [sflag:s26], $0x200  }
0x1e7: {  	[sflag:s26] =	ssyncset.done $0x0  }
0x1e8: {  	s0 =	simm.s32 $0x0;
	[sflag:s26] =	ssyncadd.s32 $0xFFFFFE00  }
0x1e9: {  	s12 =	simm.s32 $0x40;
	v4 =	vld [tilespmem:s0+$0x1A800]  }
.LBB2_18:
0x1ea: {  	p0 =	sne.s32 s12, $0x7C0;
	v5 =	vld [tilespmem:s0+$0x1AA00];
	_ =	sdelay $0x2  }
.Ltmp8:
0x1eb: {  	(pc) =	sbr.rel @p0 .LBB2_18-.Ltmp8, $4  }
0x1ec: {  	_ = 	snop  }
0x1ed: {  	v5 =	vadd.f32 v4, v5  }
0x1ee: {  	s13 =	sshra.s32 s12, $0x2  }
0x1ef: {  	s12 =	sadd.s32 $0x40, s12;
	v4 =	vld [tilespmem:s13+$0x1A800];
	[tilespmem:s0+$0x1AA00] =	vst v5;
	s0 =	smov.u32 s13  }
0x1f0: {  	v5 =	vld [tilespmem:s0+$0x1AA00];
	_ =	sdelay $0x4  }
0x1f1: {  	v4 =	vadd.f32 v4, v5;
	_ =	sdelay $0x1  }
0x1f2: {  	s14 =	rddreg [dreg:$0x9];
	[tilespmem:s0+$0x1AA00] =	vst v4  }
0x1f3: {  	[tilespmem:s30], [sflag:$0x2] =	stream.linear.gather [spmem:s14], $0x200, $0x38;
	[tilespmem:$0x1CC00] =	vst v63  }
0x1f4: {  	_ =	swait.ge [sflag:s26], $0x200  }
0x1f5: {  	[sflag:s26] =	ssyncset.done $0x0  }
0x1f6: {  	s0 =	simm.s32 $0x0;
	[sflag:s26] =	ssyncadd.s32 $0xFFFFFE00  }
0x1f7: {  	s12 =	simm.s32 $0x40;
	v4 =	vld [tilespmem:s0+$0x1A800]  }
.LBB2_20:
0x1f8: {  	p0 =	sne.s32 s12, $0x7C0;
	v5 =	vld [tilespmem:s0+$0x1AA00];
	_ =	sdelay $0x2  }
.Ltmp9:
0x1f9: {  	(pc) =	sbr.rel @p0 .LBB2_20-.Ltmp9, $4  }
0x1fa: {  	_ = 	snop  }
0x1fb: {  	v5 =	vadd.f32 v4, v5  }
0x1fc: {  	s13 =	sshra.s32 s12, $0x2  }
0x1fd: {  	s12 =	sadd.s32 $0x40, s12;
	v4 =	vld [tilespmem:s13+$0x1A800];
	[tilespmem:s0+$0x1AA00] =	vst v5;
	s0 =	smov.u32 s13  }
0x1fe: {  	v5 =	vld [tilespmem:s0+$0x1AA00];
	_ =	sdelay $0x4  }
0x1ff: {  	v4 =	vadd.f32 v4, v5;
	_ =	sdelay $0x1  }
0x200: {  	s14 =	rddreg [dreg:$0xa];
	[tilespmem:s0+$0x1AA00] =	vst v4  }
0x201: {  	[tilespmem:s30], [sflag:$0x2] =	stream.linear.gather [spmem:s14], $0x200, $0x38;
	[tilespmem:$0x1CC00] =	vst v63  }
0x202: {  	_ =	swait.ge [sflag:s26], $0x200  }
0x203: {  	[sflag:s26] =	ssyncset.done $0x0  }
0x204: {  	s0 =	simm.s32 $0x0;
	[sflag:s26] =	ssyncadd.s32 $0xFFFFFE00  }
0x205: {  	s12 =	simm.s32 $0x40;
	v4 =	vld [tilespmem:s0+$0x1A800]  }
.LBB2_22:
0x206: {  	p0 =	sne.s32 s12, $0x7C0;
	v5 =	vld [tilespmem:s0+$0x1AA00];
	_ =	sdelay $0x2  }
.Ltmp10:
0x207: {  	(pc) =	sbr.rel @p0 .LBB2_22-.Ltmp10, $4  }
0x208: {  	_ = 	snop  }
0x209: {  	v5 =	vadd.f32 v4, v5  }
0x20a: {  	s13 =	sshra.s32 s12, $0x2  }
0x20b: {  	s12 =	sadd.s32 $0x40, s12;
	v4 =	vld [tilespmem:s13+$0x1A800];
	[tilespmem:s0+$0x1AA00] =	vst v5;
	s0 =	smov.u32 s13  }
0x20c: {  	v5 =	vld [tilespmem:s0+$0x1AA00];
	_ =	sdelay $0x4  }
0x20d: {  	v4 =	vadd.f32 v4, v5;
	_ =	sdelay $0x1  }
0x20e: {  	s14 =	rddreg [dreg:$0xb];
	[tilespmem:s0+$0x1AA00] =	vst v4  }
0x20f: {  	[tilespmem:s30], [sflag:$0x2] =	stream.linear.gather [spmem:s14], $0x200, $0x38;
	[tilespmem:$0x1CC00] =	vst v63  }
0x210: {  	_ =	swait.ge [sflag:s26], $0x200  }
0x211: {  	[sflag:s26] =	ssyncset.done $0x0  }
0x212: {  	s0 =	simm.s32 $0x0;
	[sflag:s26] =	ssyncadd.s32 $0xFFFFFE00  }
0x213: {  	s12 =	simm.s32 $0x40;
	v4 =	vld [tilespmem:s0+$0x1A800]  }
.LBB2_24:
0x214: {  	p0 =	sne.s32 s12, $0x7C0;
	v5 =	vld [tilespmem:s0+$0x1AA00];
	_ =	sdelay $0x2  }
.Ltmp11:
0x215: {  	(pc) =	sbr.rel @p0 .LBB2_24-.Ltmp11, $4  }
0x216: {  	_ = 	snop  }
0x217: {  	v5 =	vadd.f32 v4, v5  }
0x218: {  	s13 =	sshra.s32 s12, $0x2  }
0x219: {  	s12 =	sadd.s32 $0x40, s12;
	v4 =	vld [tilespmem:s13+$0x1A800];
	[tilespmem:s0+$0x1AA00] =	vst v5;
	s0 =	smov.u32 s13  }
0x21a: {  	v5 =	vld [tilespmem:s0+$0x1AA00];
	_ =	sdelay $0x4  }
0x21b: {  	v4 =	vadd.f32 v4, v5;
	_ =	sdelay $0x1  }
0x21c: {  	s14 =	rddreg [dreg:$0xc];
	[tilespmem:s0+$0x1AA00] =	vst v4  }
0x21d: {  	[tilespmem:s30], [sflag:$0x2] =	stream.linear.gather [spmem:s14], $0x200, $0x38;
	[tilespmem:$0x1CC00] =	vst v63  }
0x21e: {  	_ =	swait.ge [sflag:s26], $0x200  }
0x21f: {  	[sflag:s26] =	ssyncset.done $0x0  }
0x220: {  	s0 =	simm.s32 $0x0;
	[sflag:s26] =	ssyncadd.s32 $0xFFFFFE00  }
0x221: {  	s12 =	simm.s32 $0x40;
	v4 =	vld [tilespmem:s0+$0x1A800]  }
.LBB2_26:
0x222: {  	p0 =	sne.s32 s12, $0x7C0;
	v5 =	vld [tilespmem:s0+$0x1AA00];
	_ =	sdelay $0x2  }
.Ltmp12:
0x223: {  	(pc) =	sbr.rel @p0 .LBB2_26-.Ltmp12, $4  }
0x224: {  	_ = 	snop  }
0x225: {  	v5 =	vadd.f32 v4, v5  }
0x226: {  	s13 =	sshra.s32 s12, $0x2  }
0x227: {  	s12 =	sadd.s32 $0x40, s12;
	v4 =	vld [tilespmem:s13+$0x1A800];
	[tilespmem:s0+$0x1AA00] =	vst v5;
	s0 =	smov.u32 s13  }
0x228: {  	v5 =	vld [tilespmem:s0+$0x1AA00];
	_ =	sdelay $0x4  }
0x229: {  	v4 =	vadd.f32 v4, v5;
	_ =	sdelay $0x1  }
0x22a: {  	[tilespmem:s0+$0x1AA00] =	vst v4  }
0x22b: {  	[tilespmem:s30], [sflag:$0x2] =	stream.linear.gather [spmem:s15], $0x200, $0x38;
	[tilespmem:$0x1CC00] =	vst v63  }
0x22c: {  	_ =	swait.ge [sflag:s26], $0x200  }
0x22d: {  	[sflag:s26] =	ssyncset.done $0x0  }
0x22e: {  	s0 =	simm.s32 $0x0;
	[sflag:s26] =	ssyncadd.s32 $0xFFFFFE00  }
0x22f: {  	s12 =	simm.s32 $0x40;
	v4 =	vld [tilespmem:s0+$0x1A800]  }
.LBB2_28:
0x230: {  	p0 =	sne.s32 s12, $0x7C0;
	v5 =	vld [tilespmem:s0+$0x1AA00];
	_ =	sdelay $0x2  }
.Ltmp13:
0x231: {  	(pc) =	sbr.rel @p0 .LBB2_28-.Ltmp13, $4  }
0x232: {  	_ = 	snop  }
0x233: {  	v5 =	vadd.f32 v4, v5  }
0x234: {  	s13 =	sshra.s32 s12, $0x2  }
0x235: {  	s12 =	sadd.s32 $0x40, s12;
	v4 =	vld [tilespmem:s13+$0x1A800];
	[tilespmem:s0+$0x1AA00] =	vst v5;
	s0 =	smov.u32 s13  }
0x236: {  	v5 =	vld [tilespmem:s0+$0x1AA00];
	_ =	sdelay $0x4  }
0x237: {  	v4 =	vadd.f32 v4, v5;
	_ =	sdelay $0x1  }
0x238: {  	[tilespmem:s0+$0x1AA00] =	vst v4  }
0x239: {  	[tilespmem:s30], [sflag:$0x2] =	stream.linear.gather [spmem:s16], $0x200, $0x38;
	[tilespmem:$0x1CC00] =	vst v63  }
0x23a: {  	_ =	swait.ge [sflag:s26], $0x200  }
0x23b: {  	[sflag:s26] =	ssyncset.done $0x0  }
0x23c: {  	s0 =	simm.s32 $0x0;
	[sflag:s26] =	ssyncadd.s32 $0xFFFFFE00  }
0x23d: {  	s12 =	simm.s32 $0x40;
	v4 =	vld [tilespmem:s0+$0x1A800]  }
.LBB2_30:
0x23e: {  	p0 =	sne.s32 s12, $0x7C0;
	v5 =	vld [tilespmem:s0+$0x1AA00];
	_ =	sdelay $0x2  }
.Ltmp14:
0x23f: {  	(pc) =	sbr.rel @p0 .LBB2_30-.Ltmp14, $4  }
0x240: {  	_ = 	snop  }
0x241: {  	v5 =	vadd.f32 v4, v5  }
0x242: {  	s13 =	sshra.s32 s12, $0x2  }
0x243: {  	s12 =	sadd.s32 $0x40, s12;
	v4 =	vld [tilespmem:s13+$0x1A800];
	[tilespmem:s0+$0x1AA00] =	vst v5;
	s0 =	smov.u32 s13  }
0x244: {  	v5 =	vld [tilespmem:s0+$0x1AA00];
	_ =	sdelay $0x4  }
0x245: {  	v4 =	vadd.f32 v4, v5;
	_ =	sdelay $0x1  }
0x246: {  	[tilespmem:s0+$0x1AA00] =	vst v4  }
0x247: {  	[tilespmem:s30], [sflag:$0x2] =	stream.linear.gather [spmem:s17], $0x200, $0x38;
	[tilespmem:$0x1CC00] =	vst v63  }
0x248: {  	_ =	swait.ge [sflag:s26], $0x200  }
0x249: {  	[sflag:s26] =	ssyncset.done $0x0  }
0x24a: {  	s0 =	simm.s32 $0x0;
	[sflag:s26] =	ssyncadd.s32 $0xFFFFFE00  }
0x24b: {  	s12 =	simm.s32 $0x40;
	v4 =	vld [tilespmem:s0+$0x1A800]  }
.LBB2_32:
0x24c: {  	p0 =	sne.s32 s12, $0x7C0;
	v5 =	vld [tilespmem:s0+$0x1AA00];
	_ =	sdelay $0x2  }
.Ltmp15:
0x24d: {  	(pc) =	sbr.rel @p0 .LBB2_32-.Ltmp15, $4  }
0x24e: {  	_ = 	snop  }
0x24f: {  	v5 =	vadd.f32 v4, v5  }
0x250: {  	s13 =	sshra.s32 s12, $0x2  }
0x251: {  	s12 =	sadd.s32 $0x40, s12;
	v4 =	vld [tilespmem:s13+$0x1A800];
	[tilespmem:s0+$0x1AA00] =	vst v5;
	s0 =	smov.u32 s13  }
0x252: {  	v5 =	vld [tilespmem:s0+$0x1AA00];
	_ =	sdelay $0x4  }
0x253: {  	v4 =	vadd.f32 v4, v5;
	_ =	sdelay $0x1  }
0x254: {  	[tilespmem:s0+$0x1AA00] =	vst v4  }
0x255: {  	[tilespmem:s30], [sflag:$0x2] =	stream.linear.gather [spmem:s18], $0x200, $0x38;
	[tilespmem:$0x1CC00] =	vst v63  }
0x256: {  	_ =	swait.ge [sflag:s26], $0x200  }
0x257: {  	[sflag:s26] =	ssyncset.done $0x0  }
0x258: {  	s0 =	simm.s32 $0x0;
	[sflag:s26] =	ssyncadd.s32 $0xFFFFFE00  }
0x259: {  	s12 =	simm.s32 $0x40;
	v4 =	vld [tilespmem:s0+$0x1A800]  }
.LBB2_34:
0x25a: {  	p0 =	sne.s32 s12, $0x7C0;
	v5 =	vld [tilespmem:s0+$0x1AA00];
	_ =	sdelay $0x2  }
.Ltmp16:
0x25b: {  	(pc) =	sbr.rel @p0 .LBB2_34-.Ltmp16, $4  }
0x25c: {  	_ = 	snop  }
0x25d: {  	v5 =	vadd.f32 v4, v5  }
0x25e: {  	s13 =	sshra.s32 s12, $0x2  }
0x25f: {  	s12 =	sadd.s32 $0x40, s12;
	v4 =	vld [tilespmem:s13+$0x1A800];
	[tilespmem:s0+$0x1AA00] =	vst v5;
	s0 =	smov.u32 s13  }
0x260: {  	v5 =	vld [tilespmem:s0+$0x1AA00];
	_ =	sdelay $0x4  }
0x261: {  	v4 =	vadd.f32 v4, v5;
	_ =	sdelay $0x1  }
0x262: {  	[tilespmem:s0+$0x1AA00] =	vst v4  }
0x263: {  	[tilespmem:s30], [sflag:$0x2] =	stream.linear.gather [spmem:s19], $0x200, $0x38;
	[tilespmem:$0x1CC00] =	vst v63  }
0x264: {  	_ =	swait.ge [sflag:s26], $0x200  }
0x265: {  	[sflag:s26] =	ssyncset.done $0x0  }
0x266: {  	s0 =	simm.s32 $0x0;
	[sflag:s26] =	ssyncadd.s32 $0xFFFFFE00  }
0x267: {  	s12 =	simm.s32 $0x40;
	v4 =	vld [tilespmem:s0+$0x1A800]  }
.LBB2_36:
0x268: {  	p0 =	sne.s32 s12, $0x7C0;
	v5 =	vld [tilespmem:s0+$0x1AA00];
	_ =	sdelay $0x2  }
.Ltmp17:
0x269: {  	(pc) =	sbr.rel @p0 .LBB2_36-.Ltmp17, $4  }
0x26a: {  	_ = 	snop  }
0x26b: {  	v5 =	vadd.f32 v4, v5  }
0x26c: {  	s13 =	sshra.s32 s12, $0x2  }
0x26d: {  	s12 =	sadd.s32 $0x40, s12;
	v4 =	vld [tilespmem:s13+$0x1A800];
	[tilespmem:s0+$0x1AA00] =	vst v5;
	s0 =	smov.u32 s13  }
0x26e: {  	v5 =	vld [tilespmem:s0+$0x1AA00];
	_ =	sdelay $0x4  }
0x26f: {  	v4 =	vadd.f32 v4, v5;
	_ =	sdelay $0x1  }
0x270: {  	[tilespmem:s0+$0x1AA00] =	vst v4  }
0x271: {  	[tilespmem:s30], [sflag:$0x2] =	stream.linear.gather [spmem:s20], $0x200, $0x38;
	[tilespmem:$0x1CC00] =	vst v63  }
0x272: {  	_ =	swait.ge [sflag:s26], $0x200  }
0x273: {  	[sflag:s26] =	ssyncset.done $0x0  }
0x274: {  	s0 =	simm.s32 $0x0;
	[sflag:s26] =	ssyncadd.s32 $0xFFFFFE00  }
0x275: {  	s12 =	simm.s32 $0x40;
	v4 =	vld [tilespmem:s0+$0x1A800]  }
.LBB2_38:
0x276: {  	p0 =	sne.s32 s12, $0x7C0;
	v5 =	vld [tilespmem:s0+$0x1AA00];
	_ =	sdelay $0x2  }
.Ltmp18:
0x277: {  	(pc) =	sbr.rel @p0 .LBB2_38-.Ltmp18, $4  }
0x278: {  	_ = 	snop  }
0x279: {  	v5 =	vadd.f32 v4, v5  }
0x27a: {  	s13 =	sshra.s32 s12, $0x2  }
0x27b: {  	s12 =	sadd.s32 $0x40, s12;
	v4 =	vld [tilespmem:s13+$0x1A800];
	[tilespmem:s0+$0x1AA00] =	vst v5;
	s0 =	smov.u32 s13  }
0x27c: {  	v5 =	vld [tilespmem:s0+$0x1AA00];
	_ =	sdelay $0x4  }
0x27d: {  	v4 =	vadd.f32 v4, v5;
	_ =	sdelay $0x1  }
0x27e: {  	[tilespmem:s0+$0x1AA00] =	vst v4  }
0x27f: {  	[tilespmem:s30], [sflag:$0x2] =	stream.linear.gather [spmem:s21], $0x200, $0x38;
	[tilespmem:$0x1CC00] =	vst v63  }
0x280: {  	_ =	swait.ge [sflag:s26], $0x200  }
0x281: {  	[sflag:s26] =	ssyncset.done $0x0  }
0x282: {  	s0 =	simm.s32 $0x0;
	[sflag:s26] =	ssyncadd.s32 $0xFFFFFE00  }
0x283: {  	s12 =	simm.s32 $0x40;
	v4 =	vld [tilespmem:s0+$0x1A800]  }
.LBB2_40:
0x284: {  	p0 =	sne.s32 s12, $0x7C0;
	v5 =	vld [tilespmem:s0+$0x1AA00];
	_ =	sdelay $0x2  }
.Ltmp19:
0x285: {  	(pc) =	sbr.rel @p0 .LBB2_40-.Ltmp19, $4  }
0x286: {  	_ = 	snop  }
0x287: {  	v5 =	vadd.f32 v4, v5  }
0x288: {  	s13 =	sshra.s32 s12, $0x2  }
0x289: {  	s12 =	sadd.s32 $0x40, s12;
	v4 =	vld [tilespmem:s13+$0x1A800];
	[tilespmem:s0+$0x1AA00] =	vst v5;
	s0 =	smov.u32 s13  }
0x28a: {  	v5 =	vld [tilespmem:s0+$0x1AA00];
	_ =	sdelay $0x4  }
0x28b: {  	v4 =	vadd.f32 v4, v5;
	_ =	sdelay $0x1  }
0x28c: {  	[tilespmem:s0+$0x1AA00] =	vst v4  }
0x28d: {  	[tilespmem:s30], [sflag:$0x2] =	stream.linear.gather [spmem:s22], $0x200, $0x38;
	[tilespmem:$0x1CC00] =	vst v63  }
0x28e: {  	_ =	swait.ge [sflag:s26], $0x200  }
0x28f: {  	[sflag:s26] =	ssyncset.done $0x0  }
0x290: {  	s0 =	simm.s32 $0x0;
	[sflag:s26] =	ssyncadd.s32 $0xFFFFFE00  }
0x291: {  	s12 =	simm.s32 $0x40;
	v4 =	vld [tilespmem:s0+$0x1A800]  }
.LBB2_42:
0x292: {  	p0 =	sne.s32 s12, $0x7C0;
	v5 =	vld [tilespmem:s0+$0x1AA00];
	_ =	sdelay $0x2  }
.Ltmp20:
0x293: {  	(pc) =	sbr.rel @p0 .LBB2_42-.Ltmp20, $4  }
0x294: {  	_ = 	snop  }
0x295: {  	v5 =	vadd.f32 v4, v5  }
0x296: {  	s13 =	sshra.s32 s12, $0x2  }
0x297: {  	s12 =	sadd.s32 $0x40, s12;
	v4 =	vld [tilespmem:s13+$0x1A800];
	[tilespmem:s0+$0x1AA00] =	vst v5;
	s0 =	smov.u32 s13  }
0x298: {  	v5 =	vld [tilespmem:s0+$0x1AA00];
	_ =	sdelay $0x4  }
0x299: {  	v4 =	vadd.f32 v4, v5;
	_ =	sdelay $0x1  }
0x29a: {  	[tilespmem:s0+$0x1AA00] =	vst v4  }
0x29b: {  	[tilespmem:s30], [sflag:$0x2] =	stream.linear.gather [spmem:s23], $0x200, $0x38;
	[tilespmem:$0x1CC00] =	vst v63  }
0x29c: {  	_ =	swait.ge [sflag:s26], $0x200  }
0x29d: {  	[sflag:s26] =	ssyncset.done $0x0  }
0x29e: {  	s0 =	simm.s32 $0x0;
	[sflag:s26] =	ssyncadd.s32 $0xFFFFFE00  }
0x29f: {  	s12 =	simm.s32 $0x40;
	v4 =	vld [tilespmem:s0+$0x1A800]  }
.LBB2_44:
0x2a0: {  	p0 =	sne.s32 s12, $0x7C0;
	v5 =	vld [tilespmem:s0+$0x1AA00];
	_ =	sdelay $0x2  }
.Ltmp21:
0x2a1: {  	(pc) =	sbr.rel @p0 .LBB2_44-.Ltmp21, $4  }
0x2a2: {  	_ = 	snop  }
0x2a3: {  	v5 =	vadd.f32 v4, v5  }
0x2a4: {  	s13 =	sshra.s32 s12, $0x2  }
0x2a5: {  	s12 =	sadd.s32 $0x40, s12;
	v4 =	vld [tilespmem:s13+$0x1A800];
	[tilespmem:s0+$0x1AA00] =	vst v5;
	s0 =	smov.u32 s13  }
0x2a6: {  	v5 =	vld [tilespmem:s0+$0x1AA00];
	_ =	sdelay $0x4  }
0x2a7: {  	s11 =	sadd.s32 $0x1, s11;
	v4 =	vadd.f32 v4, v5  }
0x2a8: {  	p0 =	sne.s32 s11, s25  }
.Ltmp22:
0x2a9: {  	s14 =	simm.s32 $0x1AA00;
	[tilespmem:s0+$0x1AA00] =	vst v4;
	(pc) =	sbr.rel @p0 .LBB2_1-.Ltmp22, $4  }
0x2aa: {  	[hbm4b:s24+s2] =	stream.linear.scatter [tilespmem:s14], [sflag:$0x2], $0x200, $0x38;
	[tilespmem:$0x1CC00] =	vst v63  }
0x2ab: {  	_ =	swait.ge [sflag:s26], $0x200  }
0x2ac: {  	[sflag:s26] =	ssyncset.done $0x0  }
0x2ad: {  	[sflag:s26] =	ssyncadd.s32 $0xFFFFFE00  }
0x2ae: {  	_ =	sfence.sel $0x180000  }
0x2af: {  	[bflag:$0x0] =	sbarrier.arrive $0xFFFF  }
0x2b0: {  	_ =	strace $0x90000047  }
0x2b1: {  	s0 =	stileid.u32;
	[bflag:$0x2] =	sbarrier.arrive $0xFFFF  }
0x2b2: {  	p0 =	sne.s32 s0, $0x0;
	s0 =	rddreg [dreg:$0x3]  }
0x2b3: {  	s0 =	sadd.s32 @!p0 $0x100000, s0  }
0x2b4: {  	[sflag:s0] =	ssyncadd.tile.s32 @!p0 $0x1;
	_ =	shalt  }
.Lfunc_end2:
_tile_overlayer_lowered:
.L_overlay_start_2:
0x2b5: {  	(tag) =	ssettag $0x2  }
0x2b6: {  	s0 =	rddreg [dreg:$0x0];
	s2 =	stileid.u32  }
0x2b7: {  	s1 =	rddreg [dreg:$0x1];
	p0 =	sne.s32 s2, $0x0  }
0x2b8: {  	s3 =	rddreg [dreg:$0x2];
	[bflag:$0x3] =	sbarrier.arrive $0xFFFF;
	s2 =	simm.s32 @!p0 $0x1C02  }
0x2b9: {  	[timem:s3], [sflag:s2] =	dma.local @!p0 [hbm:s0], s1  }
0x2ba: {  	s0 =	simm.s32 @!p0 $0x2  }
0x2bb: {  	_ =	swait.ge @!p0 [sflag:s0], s1  }
0x2bc: {  	s1 =	ssub.s32 @!p0 $0x0, s1;
	[sflag:s0] =	ssyncset.done @!p0 $0x0  }
0x2bd: {  	[sflag:s0] =	ssyncadd.s32 @!p0 s1  }
0x2be: {  	[bflag:$0x3] =	sbarrier.arrive $0xFFFF  }
0x2bf: {  	_ =	shalt  }

</sc_bundles>
